<compile_context>
chip_gen: v7x
topology: tpu7x:2x2x1
jax: 0.10.2.dev20260603
libtpu: 0.0.44.dev20260713+nightly
codegen_flags: <defaults>
</compile_context>

<pallas_src>
import jax
import jax.numpy as jnp
from jax import lax
from jax.experimental import pallas as pl
from jax.experimental.pallas import tpu as pltpu
from jax.experimental.pallas import tpu_sc as plsc

H = 512
W = 512
NPATH = 7
NB = 11
LANES = 16
NPROB = 8 * 2 * NPATH
BROWS = 24
DOFF = 3
BIG = 1e30



def _gm_body(x_ref, out_ref):
    xb = x_ref[0]
    gray = 0.2989 * xb[0] + 0.587 * xb[1] + 0.114 * xb[2]
    zr = jnp.zeros((1, W), jnp.float32)
    zc = jnp.zeros((H, 1), jnp.float32)
    up = jnp.concatenate([gray[1:], zr], axis=0)
    dn = jnp.concatenate([zr, gray[:-1]], axis=0)
    s = dn + 2.0 * gray + up
    gx = (jnp.concatenate([s[:, 1:], zc], axis=1)
          - jnp.concatenate([zc, s[:, :-1]], axis=1))
    d = (jnp.concatenate([gray[:, 1:], zc], axis=1) + 2.0 * gray
         + jnp.concatenate([zc, gray[:, :-1]], axis=1))
    gy = (jnp.concatenate([d[1:], zr], axis=0)
          - jnp.concatenate([zr, d[:-1]], axis=0))
    gm = jnp.sqrt(gx * gx + gy * gy + 1e-8)
    gmt = gm.T
    for p in range(NPATH):
        c0 = 64 * p + 56
        out_ref[0, 0, p] = gm[c0:c0 + BROWS, :]
        out_ref[0, 1, p] = gmt[c0:c0 + BROWS, :]


def _gradient_map_pallas(x):
    return pl.pallas_call(
        _gm_body,
        grid=(8,),
        in_specs=[pl.BlockSpec((1, 3, H, W), lambda b: (b, 0, 0, 0))],
        out_specs=pl.BlockSpec((1, 2, NPATH, BROWS, W),
                               lambda b: (b, 0, 0, 0, 0)),
        out_shape=jax.ShapeDtypeStruct((8, 2, NPATH, BROWS, W), jnp.float32),
    )(x)



NWAY = 4


def _sc_body(g2_hbm, out_hbm, band0, band1, band2, band3, dec, pos):
    bands = [band0, band1, band2, band3]
    wid = lax.axis_index("s") * 2 + lax.axis_index("c")
    iota = lax.iota(jnp.int32, LANES)
    lane_ok = iota < NB
    iota_d = iota + DOFF
    jl = jnp.maximum(iota - 1, 0)
    jr = jnp.minimum(iota + 1, LANES - 1)
    zero16 = jnp.zeros((LANES,), jnp.int32)
    lane0 = iota == 0

    pids = [wid + 32 * k for k in range(NWAY)]
    r0s = []
    for k in range(NWAY):
        pid = jnp.minimum(pids[k], NPROB - 1)
        b = pid // 14
        t = pid - 14 * b
        orient = jnp.where(t < NPATH, 1, 0)
        p = lax.rem(t, NPATH)
        r0s.append(64 * p + 59)
        pltpu.sync_copy(g2_hbm.at[b, orient, p, :, :], bands[k])

    def g_load(k, l):
        return plsc.load_gather(bands[k], [iota_d, l + zero16])

    c0s = tuple(jnp.where(lane_ok, -g_load(k, 0), BIG) for k in range(NWAY))

    def fwd(l, cs):
        cns = []
        for k in range(NWAY):
            c = cs[k]
            lv = c.at[jl].get(mode="promise_in_bounds")
            rv = c.at[jr].get(mode="promise_in_bounds")
            isl = jnp.logical_and(lv <= c, lv <= rv)
            isc = jnp.logical_and(jnp.logical_not(isl), c <= rv)
            jp = jnp.where(isl, jl, jnp.where(isc, iota, jr))
            m = jnp.where(isl, lv, jnp.where(isc, c, rv))
            cns.append(jnp.where(lane_ok, m - g_load(k, l), BIG))
            dec[pl.ds((k * H + l) * LANES, LANES)] = jp
        return tuple(cns)

    cfins = lax.fori_loop(1, H, fwd, c0s, unroll=4)

    idx0s = []
    for k in range(NWAY):
        mn = jnp.min(cfins[k])
        idx0 = plsc.all_reduce_ffs(cfins[k] == mn)
        idx0s.append(idx0 + zero16)

    def back(i2, idxvs):
        l = (H - 1) - i2
        nxt = []
        for k in range(NWAY):
            idxv = idxvs[k]
            plsc.store_scatter(pos, [k * H + l + zero16], idxv + r0s[k],
                               mask=lane0)
            nxt.append(plsc.load_gather(dec, [(k * H + l) * LANES + idxv]))
        return tuple(nxt)

    lax.fori_loop(0, H, back, tuple(idx0s), unroll=4)

    for k in range(NWAY):
        @pl.when(pids[k] < NPROB)
        def _():
            pltpu.sync_copy(pos.at[pl.ds(k * H, H)],
                            out_hbm.at[pl.ds(pids[k] * H, H)])


def _paths_sparsecore(g2):
    mesh = plsc.VectorSubcoreMesh(core_axis_name="c", subcore_axis_name="s")
    return pl.kernel(
        _sc_body,
        mesh=mesh,
        compiler_params=pltpu.CompilerParams(needs_layout_passes=False),
        out_type=jax.ShapeDtypeStruct((NPROB * H,), jnp.int32),
        scratch_types=(
            [pltpu.VMEM((BROWS, W), jnp.float32) for _ in range(NWAY)]
            + [pltpu.VMEM((NWAY * H * LANES,), jnp.int32),
               pltpu.VMEM((NWAY * H,), jnp.int32)]
        ),
    )(g2)



def _label_body(pos_ref, out_ref):
    pb = pos_ref[0]
    col = lax.broadcasted_iota(jnp.int32, (H, W), 1)
    row = lax.broadcasted_iota(jnp.int32, (H, W), 0)
    acc = jnp.zeros((H, W), jnp.int32)
    for p in range(NPATH):
        acc = acc + (col >= pb[p][:, None]).astype(jnp.int32)
        acc = acc + 8 * (row >= pb[NPATH + p][None, :]).astype(jnp.int32)
    out_ref[0] = acc


def _labels_pallas(pos):
    return pl.pallas_call(
        _label_body,
        grid=(8,),
        in_specs=[pl.BlockSpec((1, 14, H), lambda b: (b, 0, 0))],
        out_specs=pl.BlockSpec((1, H, W), lambda b: (b, 0, 0)),
        out_shape=jax.ShapeDtypeStruct((8, H, W), jnp.int32),
    )(pos)


def kernel(x):
    g2 = _gradient_map_pallas(x)
    pos = _paths_sparsecore(g2).reshape(8, 14, H)
    return _labels_pallas(pos)

# --- scband reference (transcript-rebuilt; emitter-appended) ---
"""Pipeline reference for scband-boundary-path-finder-5093831213734 (READ-ONLY COPY).

The authoritative reference and input builder live on the scoring server;
editing this copy changes nothing except your own understanding.
"""

import jax, jax.numpy as jnp
import numpy as np

NUM_SEG_ROW = 8
NUM_SEG_COL = 8
H = 512
W = 512
BAND = 5


def setup_inputs(seed: int = 0) -> dict:
    key = jax.random.key(seed)
    x = jax.random.uniform(key, (8, 3, H, W), dtype=jnp.float32)
    return {"x": x}


def _gradient_map(x):
    w = jnp.array([0.2989, 0.587, 0.114], dtype=jnp.float32)
    gray = (x * w[None, :, None, None]).sum(axis=1, keepdims=True)
    sx = jnp.array([[[[-1., 0., 1.], [-2., 0., 2.], [-1., 0., 1.]]]], dtype=jnp.float32)
    sy = jnp.array([[[[-1., -2., -1.], [0., 0., 0.], [1., 2., 1.]]]], dtype=jnp.float32)
    dn = ('NCHW', 'OIHW', 'NCHW')
    gx = jax.lax.conv_general_dilated(gray, sx, (1, 1), 'SAME', dimension_numbers=dn)
    gy = jax.lax.conv_general_dilated(gray, sy, (1, 1), 'SAME', dimension_numbers=dn)
    return jnp.sqrt(gx ** 2 + gy ** 2 + 1e-08)


def _optimal_paths(gm, inits, bw):
    # gm: [L, D]; DP over L steps, band of positions around each init within D
    L, D = gm.shape
    offs = jnp.arange(-bw, bw + 1)
    idxs = jnp.clip(inits[:, None] + offs[None, :], 0, D - 1)  # [P, Np]
    P, Np = idxs.shape
    g = -gm[:, idxs]  # [L, P, Np] gathered negative gradients
    neighbor = jnp.clip(jnp.arange(Np)[:, None] + jnp.array([-1, 0, 1])[None, :], 0, Np - 1)  # [Np, 3]
    neighbor_b = jnp.broadcast_to(neighbor[None], (P, Np, 3))
    rowsP = jnp.arange(P)

    def step(prev_cost, g_row):
        padded = jnp.concatenate([
            jnp.full((P, 1), jnp.inf, dtype=prev_cost.dtype),
            prev_cost,
            jnp.full((P, 1), jnp.inf, dtype=prev_cost.dtype)], axis=1)  # [P, Np+2]
        prev_costs = padded[rowsP[:, None, None], neighbor_b + 1]  # [P, Np, 3]
        min_prev = prev_costs.min(axis=2)
        min_idx = jnp.argmin(prev_costs, axis=2)
        path_row = jnp.take_along_axis(neighbor_b, min_idx[..., None], axis=2)[..., 0]
        return min_prev + g_row, path_row

    final_cost, paths = jax.lax.scan(step, g[0], g[1:])
    paths = jnp.concatenate([jnp.zeros((1, P, Np), dtype=paths.dtype), paths], axis=0)  # path[0] = 0
    idx0 = jnp.argmin(final_cost, axis=1)  # [P]

    def back(idx, path_row):
        pos = idxs[rowsP, idx]
        return path_row[rowsP, idx], pos

    _, pos = jax.lax.scan(back, idx0, paths, reverse=True)  # [L, P]
    return pos.T  # [P, L]


def _forward(x):
    gmap = _gradient_map(x)  # [B, 1, H, W]
    # initialize_grid (computed as in the torch module; adjust_boundaries recomputes labels)
    rows = jnp.arange(H)[:, None]
    cols = jnp.arange(W)[None, :]
    _init_labels = ((rows // (H // NUM_SEG_ROW)) * NUM_SEG_COL + cols // (W // NUM_SEG_COL)).astype(jnp.int32)
    x_inits = jnp.clip(jnp.array([i * (W // NUM_SEG_COL) for i in range(1, NUM_SEG_COL)]), 0, W - 1)
    y_inits = jnp.clip(jnp.array([i * (H // NUM_SEG_ROW) for i in range(1, NUM_SEG_ROW)]), 0, H - 1)

    def per_image(gm):
        vp = _optimal_paths(gm, x_inits, BAND)      # [Pv, H] column positions per row
        hp = _optimal_paths(gm.T, y_inits, BAND)    # [Ph, W] row positions per column
        mv = jnp.zeros((H, W), dtype=bool).at[
            jnp.broadcast_to(jnp.arange(H)[None, :], vp.shape), vp].set(True)
        mh = jnp.zeros((H, W), dtype=bool).at[
            hp, jnp.broadcast_to(jnp.arange(W)[None, :], hp.shape)].set(True)
        vl = jnp.cumsum(mv.astype(jnp.int32), axis=1)
        hl = jnp.cumsum(mh.astype(jnp.int32), axis=0)
        return vl + NUM_SEG_COL * hl

    return jax.vmap(per_image)(gmap[:, 0])


def reference(x):
    return _forward(x)

if __name__ == "__main__":
    import jax
    _d = setup_inputs()
    print(jax.jit(kernel)(*tuple(_d.values())))

</pallas_src>

<mosaic_0001>
#map = affine_map<(d0, d1) -> (0, 0, 0, 0, 0)>
#map1 = affine_map<(d0, d1) -> (0)>
module attributes {stable_mosaic.version = 14 : i64} {
  func.func @_sc_body(%arg0: i32, %arg1: i32, %arg2: memref<8x2x7x24x512xf32, #tpu.memory_space<hbm>>, %arg3: memref<57344xi32, #tpu.memory_space<hbm>>, %arg4: memref<24x512xf32, #tpu.memory_space<vmem>>, %arg5: memref<24x512xf32, #tpu.memory_space<vmem>>, %arg6: memref<24x512xf32, #tpu.memory_space<vmem>>, %arg7: memref<24x512xf32, #tpu.memory_space<vmem>>, %arg8: memref<32768xi32, #tpu.memory_space<vmem>>, %arg9: memref<2048xi32, #tpu.memory_space<vmem>>) attributes {dimension_semantics = [#tpu.dimension_semantics<core_parallel>, #tpu.dimension_semantics<subcore_parallel>], iteration_bounds = array<i64: 2, 16>, scalar_prefetch = 0 : i64, scratch_operands = 6 : i64, tpu.core_type = #tpu.core_type<sc_vector_subcore>, window_params = [{transform_indices = #map}, {transform_indices = #map1}]} {
    %mul3A = arith.constant 2 : i32
    %mul3A_0 = arith.muli %arg1, %mul3A : i32
    %add3A = arith.addi %mul3A_0, %arg0 : i32
    %iota3A = tpu.iota {dimensions = array<i32: 0>} : vector<16xi32>
    %lt3A = arith.constant 11 : i32
    %lt3A_1 = vector.broadcast %lt3A : i32 to vector<16xi32>
    %lt3A_2 = arith.cmpi slt, %iota3A, %lt3A_1 : vector<16xi32>
    %add3A_3 = arith.constant 3 : i32
    %add3A_4 = vector.broadcast %add3A_3 : i32 to vector<16xi32>
    %add3A_5 = arith.addi %iota3A, %add3A_4 : vector<16xi32>
    %sub3A = arith.constant 1 : i32
    %sub3A_6 = vector.broadcast %sub3A : i32 to vector<16xi32>
    %sub3A_7 = arith.subi %iota3A, %sub3A_6 : vector<16xi32>
    %max3A = arith.constant 0 : i32
    %max3A_8 = vector.broadcast %max3A : i32 to vector<16xi32>
    %max3A_9 = arith.maxsi %sub3A_7, %max3A_8 : vector<16xi32>
    %add3A_10 = arith.constant 1 : i32
    %add3A_11 = vector.broadcast %add3A_10 : i32 to vector<16xi32>
    %add3A_12 = arith.addi %iota3A, %add3A_11 : vector<16xi32>
    %min3A = arith.constant 15 : i32
    %min3A_13 = vector.broadcast %min3A : i32 to vector<16xi32>
    %min3A_14 = arith.minsi %add3A_12, %min3A_13 : vector<16xi32>
    %broadcast_in_dim3A = arith.constant 0 : i32
    %broadcast_in_dim3A_15 = vector.broadcast %broadcast_in_dim3A : i32 to vector<16xi32>
    %eq3A = arith.constant 0 : i32
    %eq3A_16 = vector.broadcast %eq3A : i32 to vector<16xi32>
    %eq3A_17 = arith.cmpi eq, %iota3A, %eq3A_16 : vector<16xi32>
    %add3A_18 = arith.constant 0 : i32
    %add3A_19 = arith.addi %add3A, %add3A_18 : i32
    %add3A_20 = arith.constant 32 : i32
    %add3A_21 = arith.addi %add3A, %add3A_20 : i32
    %add3A_22 = arith.constant 64 : i32
    %add3A_23 = arith.addi %add3A, %add3A_22 : i32
    %add3A_24 = arith.constant 96 : i32
    %add3A_25 = arith.addi %add3A, %add3A_24 : i32
    %min3A_26 = arith.constant 111 : i32
    %min3A_27 = arith.minsi %add3A_19, %min3A_26 : i32
    %jit3A = arith.constant 14 : i32
    %div3A = arith.divsi %min3A_27, %jit3A : i32
    %sign3A = arith.constant 0 : i32
    %sign3A_28 = arith.cmpi sgt, %min3A_27, %sign3A : i32
    %sign3A_29 = arith.extui %sign3A_28 : i1 to i32
    %sign3A_30 = arith.constant 0 : i32
    %sign3A_31 = arith.cmpi slt, %min3A_27, %sign3A_30 : i32
    %sign3A_32 = arith.extui %sign3A_31 : i1 to i32
    %sign3A_33 = arith.subi %sign3A_29, %sign3A_32 : i32
    %sign3A_34 = arith.constant 0 : i32
    %sign3A_35 = arith.cmpi sgt, %jit3A, %sign3A_34 : i32
    %sign3A_36 = arith.extui %sign3A_35 : i1 to i32
    %sign3A_37 = arith.constant 0 : i32
    %sign3A_38 = arith.cmpi slt, %jit3A, %sign3A_37 : i32
    %sign3A_39 = arith.extui %sign3A_38 : i1 to i32
    %sign3A_40 = arith.subi %sign3A_36, %sign3A_39 : i32
    %ne3A = arith.cmpi ne, %sign3A_33, %sign3A_40 : i32
    %rem3A = arith.remsi %min3A_27, %jit3A : i32
    %ne3A_41 = arith.constant 0 : i32
    %ne3A_42 = arith.cmpi ne, %rem3A, %ne3A_41 : i32
    %and3A = arith.andi %ne3A, %ne3A_42 : i1
    %sub3A_43 = arith.constant 1 : i32
    %sub3A_44 = arith.subi %div3A, %sub3A_43 : i32
    %select_n3A = arith.select %and3A, %sub3A_44, %div3A : i32
    %mul3A_45 = arith.constant 14 : i32
    %mul3A_46 = arith.muli %mul3A_45, %select_n3A : i32
    %sub3A_47 = arith.subi %min3A_27, %mul3A_46 : i32
    %lt3A_48 = arith.constant 7 : i32
    %lt3A_49 = arith.cmpi slt, %sub3A_47, %lt3A_48 : i32
    %jit3A_50 = arith.constant 1 : i32
    %jit3A_51 = arith.constant 0 : i32
    %select_n3A_52 = arith.select %lt3A_49, %jit3A_50, %jit3A_51 : i32
    %rem3A_53 = arith.constant 7 : i32
    %rem3A_54 = arith.remsi %sub3A_47, %rem3A_53 : i32
    %mul3A_55 = arith.constant 64 : i32
    %mul3A_56 = arith.muli %mul3A_55, %rem3A_54 : i32
    %add3A_57 = arith.constant 59 : i32
    %add3A_58 = arith.addi %mul3A_56, %add3A_57 : i32
    "tpu.region"() ({
      %run_scoped3A = tpu.sem_alloc : memref<!tpu.dma_semaphore, #tpu.memory_space<semaphore_mem>>
      %dma_start3A = arith.constant 0 : i32
      %dma_start3A_807 = arith.constant 0 : i32
      %dma_start3A_808 = tpu.memref_slice %arg2[%select_n3A, %select_n3A_52, %rem3A_54, %dma_start3A, %dma_start3A_807] : memref<8x2x7x24x512xf32, #tpu.memory_space<hbm>> -> memref<1x1x1x24x512xf32, #tpu.memory_space<hbm>>
      %dma_start3A_809 = tpu.memref_squeeze %dma_start3A_808 : memref<1x1x1x24x512xf32, #tpu.memory_space<hbm>> -> memref<24x512xf32, #tpu.memory_space<hbm>>
      %dma_start3A_810 = arith.constant 0 : i32
      %dma_start3A_811 = arith.constant 0 : i32
      %dma_start3A_812 = tpu.memref_slice %arg2[%select_n3A, %select_n3A_52, %rem3A_54, %dma_start3A_810, %dma_start3A_811] : memref<8x2x7x24x512xf32, #tpu.memory_space<hbm>> -> memref<1x1x1x24x512xf32, #tpu.memory_space<hbm>>
      %dma_start3A_813 = tpu.memref_squeeze %dma_start3A_812 : memref<1x1x1x24x512xf32, #tpu.memory_space<hbm>> -> memref<24x512xf32, #tpu.memory_space<hbm>>
      tpu.enqueue_dma source(%dma_start3A_813 : memref<24x512xf32, #tpu.memory_space<hbm>>) target(%arg4 : memref<24x512xf32, #tpu.memory_space<vmem>>) target_semaphore(%run_scoped3A : memref<!tpu.dma_semaphore, #tpu.memory_space<semaphore_mem>>)
      %dma_wait3A = arith.constant 0 : i32
      %dma_wait3A_814 = arith.constant 0 : i32
      %dma_wait3A_815 = tpu.memref_slice %arg2[%select_n3A, %select_n3A_52, %rem3A_54, %dma_wait3A, %dma_wait3A_814] : memref<8x2x7x24x512xf32, #tpu.memory_space<hbm>> -> memref<1x1x1x24x512xf32, #tpu.memory_space<hbm>>
      %dma_wait3A_816 = tpu.memref_squeeze %dma_wait3A_815 : memref<1x1x1x24x512xf32, #tpu.memory_space<hbm>> -> memref<24x512xf32, #tpu.memory_space<hbm>>
      %dma_wait3A_817 = arith.constant 0 : i32
      %dma_wait3A_818 = arith.constant 0 : i32
      %dma_wait3A_819 = tpu.memref_slice %arg2[%select_n3A, %select_n3A_52, %rem3A_54, %dma_wait3A_817, %dma_wait3A_818] : memref<8x2x7x24x512xf32, #tpu.memory_space<hbm>> -> memref<1x1x1x24x512xf32, #tpu.memory_space<hbm>>
      %dma_wait3A_820 = tpu.memref_squeeze %dma_wait3A_819 : memref<1x1x1x24x512xf32, #tpu.memory_space<hbm>> -> memref<24x512xf32, #tpu.memory_space<hbm>>
      tpu.wait_dma2 semaphore(%run_scoped3A : memref<!tpu.dma_semaphore, #tpu.memory_space<semaphore_mem>>) src(%dma_wait3A_820 : memref<24x512xf32, #tpu.memory_space<hbm>>) dst(%arg4 : memref<24x512xf32, #tpu.memory_space<vmem>>)
      tpu.yield
    }) : () -> ()
    %min3A_59 = arith.constant 111 : i32
    %min3A_60 = arith.minsi %add3A_21, %min3A_59 : i32
    %jit3A_61 = arith.constant 14 : i32
    %div3A_62 = arith.divsi %min3A_60, %jit3A_61 : i32
    %sign3A_63 = arith.constant 0 : i32
    %sign3A_64 = arith.cmpi sgt, %min3A_60, %sign3A_63 : i32
    %sign3A_65 = arith.extui %sign3A_64 : i1 to i32
    %sign3A_66 = arith.constant 0 : i32
    %sign3A_67 = arith.cmpi slt, %min3A_60, %sign3A_66 : i32
    %sign3A_68 = arith.extui %sign3A_67 : i1 to i32
    %sign3A_69 = arith.subi %sign3A_65, %sign3A_68 : i32
    %sign3A_70 = arith.constant 0 : i32
    %sign3A_71 = arith.cmpi sgt, %jit3A_61, %sign3A_70 : i32
    %sign3A_72 = arith.extui %sign3A_71 : i1 to i32
    %sign3A_73 = arith.constant 0 : i32
    %sign3A_74 = arith.cmpi slt, %jit3A_61, %sign3A_73 : i32
    %sign3A_75 = arith.extui %sign3A_74 : i1 to i32
    %sign3A_76 = arith.subi %sign3A_72, %sign3A_75 : i32
    %ne3A_77 = arith.cmpi ne, %sign3A_69, %sign3A_76 : i32
    %rem3A_78 = arith.remsi %min3A_60, %jit3A_61 : i32
    %ne3A_79 = arith.constant 0 : i32
    %ne3A_80 = arith.cmpi ne, %rem3A_78, %ne3A_79 : i32
    %and3A_81 = arith.andi %ne3A_77, %ne3A_80 : i1
    %sub3A_82 = arith.constant 1 : i32
    %sub3A_83 = arith.subi %div3A_62, %sub3A_82 : i32
    %select_n3A_84 = arith.select %and3A_81, %sub3A_83, %div3A_62 : i32
    %mul3A_85 = arith.constant 14 : i32
    %mul3A_86 = arith.muli %mul3A_85, %select_n3A_84 : i32
    %sub3A_87 = arith.subi %min3A_60, %mul3A_86 : i32
    %lt3A_88 = arith.constant 7 : i32
    %lt3A_89 = arith.cmpi slt, %sub3A_87, %lt3A_88 : i32
    %jit3A_90 = arith.constant 1 : i32
    %jit3A_91 = arith.constant 0 : i32
    %select_n3A_92 = arith.select %lt3A_89, %jit3A_90, %jit3A_91 : i32
    %rem3A_93 = arith.constant 7 : i32
    %rem3A_94 = arith.remsi %sub3A_87, %rem3A_93 : i32
    %mul3A_95 = arith.constant 64 : i32
    %mul3A_96 = arith.muli %mul3A_95, %rem3A_94 : i32
    %add3A_97 = arith.constant 59 : i32
    %add3A_98 = arith.addi %mul3A_96, %add3A_97 : i32
    "tpu.region"() ({
      %run_scoped3A = tpu.sem_alloc : memref<!tpu.dma_semaphore, #tpu.memory_space<semaphore_mem>>
      %dma_start3A = arith.constant 0 : i32
      %dma_start3A_807 = arith.constant 0 : i32
      %dma_start3A_808 = tpu.memref_slice %arg2[%select_n3A_84, %select_n3A_92, %rem3A_94, %dma_start3A, %dma_start3A_807] : memref<8x2x7x24x512xf32, #tpu.memory_space<hbm>> -> memref<1x1x1x24x512xf32, #tpu.memory_space<hbm>>
      %dma_start3A_809 = tpu.memref_squeeze %dma_start3A_808 : memref<1x1x1x24x512xf32, #tpu.memory_space<hbm>> -> memref<24x512xf32, #tpu.memory_space<hbm>>
      %dma_start3A_810 = arith.constant 0 : i32
      %dma_start3A_811 = arith.constant 0 : i32
      %dma_start3A_812 = tpu.memref_slice %arg2[%select_n3A_84, %select_n3A_92, %rem3A_94, %dma_start3A_810, %dma_start3A_811] : memref<8x2x7x24x512xf32, #tpu.memory_space<hbm>> -> memref<1x1x1x24x512xf32, #tpu.memory_space<hbm>>
      %dma_start3A_813 = tpu.memref_squeeze %dma_start3A_812 : memref<1x1x1x24x512xf32, #tpu.memory_space<hbm>> -> memref<24x512xf32, #tpu.memory_space<hbm>>
      tpu.enqueue_dma source(%dma_start3A_813 : memref<24x512xf32, #tpu.memory_space<hbm>>) target(%arg5 : memref<24x512xf32, #tpu.memory_space<vmem>>) target_semaphore(%run_scoped3A : memref<!tpu.dma_semaphore, #tpu.memory_space<semaphore_mem>>)
      %dma_wait3A = arith.constant 0 : i32
      %dma_wait3A_814 = arith.constant 0 : i32
      %dma_wait3A_815 = tpu.memref_slice %arg2[%select_n3A_84, %select_n3A_92, %rem3A_94, %dma_wait3A, %dma_wait3A_814] : memref<8x2x7x24x512xf32, #tpu.memory_space<hbm>> -> memref<1x1x1x24x512xf32, #tpu.memory_space<hbm>>
      %dma_wait3A_816 = tpu.memref_squeeze %dma_wait3A_815 : memref<1x1x1x24x512xf32, #tpu.memory_space<hbm>> -> memref<24x512xf32, #tpu.memory_space<hbm>>
      %dma_wait3A_817 = arith.constant 0 : i32
      %dma_wait3A_818 = arith.constant 0 : i32
      %dma_wait3A_819 = tpu.memref_slice %arg2[%select_n3A_84, %select_n3A_92, %rem3A_94, %dma_wait3A_817, %dma_wait3A_818] : memref<8x2x7x24x512xf32, #tpu.memory_space<hbm>> -> memref<1x1x1x24x512xf32, #tpu.memory_space<hbm>>
      %dma_wait3A_820 = tpu.memref_squeeze %dma_wait3A_819 : memref<1x1x1x24x512xf32, #tpu.memory_space<hbm>> -> memref<24x512xf32, #tpu.memory_space<hbm>>
      tpu.wait_dma2 semaphore(%run_scoped3A : memref<!tpu.dma_semaphore, #tpu.memory_space<semaphore_mem>>) src(%dma_wait3A_820 : memref<24x512xf32, #tpu.memory_space<hbm>>) dst(%arg5 : memref<24x512xf32, #tpu.memory_space<vmem>>)
      tpu.yield
    }) : () -> ()
    %min3A_99 = arith.constant 111 : i32
    %min3A_100 = arith.minsi %add3A_23, %min3A_99 : i32
    %jit3A_101 = arith.constant 14 : i32
    %div3A_102 = arith.divsi %min3A_100, %jit3A_101 : i32
    %sign3A_103 = arith.constant 0 : i32
    %sign3A_104 = arith.cmpi sgt, %min3A_100, %sign3A_103 : i32
    %sign3A_105 = arith.extui %sign3A_104 : i1 to i32
    %sign3A_106 = arith.constant 0 : i32
    %sign3A_107 = arith.cmpi slt, %min3A_100, %sign3A_106 : i32
    %sign3A_108 = arith.extui %sign3A_107 : i1 to i32
    %sign3A_109 = arith.subi %sign3A_105, %sign3A_108 : i32
    %sign3A_110 = arith.constant 0 : i32
    %sign3A_111 = arith.cmpi sgt, %jit3A_101, %sign3A_110 : i32
    %sign3A_112 = arith.extui %sign3A_111 : i1 to i32
    %sign3A_113 = arith.constant 0 : i32
    %sign3A_114 = arith.cmpi slt, %jit3A_101, %sign3A_113 : i32
    %sign3A_115 = arith.extui %sign3A_114 : i1 to i32
    %sign3A_116 = arith.subi %sign3A_112, %sign3A_115 : i32
    %ne3A_117 = arith.cmpi ne, %sign3A_109, %sign3A_116 : i32
    %rem3A_118 = arith.remsi %min3A_100, %jit3A_101 : i32
    %ne3A_119 = arith.constant 0 : i32
    %ne3A_120 = arith.cmpi ne, %rem3A_118, %ne3A_119 : i32
    %and3A_121 = arith.andi %ne3A_117, %ne3A_120 : i1
    %sub3A_122 = arith.constant 1 : i32
    %sub3A_123 = arith.subi %div3A_102, %sub3A_122 : i32
    %select_n3A_124 = arith.select %and3A_121, %sub3A_123, %div3A_102 : i32
    %mul3A_125 = arith.constant 14 : i32
    %mul3A_126 = arith.muli %mul3A_125, %select_n3A_124 : i32
    %sub3A_127 = arith.subi %min3A_100, %mul3A_126 : i32
    %lt3A_128 = arith.constant 7 : i32
    %lt3A_129 = arith.cmpi slt, %sub3A_127, %lt3A_128 : i32
    %jit3A_130 = arith.constant 1 : i32
    %jit3A_131 = arith.constant 0 : i32
    %select_n3A_132 = arith.select %lt3A_129, %jit3A_130, %jit3A_131 : i32
    %rem3A_133 = arith.constant 7 : i32
    %rem3A_134 = arith.remsi %sub3A_127, %rem3A_133 : i32
    %mul3A_135 = arith.constant 64 : i32
    %mul3A_136 = arith.muli %mul3A_135, %rem3A_134 : i32
    %add3A_137 = arith.constant 59 : i32
    %add3A_138 = arith.addi %mul3A_136, %add3A_137 : i32
    "tpu.region"() ({
      %run_scoped3A = tpu.sem_alloc : memref<!tpu.dma_semaphore, #tpu.memory_space<semaphore_mem>>
      %dma_start3A = arith.constant 0 : i32
      %dma_start3A_807 = arith.constant 0 : i32
      %dma_start3A_808 = tpu.memref_slice %arg2[%select_n3A_124, %select_n3A_132, %rem3A_134, %dma_start3A, %dma_start3A_807] : memref<8x2x7x24x512xf32, #tpu.memory_space<hbm>> -> memref<1x1x1x24x512xf32, #tpu.memory_space<hbm>>
      %dma_start3A_809 = tpu.memref_squeeze %dma_start3A_808 : memref<1x1x1x24x512xf32, #tpu.memory_space<hbm>> -> memref<24x512xf32, #tpu.memory_space<hbm>>
      %dma_start3A_810 = arith.constant 0 : i32
      %dma_start3A_811 = arith.constant 0 : i32
      %dma_start3A_812 = tpu.memref_slice %arg2[%select_n3A_124, %select_n3A_132, %rem3A_134, %dma_start3A_810, %dma_start3A_811] : memref<8x2x7x24x512xf32, #tpu.memory_space<hbm>> -> memref<1x1x1x24x512xf32, #tpu.memory_space<hbm>>
      %dma_start3A_813 = tpu.memref_squeeze %dma_start3A_812 : memref<1x1x1x24x512xf32, #tpu.memory_space<hbm>> -> memref<24x512xf32, #tpu.memory_space<hbm>>
      tpu.enqueue_dma source(%dma_start3A_813 : memref<24x512xf32, #tpu.memory_space<hbm>>) target(%arg6 : memref<24x512xf32, #tpu.memory_space<vmem>>) target_semaphore(%run_scoped3A : memref<!tpu.dma_semaphore, #tpu.memory_space<semaphore_mem>>)
      %dma_wait3A = arith.constant 0 : i32
      %dma_wait3A_814 = arith.constant 0 : i32
      %dma_wait3A_815 = tpu.memref_slice %arg2[%select_n3A_124, %select_n3A_132, %rem3A_134, %dma_wait3A, %dma_wait3A_814] : memref<8x2x7x24x512xf32, #tpu.memory_space<hbm>> -> memref<1x1x1x24x512xf32, #tpu.memory_space<hbm>>
      %dma_wait3A_816 = tpu.memref_squeeze %dma_wait3A_815 : memref<1x1x1x24x512xf32, #tpu.memory_space<hbm>> -> memref<24x512xf32, #tpu.memory_space<hbm>>
      %dma_wait3A_817 = arith.constant 0 : i32
      %dma_wait3A_818 = arith.constant 0 : i32
      %dma_wait3A_819 = tpu.memref_slice %arg2[%select_n3A_124, %select_n3A_132, %rem3A_134, %dma_wait3A_817, %dma_wait3A_818] : memref<8x2x7x24x512xf32, #tpu.memory_space<hbm>> -> memref<1x1x1x24x512xf32, #tpu.memory_space<hbm>>
      %dma_wait3A_820 = tpu.memref_squeeze %dma_wait3A_819 : memref<1x1x1x24x512xf32, #tpu.memory_space<hbm>> -> memref<24x512xf32, #tpu.memory_space<hbm>>
      tpu.wait_dma2 semaphore(%run_scoped3A : memref<!tpu.dma_semaphore, #tpu.memory_space<semaphore_mem>>) src(%dma_wait3A_820 : memref<24x512xf32, #tpu.memory_space<hbm>>) dst(%arg6 : memref<24x512xf32, #tpu.memory_space<vmem>>)
      tpu.yield
    }) : () -> ()
    %min3A_139 = arith.constant 111 : i32
    %min3A_140 = arith.minsi %add3A_25, %min3A_139 : i32
    %jit3A_141 = arith.constant 14 : i32
    %div3A_142 = arith.divsi %min3A_140, %jit3A_141 : i32
    %sign3A_143 = arith.constant 0 : i32
    %sign3A_144 = arith.cmpi sgt, %min3A_140, %sign3A_143 : i32
    %sign3A_145 = arith.extui %sign3A_144 : i1 to i32
    %sign3A_146 = arith.constant 0 : i32
    %sign3A_147 = arith.cmpi slt, %min3A_140, %sign3A_146 : i32
    %sign3A_148 = arith.extui %sign3A_147 : i1 to i32
    %sign3A_149 = arith.subi %sign3A_145, %sign3A_148 : i32
    %sign3A_150 = arith.constant 0 : i32
    %sign3A_151 = arith.cmpi sgt, %jit3A_141, %sign3A_150 : i32
    %sign3A_152 = arith.extui %sign3A_151 : i1 to i32
    %sign3A_153 = arith.constant 0 : i32
    %sign3A_154 = arith.cmpi slt, %jit3A_141, %sign3A_153 : i32
    %sign3A_155 = arith.extui %sign3A_154 : i1 to i32
    %sign3A_156 = arith.subi %sign3A_152, %sign3A_155 : i32
    %ne3A_157 = arith.cmpi ne, %sign3A_149, %sign3A_156 : i32
    %rem3A_158 = arith.remsi %min3A_140, %jit3A_141 : i32
    %ne3A_159 = arith.constant 0 : i32
    %ne3A_160 = arith.cmpi ne, %rem3A_158, %ne3A_159 : i32
    %and3A_161 = arith.andi %ne3A_157, %ne3A_160 : i1
    %sub3A_162 = arith.constant 1 : i32
    %sub3A_163 = arith.subi %div3A_142, %sub3A_162 : i32
    %select_n3A_164 = arith.select %and3A_161, %sub3A_163, %div3A_142 : i32
    %mul3A_165 = arith.constant 14 : i32
    %mul3A_166 = arith.muli %mul3A_165, %select_n3A_164 : i32
    %sub3A_167 = arith.subi %min3A_140, %mul3A_166 : i32
    %lt3A_168 = arith.constant 7 : i32
    %lt3A_169 = arith.cmpi slt, %sub3A_167, %lt3A_168 : i32
    %jit3A_170 = arith.constant 1 : i32
    %jit3A_171 = arith.constant 0 : i32
    %select_n3A_172 = arith.select %lt3A_169, %jit3A_170, %jit3A_171 : i32
    %rem3A_173 = arith.constant 7 : i32
    %rem3A_174 = arith.remsi %sub3A_167, %rem3A_173 : i32
    %mul3A_175 = arith.constant 64 : i32
    %mul3A_176 = arith.muli %mul3A_175, %rem3A_174 : i32
    %add3A_177 = arith.constant 59 : i32
    %add3A_178 = arith.addi %mul3A_176, %add3A_177 : i32
    "tpu.region"() ({
      %run_scoped3A = tpu.sem_alloc : memref<!tpu.dma_semaphore, #tpu.memory_space<semaphore_mem>>
      %dma_start3A = arith.constant 0 : i32
      %dma_start3A_807 = arith.constant 0 : i32
      %dma_start3A_808 = tpu.memref_slice %arg2[%select_n3A_164, %select_n3A_172, %rem3A_174, %dma_start3A, %dma_start3A_807] : memref<8x2x7x24x512xf32, #tpu.memory_space<hbm>> -> memref<1x1x1x24x512xf32, #tpu.memory_space<hbm>>
      %dma_start3A_809 = tpu.memref_squeeze %dma_start3A_808 : memref<1x1x1x24x512xf32, #tpu.memory_space<hbm>> -> memref<24x512xf32, #tpu.memory_space<hbm>>
      %dma_start3A_810 = arith.constant 0 : i32
      %dma_start3A_811 = arith.constant 0 : i32
      %dma_start3A_812 = tpu.memref_slice %arg2[%select_n3A_164, %select_n3A_172, %rem3A_174, %dma_start3A_810, %dma_start3A_811] : memref<8x2x7x24x512xf32, #tpu.memory_space<hbm>> -> memref<1x1x1x24x512xf32, #tpu.memory_space<hbm>>
      %dma_start3A_813 = tpu.memref_squeeze %dma_start3A_812 : memref<1x1x1x24x512xf32, #tpu.memory_space<hbm>> -> memref<24x512xf32, #tpu.memory_space<hbm>>
      tpu.enqueue_dma source(%dma_start3A_813 : memref<24x512xf32, #tpu.memory_space<hbm>>) target(%arg7 : memref<24x512xf32, #tpu.memory_space<vmem>>) target_semaphore(%run_scoped3A : memref<!tpu.dma_semaphore, #tpu.memory_space<semaphore_mem>>)
      %dma_wait3A = arith.constant 0 : i32
      %dma_wait3A_814 = arith.constant 0 : i32
      %dma_wait3A_815 = tpu.memref_slice %arg2[%select_n3A_164, %select_n3A_172, %rem3A_174, %dma_wait3A, %dma_wait3A_814] : memref<8x2x7x24x512xf32, #tpu.memory_space<hbm>> -> memref<1x1x1x24x512xf32, #tpu.memory_space<hbm>>
      %dma_wait3A_816 = tpu.memref_squeeze %dma_wait3A_815 : memref<1x1x1x24x512xf32, #tpu.memory_space<hbm>> -> memref<24x512xf32, #tpu.memory_space<hbm>>
      %dma_wait3A_817 = arith.constant 0 : i32
      %dma_wait3A_818 = arith.constant 0 : i32
      %dma_wait3A_819 = tpu.memref_slice %arg2[%select_n3A_164, %select_n3A_172, %rem3A_174, %dma_wait3A_817, %dma_wait3A_818] : memref<8x2x7x24x512xf32, #tpu.memory_space<hbm>> -> memref<1x1x1x24x512xf32, #tpu.memory_space<hbm>>
      %dma_wait3A_820 = tpu.memref_squeeze %dma_wait3A_819 : memref<1x1x1x24x512xf32, #tpu.memory_space<hbm>> -> memref<24x512xf32, #tpu.memory_space<hbm>>
      tpu.wait_dma2 semaphore(%run_scoped3A : memref<!tpu.dma_semaphore, #tpu.memory_space<semaphore_mem>>) src(%dma_wait3A_820 : memref<24x512xf32, #tpu.memory_space<hbm>>) dst(%arg7 : memref<24x512xf32, #tpu.memory_space<vmem>>)
      tpu.yield
    }) : () -> ()
    %add3A_179 = arith.constant 0 : i32
    %add3A_180 = vector.broadcast %add3A_179 : i32 to vector<16xi32>
    %add3A_181 = arith.addi %add3A_180, %broadcast_in_dim3A_15 : vector<16xi32>
    %gather3A = tpu.vector_load_idx %arg4[%add3A_5, %add3A_181] : memref<24x512xf32, #tpu.memory_space<vmem>>[vector<16xi32>, vector<16xi32>], vector<16xf32>,
    %neg3A = arith.constant 0.000000e+00 : f32
    %neg3A_182 = vector.broadcast %neg3A : f32 to vector<16xf32>
    %neg3A_183 = arith.subf %neg3A_182, %gather3A : vector<16xf32>
    %jit3A_184 = arith.constant 1.000000e+30 : f32
    %broadcast_in_dim3A_185 = vector.broadcast %jit3A_184 : f32 to vector<16xf32>
    %select_n3A_186 = arith.select %lt3A_2, %neg3A_183, %broadcast_in_dim3A_185 : vector<16xi1>, vector<16xf32>
    %add3A_187 = arith.constant 0 : i32
    %add3A_188 = vector.broadcast %add3A_187 : i32 to vector<16xi32>
    %add3A_189 = arith.addi %add3A_188, %broadcast_in_dim3A_15 : vector<16xi32>
    %gather3A_190 = tpu.vector_load_idx %arg5[%add3A_5, %add3A_189] : memref<24x512xf32, #tpu.memory_space<vmem>>[vector<16xi32>, vector<16xi32>], vector<16xf32>,
    %neg3A_191 = arith.constant 0.000000e+00 : f32
    %neg3A_192 = vector.broadcast %neg3A_191 : f32 to vector<16xf32>
    %neg3A_193 = arith.subf %neg3A_192, %gather3A_190 : vector<16xf32>
    %jit3A_194 = arith.constant 1.000000e+30 : f32
    %broadcast_in_dim3A_195 = vector.broadcast %jit3A_194 : f32 to vector<16xf32>
    %select_n3A_196 = arith.select %lt3A_2, %neg3A_193, %broadcast_in_dim3A_195 : vector<16xi1>, vector<16xf32>
    %add3A_197 = arith.constant 0 : i32
    %add3A_198 = vector.broadcast %add3A_197 : i32 to vector<16xi32>
    %add3A_199 = arith.addi %add3A_198, %broadcast_in_dim3A_15 : vector<16xi32>
    %gather3A_200 = tpu.vector_load_idx %arg6[%add3A_5, %add3A_199] : memref<24x512xf32, #tpu.memory_space<vmem>>[vector<16xi32>, vector<16xi32>], vector<16xf32>,
    %neg3A_201 = arith.constant 0.000000e+00 : f32
    %neg3A_202 = vector.broadcast %neg3A_201 : f32 to vector<16xf32>
    %neg3A_203 = arith.subf %neg3A_202, %gather3A_200 : vector<16xf32>
    %jit3A_204 = arith.constant 1.000000e+30 : f32
    %broadcast_in_dim3A_205 = vector.broadcast %jit3A_204 : f32 to vector<16xf32>
    %select_n3A_206 = arith.select %lt3A_2, %neg3A_203, %broadcast_in_dim3A_205 : vector<16xi1>, vector<16xf32>
    %add3A_207 = arith.constant 0 : i32
    %add3A_208 = vector.broadcast %add3A_207 : i32 to vector<16xi32>
    %add3A_209 = arith.addi %add3A_208, %broadcast_in_dim3A_15 : vector<16xi32>
    %gather3A_210 = tpu.vector_load_idx %arg7[%add3A_5, %add3A_209] : memref<24x512xf32, #tpu.memory_space<vmem>>[vector<16xi32>, vector<16xi32>], vector<16xf32>,
    %neg3A_211 = arith.constant 0.000000e+00 : f32
    %neg3A_212 = vector.broadcast %neg3A_211 : f32 to vector<16xf32>
    %neg3A_213 = arith.subf %neg3A_212, %gather3A_210 : vector<16xf32>
    %jit3A_214 = arith.constant 1.000000e+30 : f32
    %broadcast_in_dim3A_215 = vector.broadcast %jit3A_214 : f32 to vector<16xf32>
    %select_n3A_216 = arith.select %lt3A_2, %neg3A_213, %broadcast_in_dim3A_215 : vector<16xi1>, vector<16xf32>
    %scan3A = arith.constant 1 : i32
    %scan3A_217 = arith.constant 508 : i32
    %scan3A_218 = arith.addi %scan3A, %scan3A_217 : i32
    %scan3A_219 = arith.constant 4 : i32
    %scan3A_220:4 = scf.for %scan3A_807 = %scan3A to %scan3A_218 step %scan3A_219 iter_args(%scan3A_808 = %select_n3A_186, %scan3A_809 = %select_n3A_196, %scan3A_810 = %select_n3A_206, %scan3A_811 = %select_n3A_216) -> (vector<16xf32>, vector<16xf32>, vector<16xf32>, vector<16xf32>)  : i32 {
      %lt3A_812 = arith.constant 0 : i32
      %lt3A_813 = vector.broadcast %lt3A_812 : i32 to vector<16xi32>
      %lt3A_814 = arith.cmpi slt, %max3A_9, %lt3A_813 : vector<16xi32>
      %add3A_815 = arith.constant 16 : i32
      %add3A_816 = vector.broadcast %add3A_815 : i32 to vector<16xi32>
      %add3A_817 = arith.addi %max3A_9, %add3A_816 : vector<16xi32>
      %select_n3A_818 = arith.select %lt3A_814, %add3A_817, %max3A_9 : vector<16xi1>, vector<16xi32>
      %broadcast_in_dim3A_819 = vector.shape_cast %select_n3A_818 : vector<16xi32> to vector<16x1xi32>
      %gather3A_820 = vector.shape_cast %broadcast_in_dim3A_819 : vector<16x1xi32> to vector<16xi32>
      %gather3A_821 = tpu.dynamic_gather %scan3A_808[%gather3A_820] in [0] : vector<16xf32>, vector<16xi32> -> vector<16xf32>
      %lt3A_822 = arith.constant 0 : i32
      %lt3A_823 = vector.broadcast %lt3A_822 : i32 to vector<16xi32>
      %lt3A_824 = arith.cmpi slt, %min3A_14, %lt3A_823 : vector<16xi32>
      %add3A_825 = arith.constant 16 : i32
      %add3A_826 = vector.broadcast %add3A_825 : i32 to vector<16xi32>
      %add3A_827 = arith.addi %min3A_14, %add3A_826 : vector<16xi32>
      %select_n3A_828 = arith.select %lt3A_824, %add3A_827, %min3A_14 : vector<16xi1>, vector<16xi32>
      %broadcast_in_dim3A_829 = vector.shape_cast %select_n3A_828 : vector<16xi32> to vector<16x1xi32>
      %gather3A_830 = vector.shape_cast %broadcast_in_dim3A_829 : vector<16x1xi32> to vector<16xi32>
      %gather3A_831 = tpu.dynamic_gather %scan3A_808[%gather3A_830] in [0] : vector<16xf32>, vector<16xi32> -> vector<16xf32>
      %le3A_832 = arith.cmpf ole, %gather3A_821, %scan3A_808 : vector<16xf32>
      %le3A_833 = arith.cmpf ole, %gather3A_821, %gather3A_831 : vector<16xf32>
      %and3A_834 = arith.andi %le3A_832, %le3A_833 : vector<16xi1>
      %not3A_835 = arith.constant dense<true> : vector<16xi1>
      %not3A_836 = arith.xori %and3A_834, %not3A_835 : vector<16xi1>
      %le3A_837 = arith.cmpf ole, %scan3A_808, %gather3A_831 : vector<16xf32>
      %and3A_838 = arith.andi %not3A_836, %le3A_837 : vector<16xi1>
      %select_n3A_839 = arith.select %and3A_838, %iota3A, %min3A_14 : vector<16xi1>, vector<16xi32>
      %select_n3A_840 = arith.select %and3A_834, %max3A_9, %select_n3A_839 : vector<16xi1>, vector<16xi32>
      %select_n3A_841 = arith.select %and3A_838, %scan3A_808, %gather3A_831 : vector<16xi1>, vector<16xf32>
      %select_n3A_842 = arith.select %and3A_834, %gather3A_821, %select_n3A_841 : vector<16xi1>, vector<16xf32>
      %add3A_843 = vector.broadcast %scan3A_807 : i32 to vector<16xi32>
      %add3A_844 = arith.addi %add3A_843, %broadcast_in_dim3A_15 : vector<16xi32>
      %gather3A_845 = tpu.vector_load_idx %arg4[%add3A_5, %add3A_844] : memref<24x512xf32, #tpu.memory_space<vmem>>[vector<16xi32>, vector<16xi32>], vector<16xf32>,
      %sub3A_846 = arith.subf %select_n3A_842, %gather3A_845 : vector<16xf32>
      %jit3A_847 = arith.constant 1.000000e+30 : f32
      %broadcast_in_dim3A_848 = vector.broadcast %jit3A_847 : f32 to vector<16xf32>
      %select_n3A_849 = arith.select %lt3A_2, %sub3A_846, %broadcast_in_dim3A_848 : vector<16xi1>, vector<16xf32>
      %add3A_850 = arith.constant 0 : i32
      %add3A_851 = arith.addi %add3A_850, %scan3A_807 : i32
      %mul3A_852 = arith.constant 16 : i32
      %mul3A_853 = arith.muli %add3A_851, %mul3A_852 : i32
      %swap3A_854 = arith.index_cast %mul3A_853 : i32 to index
      %swap3A_855 = tpu.vector_load %arg8[%swap3A_854] {strides = array<i32>} : memref<32768xi32, #tpu.memory_space<vmem>>, vector<16xi32>,
      tpu.vector_store %arg8[%swap3A_854], %select_n3A_840 {strides = array<i32>} : memref<32768xi32, #tpu.memory_space<vmem>>, vector<16xi32>,
      %lt3A_856 = arith.constant 0 : i32
      %lt3A_857 = vector.broadcast %lt3A_856 : i32 to vector<16xi32>
      %lt3A_858 = arith.cmpi slt, %max3A_9, %lt3A_857 : vector<16xi32>
      %add3A_859 = arith.constant 16 : i32
      %add3A_860 = vector.broadcast %add3A_859 : i32 to vector<16xi32>
      %add3A_861 = arith.addi %max3A_9, %add3A_860 : vector<16xi32>
      %select_n3A_862 = arith.select %lt3A_858, %add3A_861, %max3A_9 : vector<16xi1>, vector<16xi32>
      %broadcast_in_dim3A_863 = vector.shape_cast %select_n3A_862 : vector<16xi32> to vector<16x1xi32>
      %gather3A_864 = vector.shape_cast %broadcast_in_dim3A_863 : vector<16x1xi32> to vector<16xi32>
      %gather3A_865 = tpu.dynamic_gather %scan3A_809[%gather3A_864] in [0] : vector<16xf32>, vector<16xi32> -> vector<16xf32>
      %lt3A_866 = arith.constant 0 : i32
      %lt3A_867 = vector.broadcast %lt3A_866 : i32 to vector<16xi32>
      %lt3A_868 = arith.cmpi slt, %min3A_14, %lt3A_867 : vector<16xi32>
      %add3A_869 = arith.constant 16 : i32
      %add3A_870 = vector.broadcast %add3A_869 : i32 to vector<16xi32>
      %add3A_871 = arith.addi %min3A_14, %add3A_870 : vector<16xi32>
      %select_n3A_872 = arith.select %lt3A_868, %add3A_871, %min3A_14 : vector<16xi1>, vector<16xi32>
      %broadcast_in_dim3A_873 = vector.shape_cast %select_n3A_872 : vector<16xi32> to vector<16x1xi32>
      %gather3A_874 = vector.shape_cast %broadcast_in_dim3A_873 : vector<16x1xi32> to vector<16xi32>
      %gather3A_875 = tpu.dynamic_gather %scan3A_809[%gather3A_874] in [0] : vector<16xf32>, vector<16xi32> -> vector<16xf32>
      %le3A_876 = arith.cmpf ole, %gather3A_865, %scan3A_809 : vector<16xf32>
      %le3A_877 = arith.cmpf ole, %gather3A_865, %gather3A_875 : vector<16xf32>
      %and3A_878 = arith.andi %le3A_876, %le3A_877 : vector<16xi1>
      %not3A_879 = arith.constant dense<true> : vector<16xi1>
      %not3A_880 = arith.xori %and3A_878, %not3A_879 : vector<16xi1>
      %le3A_881 = arith.cmpf ole, %scan3A_809, %gather3A_875 : vector<16xf32>
      %and3A_882 = arith.andi %not3A_880, %le3A_881 : vector<16xi1>
      %select_n3A_883 = arith.select %and3A_882, %iota3A, %min3A_14 : vector<16xi1>, vector<16xi32>
      %select_n3A_884 = arith.select %and3A_878, %max3A_9, %select_n3A_883 : vector<16xi1>, vector<16xi32>
      %select_n3A_885 = arith.select %and3A_882, %scan3A_809, %gather3A_875 : vector<16xi1>, vector<16xf32>
      %select_n3A_886 = arith.select %and3A_878, %gather3A_865, %select_n3A_885 : vector<16xi1>, vector<16xf32>
      %add3A_887 = vector.broadcast %scan3A_807 : i32 to vector<16xi32>
      %add3A_888 = arith.addi %add3A_887, %broadcast_in_dim3A_15 : vector<16xi32>
      %gather3A_889 = tpu.vector_load_idx %arg5[%add3A_5, %add3A_888] : memref<24x512xf32, #tpu.memory_space<vmem>>[vector<16xi32>, vector<16xi32>], vector<16xf32>,
      %sub3A_890 = arith.subf %select_n3A_886, %gather3A_889 : vector<16xf32>
      %jit3A_891 = arith.constant 1.000000e+30 : f32
      %broadcast_in_dim3A_892 = vector.broadcast %jit3A_891 : f32 to vector<16xf32>
      %select_n3A_893 = arith.select %lt3A_2, %sub3A_890, %broadcast_in_dim3A_892 : vector<16xi1>, vector<16xf32>
      %add3A_894 = arith.constant 512 : i32
      %add3A_895 = arith.addi %add3A_894, %scan3A_807 : i32
      %mul3A_896 = arith.constant 16 : i32
      %mul3A_897 = arith.muli %add3A_895, %mul3A_896 : i32
      %swap3A_898 = arith.index_cast %mul3A_897 : i32 to index
      %swap3A_899 = tpu.vector_load %arg8[%swap3A_898] {strides = array<i32>} : memref<32768xi32, #tpu.memory_space<vmem>>, vector<16xi32>,
      tpu.vector_store %arg8[%swap3A_898], %select_n3A_884 {strides = array<i32>} : memref<32768xi32, #tpu.memory_space<vmem>>, vector<16xi32>,
      %lt3A_900 = arith.constant 0 : i32
      %lt3A_901 = vector.broadcast %lt3A_900 : i32 to vector<16xi32>
      %lt3A_902 = arith.cmpi slt, %max3A_9, %lt3A_901 : vector<16xi32>
      %add3A_903 = arith.constant 16 : i32
      %add3A_904 = vector.broadcast %add3A_903 : i32 to vector<16xi32>
      %add3A_905 = arith.addi %max3A_9, %add3A_904 : vector<16xi32>
      %select_n3A_906 = arith.select %lt3A_902, %add3A_905, %max3A_9 : vector<16xi1>, vector<16xi32>
      %broadcast_in_dim3A_907 = vector.shape_cast %select_n3A_906 : vector<16xi32> to vector<16x1xi32>
      %gather3A_908 = vector.shape_cast %broadcast_in_dim3A_907 : vector<16x1xi32> to vector<16xi32>
      %gather3A_909 = tpu.dynamic_gather %scan3A_810[%gather3A_908] in [0] : vector<16xf32>, vector<16xi32> -> vector<16xf32>
      %lt3A_910 = arith.constant 0 : i32
      %lt3A_911 = vector.broadcast %lt3A_910 : i32 to vector<16xi32>
      %lt3A_912 = arith.cmpi slt, %min3A_14, %lt3A_911 : vector<16xi32>
      %add3A_913 = arith.constant 16 : i32
      %add3A_914 = vector.broadcast %add3A_913 : i32 to vector<16xi32>
      %add3A_915 = arith.addi %min3A_14, %add3A_914 : vector<16xi32>
      %select_n3A_916 = arith.select %lt3A_912, %add3A_915, %min3A_14 : vector<16xi1>, vector<16xi32>
      %broadcast_in_dim3A_917 = vector.shape_cast %select_n3A_916 : vector<16xi32> to vector<16x1xi32>
      %gather3A_918 = vector.shape_cast %broadcast_in_dim3A_917 : vector<16x1xi32> to vector<16xi32>
      %gather3A_919 = tpu.dynamic_gather %scan3A_810[%gather3A_918] in [0] : vector<16xf32>, vector<16xi32> -> vector<16xf32>
      %le3A_920 = arith.cmpf ole, %gather3A_909, %scan3A_810 : vector<16xf32>
      %le3A_921 = arith.cmpf ole, %gather3A_909, %gather3A_919 : vector<16xf32>
      %and3A_922 = arith.andi %le3A_920, %le3A_921 : vector<16xi1>
      %not3A_923 = arith.constant dense<true> : vector<16xi1>
      %not3A_924 = arith.xori %and3A_922, %not3A_923 : vector<16xi1>
      %le3A_925 = arith.cmpf ole, %scan3A_810, %gather3A_919 : vector<16xf32>
      %and3A_926 = arith.andi %not3A_924, %le3A_925 : vector<16xi1>
      %select_n3A_927 = arith.select %and3A_926, %iota3A, %min3A_14 : vector<16xi1>, vector<16xi32>
      %select_n3A_928 = arith.select %and3A_922, %max3A_9, %select_n3A_927 : vector<16xi1>, vector<16xi32>
      %select_n3A_929 = arith.select %and3A_926, %scan3A_810, %gather3A_919 : vector<16xi1>, vector<16xf32>
      %select_n3A_930 = arith.select %and3A_922, %gather3A_909, %select_n3A_929 : vector<16xi1>, vector<16xf32>
      %add3A_931 = vector.broadcast %scan3A_807 : i32 to vector<16xi32>
      %add3A_932 = arith.addi %add3A_931, %broadcast_in_dim3A_15 : vector<16xi32>
      %gather3A_933 = tpu.vector_load_idx %arg6[%add3A_5, %add3A_932] : memref<24x512xf32, #tpu.memory_space<vmem>>[vector<16xi32>, vector<16xi32>], vector<16xf32>,
      %sub3A_934 = arith.subf %select_n3A_930, %gather3A_933 : vector<16xf32>
      %jit3A_935 = arith.constant 1.000000e+30 : f32
      %broadcast_in_dim3A_936 = vector.broadcast %jit3A_935 : f32 to vector<16xf32>
      %select_n3A_937 = arith.select %lt3A_2, %sub3A_934, %broadcast_in_dim3A_936 : vector<16xi1>, vector<16xf32>
      %add3A_938 = arith.constant 1024 : i32
      %add3A_939 = arith.addi %add3A_938, %scan3A_807 : i32
      %mul3A_940 = arith.constant 16 : i32
      %mul3A_941 = arith.muli %add3A_939, %mul3A_940 : i32
      %swap3A_942 = arith.index_cast %mul3A_941 : i32 to index
      %swap3A_943 = tpu.vector_load %arg8[%swap3A_942] {strides = array<i32>} : memref<32768xi32, #tpu.memory_space<vmem>>, vector<16xi32>,
      tpu.vector_store %arg8[%swap3A_942], %select_n3A_928 {strides = array<i32>} : memref<32768xi32, #tpu.memory_space<vmem>>, vector<16xi32>,
      %lt3A_944 = arith.constant 0 : i32
      %lt3A_945 = vector.broadcast %lt3A_944 : i32 to vector<16xi32>
      %lt3A_946 = arith.cmpi slt, %max3A_9, %lt3A_945 : vector<16xi32>
      %add3A_947 = arith.constant 16 : i32
      %add3A_948 = vector.broadcast %add3A_947 : i32 to vector<16xi32>
      %add3A_949 = arith.addi %max3A_9, %add3A_948 : vector<16xi32>
      %select_n3A_950 = arith.select %lt3A_946, %add3A_949, %max3A_9 : vector<16xi1>, vector<16xi32>
      %broadcast_in_dim3A_951 = vector.shape_cast %select_n3A_950 : vector<16xi32> to vector<16x1xi32>
      %gather3A_952 = vector.shape_cast %broadcast_in_dim3A_951 : vector<16x1xi32> to vector<16xi32>
      %gather3A_953 = tpu.dynamic_gather %scan3A_811[%gather3A_952] in [0] : vector<16xf32>, vector<16xi32> -> vector<16xf32>
      %lt3A_954 = arith.constant 0 : i32
      %lt3A_955 = vector.broadcast %lt3A_954 : i32 to vector<16xi32>
      %lt3A_956 = arith.cmpi slt, %min3A_14, %lt3A_955 : vector<16xi32>
      %add3A_957 = arith.constant 16 : i32
      %add3A_958 = vector.broadcast %add3A_957 : i32 to vector<16xi32>
      %add3A_959 = arith.addi %min3A_14, %add3A_958 : vector<16xi32>
      %select_n3A_960 = arith.select %lt3A_956, %add3A_959, %min3A_14 : vector<16xi1>, vector<16xi32>
      %broadcast_in_dim3A_961 = vector.shape_cast %select_n3A_960 : vector<16xi32> to vector<16x1xi32>
      %gather3A_962 = vector.shape_cast %broadcast_in_dim3A_961 : vector<16x1xi32> to vector<16xi32>
      %gather3A_963 = tpu.dynamic_gather %scan3A_811[%gather3A_962] in [0] : vector<16xf32>, vector<16xi32> -> vector<16xf32>
      %le3A_964 = arith.cmpf ole, %gather3A_953, %scan3A_811 : vector<16xf32>
      %le3A_965 = arith.cmpf ole, %gather3A_953, %gather3A_963 : vector<16xf32>
      %and3A_966 = arith.andi %le3A_964, %le3A_965 : vector<16xi1>
      %not3A_967 = arith.constant dense<true> : vector<16xi1>
      %not3A_968 = arith.xori %and3A_966, %not3A_967 : vector<16xi1>
      %le3A_969 = arith.cmpf ole, %scan3A_811, %gather3A_963 : vector<16xf32>
      %and3A_970 = arith.andi %not3A_968, %le3A_969 : vector<16xi1>
      %select_n3A_971 = arith.select %and3A_970, %iota3A, %min3A_14 : vector<16xi1>, vector<16xi32>
      %select_n3A_972 = arith.select %and3A_966, %max3A_9, %select_n3A_971 : vector<16xi1>, vector<16xi32>
      %select_n3A_973 = arith.select %and3A_970, %scan3A_811, %gather3A_963 : vector<16xi1>, vector<16xf32>
      %select_n3A_974 = arith.select %and3A_966, %gather3A_953, %select_n3A_973 : vector<16xi1>, vector<16xf32>
      %add3A_975 = vector.broadcast %scan3A_807 : i32 to vector<16xi32>
      %add3A_976 = arith.addi %add3A_975, %broadcast_in_dim3A_15 : vector<16xi32>
      %gather3A_977 = tpu.vector_load_idx %arg7[%add3A_5, %add3A_976] : memref<24x512xf32, #tpu.memory_space<vmem>>[vector<16xi32>, vector<16xi32>], vector<16xf32>,
      %sub3A_978 = arith.subf %select_n3A_974, %gather3A_977 : vector<16xf32>
      %jit3A_979 = arith.constant 1.000000e+30 : f32
      %broadcast_in_dim3A_980 = vector.broadcast %jit3A_979 : f32 to vector<16xf32>
      %select_n3A_981 = arith.select %lt3A_2, %sub3A_978, %broadcast_in_dim3A_980 : vector<16xi1>, vector<16xf32>
      %add3A_982 = arith.constant 1536 : i32
      %add3A_983 = arith.addi %add3A_982, %scan3A_807 : i32
      %mul3A_984 = arith.constant 16 : i32
      %mul3A_985 = arith.muli %add3A_983, %mul3A_984 : i32
      %swap3A_986 = arith.index_cast %mul3A_985 : i32 to index
      %swap3A_987 = tpu.vector_load %arg8[%swap3A_986] {strides = array<i32>} : memref<32768xi32, #tpu.memory_space<vmem>>, vector<16xi32>,
      tpu.vector_store %arg8[%swap3A_986], %select_n3A_972 {strides = array<i32>} : memref<32768xi32, #tpu.memory_space<vmem>>, vector<16xi32>,
      %scan3A_988 = arith.constant 1 : i32
      %scan3A_989 = arith.addi %scan3A_807, %scan3A_988 : i32
      %lt3A_990 = arith.constant 0 : i32
      %lt3A_991 = vector.broadcast %lt3A_990 : i32 to vector<16xi32>
      %lt3A_992 = arith.cmpi slt, %max3A_9, %lt3A_991 : vector<16xi32>
      %add3A_993 = arith.constant 16 : i32
      %add3A_994 = vector.broadcast %add3A_993 : i32 to vector<16xi32>
      %add3A_995 = arith.addi %max3A_9, %add3A_994 : vector<16xi32>
      %select_n3A_996 = arith.select %lt3A_992, %add3A_995, %max3A_9 : vector<16xi1>, vector<16xi32>
      %broadcast_in_dim3A_997 = vector.shape_cast %select_n3A_996 : vector<16xi32> to vector<16x1xi32>
      %gather3A_998 = vector.shape_cast %broadcast_in_dim3A_997 : vector<16x1xi32> to vector<16xi32>
      %gather3A_999 = tpu.dynamic_gather %select_n3A_849[%gather3A_998] in [0] : vector<16xf32>, vector<16xi32> -> vector<16xf32>
      %lt3A_1000 = arith.constant 0 : i32
      %lt3A_1001 = vector.broadcast %lt3A_1000 : i32 to vector<16xi32>
      %lt3A_1002 = arith.cmpi slt, %min3A_14, %lt3A_1001 : vector<16xi32>
      %add3A_1003 = arith.constant 16 : i32
      %add3A_1004 = vector.broadcast %add3A_1003 : i32 to vector<16xi32>
      %add3A_1005 = arith.addi %min3A_14, %add3A_1004 : vector<16xi32>
      %select_n3A_1006 = arith.select %lt3A_1002, %add3A_1005, %min3A_14 : vector<16xi1>, vector<16xi32>
      %broadcast_in_dim3A_1007 = vector.shape_cast %select_n3A_1006 : vector<16xi32> to vector<16x1xi32>
      %gather3A_1008 = vector.shape_cast %broadcast_in_dim3A_1007 : vector<16x1xi32> to vector<16xi32>
      %gather3A_1009 = tpu.dynamic_gather %select_n3A_849[%gather3A_1008] in [0] : vector<16xf32>, vector<16xi32> -> vector<16xf32>
      %le3A_1010 = arith.cmpf ole, %gather3A_999, %select_n3A_849 : vector<16xf32>
      %le3A_1011 = arith.cmpf ole, %gather3A_999, %gather3A_1009 : vector<16xf32>
      %and3A_1012 = arith.andi %le3A_1010, %le3A_1011 : vector<16xi1>
      %not3A_1013 = arith.constant dense<true> : vector<16xi1>
      %not3A_1014 = arith.xori %and3A_1012, %not3A_1013 : vector<16xi1>
      %le3A_1015 = arith.cmpf ole, %select_n3A_849, %gather3A_1009 : vector<16xf32>
      %and3A_1016 = arith.andi %not3A_1014, %le3A_1015 : vector<16xi1>
      %select_n3A_1017 = arith.select %and3A_1016, %iota3A, %min3A_14 : vector<16xi1>, vector<16xi32>
      %select_n3A_1018 = arith.select %and3A_1012, %max3A_9, %select_n3A_1017 : vector<16xi1>, vector<16xi32>
      %select_n3A_1019 = arith.select %and3A_1016, %select_n3A_849, %gather3A_1009 : vector<16xi1>, vector<16xf32>
      %select_n3A_1020 = arith.select %and3A_1012, %gather3A_999, %select_n3A_1019 : vector<16xi1>, vector<16xf32>
      %add3A_1021 = vector.broadcast %scan3A_989 : i32 to vector<16xi32>
      %add3A_1022 = arith.addi %add3A_1021, %broadcast_in_dim3A_15 : vector<16xi32>
      %gather3A_1023 = tpu.vector_load_idx %arg4[%add3A_5, %add3A_1022] : memref<24x512xf32, #tpu.memory_space<vmem>>[vector<16xi32>, vector<16xi32>], vector<16xf32>,
      %sub3A_1024 = arith.subf %select_n3A_1020, %gather3A_1023 : vector<16xf32>
      %jit3A_1025 = arith.constant 1.000000e+30 : f32
      %broadcast_in_dim3A_1026 = vector.broadcast %jit3A_1025 : f32 to vector<16xf32>
      %select_n3A_1027 = arith.select %lt3A_2, %sub3A_1024, %broadcast_in_dim3A_1026 : vector<16xi1>, vector<16xf32>
      %add3A_1028 = arith.constant 0 : i32
      %add3A_1029 = arith.addi %add3A_1028, %scan3A_989 : i32
      %mul3A_1030 = arith.constant 16 : i32
      %mul3A_1031 = arith.muli %add3A_1029, %mul3A_1030 : i32
      %swap3A_1032 = arith.index_cast %mul3A_1031 : i32 to index
      %swap3A_1033 = tpu.vector_load %arg8[%swap3A_1032] {strides = array<i32>} : memref<32768xi32, #tpu.memory_space<vmem>>, vector<16xi32>,
      tpu.vector_store %arg8[%swap3A_1032], %select_n3A_1018 {strides = array<i32>} : memref<32768xi32, #tpu.memory_space<vmem>>, vector<16xi32>,
      %lt3A_1034 = arith.constant 0 : i32
      %lt3A_1035 = vector.broadcast %lt3A_1034 : i32 to vector<16xi32>
      %lt3A_1036 = arith.cmpi slt, %max3A_9, %lt3A_1035 : vector<16xi32>
      %add3A_1037 = arith.constant 16 : i32
      %add3A_1038 = vector.broadcast %add3A_1037 : i32 to vector<16xi32>
      %add3A_1039 = arith.addi %max3A_9, %add3A_1038 : vector<16xi32>
      %select_n3A_1040 = arith.select %lt3A_1036, %add3A_1039, %max3A_9 : vector<16xi1>, vector<16xi32>
      %broadcast_in_dim3A_1041 = vector.shape_cast %select_n3A_1040 : vector<16xi32> to vector<16x1xi32>
      %gather3A_1042 = vector.shape_cast %broadcast_in_dim3A_1041 : vector<16x1xi32> to vector<16xi32>
      %gather3A_1043 = tpu.dynamic_gather %select_n3A_893[%gather3A_1042] in [0] : vector<16xf32>, vector<16xi32> -> vector<16xf32>
      %lt3A_1044 = arith.constant 0 : i32
      %lt3A_1045 = vector.broadcast %lt3A_1044 : i32 to vector<16xi32>
      %lt3A_1046 = arith.cmpi slt, %min3A_14, %lt3A_1045 : vector<16xi32>
      %add3A_1047 = arith.constant 16 : i32
      %add3A_1048 = vector.broadcast %add3A_1047 : i32 to vector<16xi32>
      %add3A_1049 = arith.addi %min3A_14, %add3A_1048 : vector<16xi32>
      %select_n3A_1050 = arith.select %lt3A_1046, %add3A_1049, %min3A_14 : vector<16xi1>, vector<16xi32>
      %broadcast_in_dim3A_1051 = vector.shape_cast %select_n3A_1050 : vector<16xi32> to vector<16x1xi32>
      %gather3A_1052 = vector.shape_cast %broadcast_in_dim3A_1051 : vector<16x1xi32> to vector<16xi32>
      %gather3A_1053 = tpu.dynamic_gather %select_n3A_893[%gather3A_1052] in [0] : vector<16xf32>, vector<16xi32> -> vector<16xf32>
      %le3A_1054 = arith.cmpf ole, %gather3A_1043, %select_n3A_893 : vector<16xf32>
      %le3A_1055 = arith.cmpf ole, %gather3A_1043, %gather3A_1053 : vector<16xf32>
      %and3A_1056 = arith.andi %le3A_1054, %le3A_1055 : vector<16xi1>
      %not3A_1057 = arith.constant dense<true> : vector<16xi1>
      %not3A_1058 = arith.xori %and3A_1056, %not3A_1057 : vector<16xi1>
      %le3A_1059 = arith.cmpf ole, %select_n3A_893, %gather3A_1053 : vector<16xf32>
      %and3A_1060 = arith.andi %not3A_1058, %le3A_1059 : vector<16xi1>
      %select_n3A_1061 = arith.select %and3A_1060, %iota3A, %min3A_14 : vector<16xi1>, vector<16xi32>
      %select_n3A_1062 = arith.select %and3A_1056, %max3A_9, %select_n3A_1061 : vector<16xi1>, vector<16xi32>
      %select_n3A_1063 = arith.select %and3A_1060, %select_n3A_893, %gather3A_1053 : vector<16xi1>, vector<16xf32>
      %select_n3A_1064 = arith.select %and3A_1056, %gather3A_1043, %select_n3A_1063 : vector<16xi1>, vector<16xf32>
      %add3A_1065 = vector.broadcast %scan3A_989 : i32 to vector<16xi32>
      %add3A_1066 = arith.addi %add3A_1065, %broadcast_in_dim3A_15 : vector<16xi32>
      %gather3A_1067 = tpu.vector_load_idx %arg5[%add3A_5, %add3A_1066] : memref<24x512xf32, #tpu.memory_space<vmem>>[vector<16xi32>, vector<16xi32>], vector<16xf32>,
      %sub3A_1068 = arith.subf %select_n3A_1064, %gather3A_1067 : vector<16xf32>
      %jit3A_1069 = arith.constant 1.000000e+30 : f32
      %broadcast_in_dim3A_1070 = vector.broadcast %jit3A_1069 : f32 to vector<16xf32>
      %select_n3A_1071 = arith.select %lt3A_2, %sub3A_1068, %broadcast_in_dim3A_1070 : vector<16xi1>, vector<16xf32>
      %add3A_1072 = arith.constant 512 : i32
      %add3A_1073 = arith.addi %add3A_1072, %scan3A_989 : i32
      %mul3A_1074 = arith.constant 16 : i32
      %mul3A_1075 = arith.muli %add3A_1073, %mul3A_1074 : i32
      %swap3A_1076 = arith.index_cast %mul3A_1075 : i32 to index
      %swap3A_1077 = tpu.vector_load %arg8[%swap3A_1076] {strides = array<i32>} : memref<32768xi32, #tpu.memory_space<vmem>>, vector<16xi32>,
      tpu.vector_store %arg8[%swap3A_1076], %select_n3A_1062 {strides = array<i32>} : memref<32768xi32, #tpu.memory_space<vmem>>, vector<16xi32>,
      %lt3A_1078 = arith.constant 0 : i32
      %lt3A_1079 = vector.broadcast %lt3A_1078 : i32 to vector<16xi32>
      %lt3A_1080 = arith.cmpi slt, %max3A_9, %lt3A_1079 : vector<16xi32>
      %add3A_1081 = arith.constant 16 : i32
      %add3A_1082 = vector.broadcast %add3A_1081 : i32 to vector<16xi32>
      %add3A_1083 = arith.addi %max3A_9, %add3A_1082 : vector<16xi32>
      %select_n3A_1084 = arith.select %lt3A_1080, %add3A_1083, %max3A_9 : vector<16xi1>, vector<16xi32>
      %broadcast_in_dim3A_1085 = vector.shape_cast %select_n3A_1084 : vector<16xi32> to vector<16x1xi32>
      %gather3A_1086 = vector.shape_cast %broadcast_in_dim3A_1085 : vector<16x1xi32> to vector<16xi32>
      %gather3A_1087 = tpu.dynamic_gather %select_n3A_937[%gather3A_1086] in [0] : vector<16xf32>, vector<16xi32> -> vector<16xf32>
      %lt3A_1088 = arith.constant 0 : i32
      %lt3A_1089 = vector.broadcast %lt3A_1088 : i32 to vector<16xi32>
      %lt3A_1090 = arith.cmpi slt, %min3A_14, %lt3A_1089 : vector<16xi32>
      %add3A_1091 = arith.constant 16 : i32
      %add3A_1092 = vector.broadcast %add3A_1091 : i32 to vector<16xi32>
      %add3A_1093 = arith.addi %min3A_14, %add3A_1092 : vector<16xi32>
      %select_n3A_1094 = arith.select %lt3A_1090, %add3A_1093, %min3A_14 : vector<16xi1>, vector<16xi32>
      %broadcast_in_dim3A_1095 = vector.shape_cast %select_n3A_1094 : vector<16xi32> to vector<16x1xi32>
      %gather3A_1096 = vector.shape_cast %broadcast_in_dim3A_1095 : vector<16x1xi32> to vector<16xi32>
      %gather3A_1097 = tpu.dynamic_gather %select_n3A_937[%gather3A_1096] in [0] : vector<16xf32>, vector<16xi32> -> vector<16xf32>
      %le3A_1098 = arith.cmpf ole, %gather3A_1087, %select_n3A_937 : vector<16xf32>
      %le3A_1099 = arith.cmpf ole, %gather3A_1087, %gather3A_1097 : vector<16xf32>
      %and3A_1100 = arith.andi %le3A_1098, %le3A_1099 : vector<16xi1>
      %not3A_1101 = arith.constant dense<true> : vector<16xi1>
      %not3A_1102 = arith.xori %and3A_1100, %not3A_1101 : vector<16xi1>
      %le3A_1103 = arith.cmpf ole, %select_n3A_937, %gather3A_1097 : vector<16xf32>
      %and3A_1104 = arith.andi %not3A_1102, %le3A_1103 : vector<16xi1>
      %select_n3A_1105 = arith.select %and3A_1104, %iota3A, %min3A_14 : vector<16xi1>, vector<16xi32>
      %select_n3A_1106 = arith.select %and3A_1100, %max3A_9, %select_n3A_1105 : vector<16xi1>, vector<16xi32>
      %select_n3A_1107 = arith.select %and3A_1104, %select_n3A_937, %gather3A_1097 : vector<16xi1>, vector<16xf32>
      %select_n3A_1108 = arith.select %and3A_1100, %gather3A_1087, %select_n3A_1107 : vector<16xi1>, vector<16xf32>
      %add3A_1109 = vector.broadcast %scan3A_989 : i32 to vector<16xi32>
      %add3A_1110 = arith.addi %add3A_1109, %broadcast_in_dim3A_15 : vector<16xi32>
      %gather3A_1111 = tpu.vector_load_idx %arg6[%add3A_5, %add3A_1110] : memref<24x512xf32, #tpu.memory_space<vmem>>[vector<16xi32>, vector<16xi32>], vector<16xf32>,
      %sub3A_1112 = arith.subf %select_n3A_1108, %gather3A_1111 : vector<16xf32>
      %jit3A_1113 = arith.constant 1.000000e+30 : f32
      %broadcast_in_dim3A_1114 = vector.broadcast %jit3A_1113 : f32 to vector<16xf32>
      %select_n3A_1115 = arith.select %lt3A_2, %sub3A_1112, %broadcast_in_dim3A_1114 : vector<16xi1>, vector<16xf32>
      %add3A_1116 = arith.constant 1024 : i32
      %add3A_1117 = arith.addi %add3A_1116, %scan3A_989 : i32
      %mul3A_1118 = arith.constant 16 : i32
      %mul3A_1119 = arith.muli %add3A_1117, %mul3A_1118 : i32
      %swap3A_1120 = arith.index_cast %mul3A_1119 : i32 to index
      %swap3A_1121 = tpu.vector_load %arg8[%swap3A_1120] {strides = array<i32>} : memref<32768xi32, #tpu.memory_space<vmem>>, vector<16xi32>,
      tpu.vector_store %arg8[%swap3A_1120], %select_n3A_1106 {strides = array<i32>} : memref<32768xi32, #tpu.memory_space<vmem>>, vector<16xi32>,
      %lt3A_1122 = arith.constant 0 : i32
      %lt3A_1123 = vector.broadcast %lt3A_1122 : i32 to vector<16xi32>
      %lt3A_1124 = arith.cmpi slt, %max3A_9, %lt3A_1123 : vector<16xi32>
      %add3A_1125 = arith.constant 16 : i32
      %add3A_1126 = vector.broadcast %add3A_1125 : i32 to vector<16xi32>
      %add3A_1127 = arith.addi %max3A_9, %add3A_1126 : vector<16xi32>
      %select_n3A_1128 = arith.select %lt3A_1124, %add3A_1127, %max3A_9 : vector<16xi1>, vector<16xi32>
      %broadcast_in_dim3A_1129 = vector.shape_cast %select_n3A_1128 : vector<16xi32> to vector<16x1xi32>
      %gather3A_1130 = vector.shape_cast %broadcast_in_dim3A_1129 : vector<16x1xi32> to vector<16xi32>
      %gather3A_1131 = tpu.dynamic_gather %select_n3A_981[%gather3A_1130] in [0] : vector<16xf32>, vector<16xi32> -> vector<16xf32>
      %lt3A_1132 = arith.constant 0 : i32
      %lt3A_1133 = vector.broadcast %lt3A_1132 : i32 to vector<16xi32>
      %lt3A_1134 = arith.cmpi slt, %min3A_14, %lt3A_1133 : vector<16xi32>
      %add3A_1135 = arith.constant 16 : i32
      %add3A_1136 = vector.broadcast %add3A_1135 : i32 to vector<16xi32>
      %add3A_1137 = arith.addi %min3A_14, %add3A_1136 : vector<16xi32>
      %select_n3A_1138 = arith.select %lt3A_1134, %add3A_1137, %min3A_14 : vector<16xi1>, vector<16xi32>
      %broadcast_in_dim3A_1139 = vector.shape_cast %select_n3A_1138 : vector<16xi32> to vector<16x1xi32>
      %gather3A_1140 = vector.shape_cast %broadcast_in_dim3A_1139 : vector<16x1xi32> to vector<16xi32>
      %gather3A_1141 = tpu.dynamic_gather %select_n3A_981[%gather3A_1140] in [0] : vector<16xf32>, vector<16xi32> -> vector<16xf32>
      %le3A_1142 = arith.cmpf ole, %gather3A_1131, %select_n3A_981 : vector<16xf32>
      %le3A_1143 = arith.cmpf ole, %gather3A_1131, %gather3A_1141 : vector<16xf32>
      %and3A_1144 = arith.andi %le3A_1142, %le3A_1143 : vector<16xi1>
      %not3A_1145 = arith.constant dense<true> : vector<16xi1>
      %not3A_1146 = arith.xori %and3A_1144, %not3A_1145 : vector<16xi1>
      %le3A_1147 = arith.cmpf ole, %select_n3A_981, %gather3A_1141 : vector<16xf32>
      %and3A_1148 = arith.andi %not3A_1146, %le3A_1147 : vector<16xi1>
      %select_n3A_1149 = arith.select %and3A_1148, %iota3A, %min3A_14 : vector<16xi1>, vector<16xi32>
      %select_n3A_1150 = arith.select %and3A_1144, %max3A_9, %select_n3A_1149 : vector<16xi1>, vector<16xi32>
      %select_n3A_1151 = arith.select %and3A_1148, %select_n3A_981, %gather3A_1141 : vector<16xi1>, vector<16xf32>
      %select_n3A_1152 = arith.select %and3A_1144, %gather3A_1131, %select_n3A_1151 : vector<16xi1>, vector<16xf32>
      %add3A_1153 = vector.broadcast %scan3A_989 : i32 to vector<16xi32>
      %add3A_1154 = arith.addi %add3A_1153, %broadcast_in_dim3A_15 : vector<16xi32>
      %gather3A_1155 = tpu.vector_load_idx %arg7[%add3A_5, %add3A_1154] : memref<24x512xf32, #tpu.memory_space<vmem>>[vector<16xi32>, vector<16xi32>], vector<16xf32>,
      %sub3A_1156 = arith.subf %select_n3A_1152, %gather3A_1155 : vector<16xf32>
      %jit3A_1157 = arith.constant 1.000000e+30 : f32
      %broadcast_in_dim3A_1158 = vector.broadcast %jit3A_1157 : f32 to vector<16xf32>
      %select_n3A_1159 = arith.select %lt3A_2, %sub3A_1156, %broadcast_in_dim3A_1158 : vector<16xi1>, vector<16xf32>
      %add3A_1160 = arith.constant 1536 : i32
      %add3A_1161 = arith.addi %add3A_1160, %scan3A_989 : i32
      %mul3A_1162 = arith.constant 16 : i32
      %mul3A_1163 = arith.muli %add3A_1161, %mul3A_1162 : i32
      %swap3A_1164 = arith.index_cast %mul3A_1163 : i32 to index
      %swap3A_1165 = tpu.vector_load %arg8[%swap3A_1164] {strides = array<i32>} : memref<32768xi32, #tpu.memory_space<vmem>>, vector<16xi32>,
      tpu.vector_store %arg8[%swap3A_1164], %select_n3A_1150 {strides = array<i32>} : memref<32768xi32, #tpu.memory_space<vmem>>, vector<16xi32>,
      %scan3A_1166 = arith.constant 2 : i32
      %scan3A_1167 = arith.addi %scan3A_807, %scan3A_1166 : i32
      %lt3A_1168 = arith.constant 0 : i32
      %lt3A_1169 = vector.broadcast %lt3A_1168 : i32 to vector<16xi32>
      %lt3A_1170 = arith.cmpi slt, %max3A_9, %lt3A_1169 : vector<16xi32>
      %add3A_1171 = arith.constant 16 : i32
      %add3A_1172 = vector.broadcast %add3A_1171 : i32 to vector<16xi32>
      %add3A_1173 = arith.addi %max3A_9, %add3A_1172 : vector<16xi32>
      %select_n3A_1174 = arith.select %lt3A_1170, %add3A_1173, %max3A_9 : vector<16xi1>, vector<16xi32>
      %broadcast_in_dim3A_1175 = vector.shape_cast %select_n3A_1174 : vector<16xi32> to vector<16x1xi32>
      %gather3A_1176 = vector.shape_cast %broadcast_in_dim3A_1175 : vector<16x1xi32> to vector<16xi32>
      %gather3A_1177 = tpu.dynamic_gather %select_n3A_1027[%gather3A_1176] in [0] : vector<16xf32>, vector<16xi32> -> vector<16xf32>
      %lt3A_1178 = arith.constant 0 : i32
      %lt3A_1179 = vector.broadcast %lt3A_1178 : i32 to vector<16xi32>
      %lt3A_1180 = arith.cmpi slt, %min3A_14, %lt3A_1179 : vector<16xi32>
      %add3A_1181 = arith.constant 16 : i32
      %add3A_1182 = vector.broadcast %add3A_1181 : i32 to vector<16xi32>
      %add3A_1183 = arith.addi %min3A_14, %add3A_1182 : vector<16xi32>
      %select_n3A_1184 = arith.select %lt3A_1180, %add3A_1183, %min3A_14 : vector<16xi1>, vector<16xi32>
      %broadcast_in_dim3A_1185 = vector.shape_cast %select_n3A_1184 : vector<16xi32> to vector<16x1xi32>
      %gather3A_1186 = vector.shape_cast %broadcast_in_dim3A_1185 : vector<16x1xi32> to vector<16xi32>
      %gather3A_1187 = tpu.dynamic_gather %select_n3A_1027[%gather3A_1186] in [0] : vector<16xf32>, vector<16xi32> -> vector<16xf32>
      %le3A_1188 = arith.cmpf ole, %gather3A_1177, %select_n3A_1027 : vector<16xf32>
      %le3A_1189 = arith.cmpf ole, %gather3A_1177, %gather3A_1187 : vector<16xf32>
      %and3A_1190 = arith.andi %le3A_1188, %le3A_1189 : vector<16xi1>
      %not3A_1191 = arith.constant dense<true> : vector<16xi1>
      %not3A_1192 = arith.xori %and3A_1190, %not3A_1191 : vector<16xi1>
      %le3A_1193 = arith.cmpf ole, %select_n3A_1027, %gather3A_1187 : vector<16xf32>
      %and3A_1194 = arith.andi %not3A_1192, %le3A_1193 : vector<16xi1>
      %select_n3A_1195 = arith.select %and3A_1194, %iota3A, %min3A_14 : vector<16xi1>, vector<16xi32>
      %select_n3A_1196 = arith.select %and3A_1190, %max3A_9, %select_n3A_1195 : vector<16xi1>, vector<16xi32>
      %select_n3A_1197 = arith.select %and3A_1194, %select_n3A_1027, %gather3A_1187 : vector<16xi1>, vector<16xf32>
      %select_n3A_1198 = arith.select %and3A_1190, %gather3A_1177, %select_n3A_1197 : vector<16xi1>, vector<16xf32>
      %add3A_1199 = vector.broadcast %scan3A_1167 : i32 to vector<16xi32>
      %add3A_1200 = arith.addi %add3A_1199, %broadcast_in_dim3A_15 : vector<16xi32>
      %gather3A_1201 = tpu.vector_load_idx %arg4[%add3A_5, %add3A_1200] : memref<24x512xf32, #tpu.memory_space<vmem>>[vector<16xi32>, vector<16xi32>], vector<16xf32>,
      %sub3A_1202 = arith.subf %select_n3A_1198, %gather3A_1201 : vector<16xf32>
      %jit3A_1203 = arith.constant 1.000000e+30 : f32
      %broadcast_in_dim3A_1204 = vector.broadcast %jit3A_1203 : f32 to vector<16xf32>
      %select_n3A_1205 = arith.select %lt3A_2, %sub3A_1202, %broadcast_in_dim3A_1204 : vector<16xi1>, vector<16xf32>
      %add3A_1206 = arith.constant 0 : i32
      %add3A_1207 = arith.addi %add3A_1206, %scan3A_1167 : i32
      %mul3A_1208 = arith.constant 16 : i32
      %mul3A_1209 = arith.muli %add3A_1207, %mul3A_1208 : i32
      %swap3A_1210 = arith.index_cast %mul3A_1209 : i32 to index
      %swap3A_1211 = tpu.vector_load %arg8[%swap3A_1210] {strides = array<i32>} : memref<32768xi32, #tpu.memory_space<vmem>>, vector<16xi32>,
      tpu.vector_store %arg8[%swap3A_1210], %select_n3A_1196 {strides = array<i32>} : memref<32768xi32, #tpu.memory_space<vmem>>, vector<16xi32>,
      %lt3A_1212 = arith.constant 0 : i32
      %lt3A_1213 = vector.broadcast %lt3A_1212 : i32 to vector<16xi32>
      %lt3A_1214 = arith.cmpi slt, %max3A_9, %lt3A_1213 : vector<16xi32>
      %add3A_1215 = arith.constant 16 : i32
      %add3A_1216 = vector.broadcast %add3A_1215 : i32 to vector<16xi32>
      %add3A_1217 = arith.addi %max3A_9, %add3A_1216 : vector<16xi32>
      %select_n3A_1218 = arith.select %lt3A_1214, %add3A_1217, %max3A_9 : vector<16xi1>, vector<16xi32>
      %broadcast_in_dim3A_1219 = vector.shape_cast %select_n3A_1218 : vector<16xi32> to vector<16x1xi32>
      %gather3A_1220 = vector.shape_cast %broadcast_in_dim3A_1219 : vector<16x1xi32> to vector<16xi32>
      %gather3A_1221 = tpu.dynamic_gather %select_n3A_1071[%gather3A_1220] in [0] : vector<16xf32>, vector<16xi32> -> vector<16xf32>
      %lt3A_1222 = arith.constant 0 : i32
      %lt3A_1223 = vector.broadcast %lt3A_1222 : i32 to vector<16xi32>
      %lt3A_1224 = arith.cmpi slt, %min3A_14, %lt3A_1223 : vector<16xi32>
      %add3A_1225 = arith.constant 16 : i32
      %add3A_1226 = vector.broadcast %add3A_1225 : i32 to vector<16xi32>
      %add3A_1227 = arith.addi %min3A_14, %add3A_1226 : vector<16xi32>
      %select_n3A_1228 = arith.select %lt3A_1224, %add3A_1227, %min3A_14 : vector<16xi1>, vector<16xi32>
      %broadcast_in_dim3A_1229 = vector.shape_cast %select_n3A_1228 : vector<16xi32> to vector<16x1xi32>
      %gather3A_1230 = vector.shape_cast %broadcast_in_dim3A_1229 : vector<16x1xi32> to vector<16xi32>
      %gather3A_1231 = tpu.dynamic_gather %select_n3A_1071[%gather3A_1230] in [0] : vector<16xf32>, vector<16xi32> -> vector<16xf32>
      %le3A_1232 = arith.cmpf ole, %gather3A_1221, %select_n3A_1071 : vector<16xf32>
      %le3A_1233 = arith.cmpf ole, %gather3A_1221, %gather3A_1231 : vector<16xf32>
      %and3A_1234 = arith.andi %le3A_1232, %le3A_1233 : vector<16xi1>
      %not3A_1235 = arith.constant dense<true> : vector<16xi1>
      %not3A_1236 = arith.xori %and3A_1234, %not3A_1235 : vector<16xi1>
      %le3A_1237 = arith.cmpf ole, %select_n3A_1071, %gather3A_1231 : vector<16xf32>
      %and3A_1238 = arith.andi %not3A_1236, %le3A_1237 : vector<16xi1>
      %select_n3A_1239 = arith.select %and3A_1238, %iota3A, %min3A_14 : vector<16xi1>, vector<16xi32>
      %select_n3A_1240 = arith.select %and3A_1234, %max3A_9, %select_n3A_1239 : vector<16xi1>, vector<16xi32>
      %select_n3A_1241 = arith.select %and3A_1238, %select_n3A_1071, %gather3A_1231 : vector<16xi1>, vector<16xf32>
      %select_n3A_1242 = arith.select %and3A_1234, %gather3A_1221, %select_n3A_1241 : vector<16xi1>, vector<16xf32>
      %add3A_1243 = vector.broadcast %scan3A_1167 : i32 to vector<16xi32>
      %add3A_1244 = arith.addi %add3A_1243, %broadcast_in_dim3A_15 : vector<16xi32>
      %gather3A_1245 = tpu.vector_load_idx %arg5[%add3A_5, %add3A_1244] : memref<24x512xf32, #tpu.memory_space<vmem>>[vector<16xi32>, vector<16xi32>], vector<16xf32>,
      %sub3A_1246 = arith.subf %select_n3A_1242, %gather3A_1245 : vector<16xf32>
      %jit3A_1247 = arith.constant 1.000000e+30 : f32
      %broadcast_in_dim3A_1248 = vector.broadcast %jit3A_1247 : f32 to vector<16xf32>
      %select_n3A_1249 = arith.select %lt3A_2, %sub3A_1246, %broadcast_in_dim3A_1248 : vector<16xi1>, vector<16xf32>
      %add3A_1250 = arith.constant 512 : i32
      %add3A_1251 = arith.addi %add3A_1250, %scan3A_1167 : i32
      %mul3A_1252 = arith.constant 16 : i32
      %mul3A_1253 = arith.muli %add3A_1251, %mul3A_1252 : i32
      %swap3A_1254 = arith.index_cast %mul3A_1253 : i32 to index
      %swap3A_1255 = tpu.vector_load %arg8[%swap3A_1254] {strides = array<i32>} : memref<32768xi32, #tpu.memory_space<vmem>>, vector<16xi32>,
      tpu.vector_store %arg8[%swap3A_1254], %select_n3A_1240 {strides = array<i32>} : memref<32768xi32, #tpu.memory_space<vmem>>, vector<16xi32>,
      %lt3A_1256 = arith.constant 0 : i32
      %lt3A_1257 = vector.broadcast %lt3A_1256 : i32 to vector<16xi32>
      %lt3A_1258 = arith.cmpi slt, %max3A_9, %lt3A_1257 : vector<16xi32>
      %add3A_1259 = arith.constant 16 : i32
      %add3A_1260 = vector.broadcast %add3A_1259 : i32 to vector<16xi32>
      %add3A_1261 = arith.addi %max3A_9, %add3A_1260 : vector<16xi32>
      %select_n3A_1262 = arith.select %lt3A_1258, %add3A_1261, %max3A_9 : vector<16xi1>, vector<16xi32>
      %broadcast_in_dim3A_1263 = vector.shape_cast %select_n3A_1262 : vector<16xi32> to vector<16x1xi32>
      %gather3A_1264 = vector.shape_cast %broadcast_in_dim3A_1263 : vector<16x1xi32> to vector<16xi32>
      %gather3A_1265 = tpu.dynamic_gather %select_n3A_1115[%gather3A_1264] in [0] : vector<16xf32>, vector<16xi32> -> vector<16xf32>
      %lt3A_1266 = arith.constant 0 : i32
      %lt3A_1267 = vector.broadcast %lt3A_1266 : i32 to vector<16xi32>
      %lt3A_1268 = arith.cmpi slt, %min3A_14, %lt3A_1267 : vector<16xi32>
      %add3A_1269 = arith.constant 16 : i32
      %add3A_1270 = vector.broadcast %add3A_1269 : i32 to vector<16xi32>
      %add3A_1271 = arith.addi %min3A_14, %add3A_1270 : vector<16xi32>
      %select_n3A_1272 = arith.select %lt3A_1268, %add3A_1271, %min3A_14 : vector<16xi1>, vector<16xi32>
      %broadcast_in_dim3A_1273 = vector.shape_cast %select_n3A_1272 : vector<16xi32> to vector<16x1xi32>
      %gather3A_1274 = vector.shape_cast %broadcast_in_dim3A_1273 : vector<16x1xi32> to vector<16xi32>
      %gather3A_1275 = tpu.dynamic_gather %select_n3A_1115[%gather3A_1274] in [0] : vector<16xf32>, vector<16xi32> -> vector<16xf32>
      %le3A_1276 = arith.cmpf ole, %gather3A_1265, %select_n3A_1115 : vector<16xf32>
      %le3A_1277 = arith.cmpf ole, %gather3A_1265, %gather3A_1275 : vector<16xf32>
      %and3A_1278 = arith.andi %le3A_1276, %le3A_1277 : vector<16xi1>
      %not3A_1279 = arith.constant dense<true> : vector<16xi1>
      %not3A_1280 = arith.xori %and3A_1278, %not3A_1279 : vector<16xi1>
      %le3A_1281 = arith.cmpf ole, %select_n3A_1115, %gather3A_1275 : vector<16xf32>
      %and3A_1282 = arith.andi %not3A_1280, %le3A_1281 : vector<16xi1>
      %select_n3A_1283 = arith.select %and3A_1282, %iota3A, %min3A_14 : vector<16xi1>, vector<16xi32>
      %select_n3A_1284 = arith.select %and3A_1278, %max3A_9, %select_n3A_1283 : vector<16xi1>, vector<16xi32>
      %select_n3A_1285 = arith.select %and3A_1282, %select_n3A_1115, %gather3A_1275 : vector<16xi1>, vector<16xf32>
      %select_n3A_1286 = arith.select %and3A_1278, %gather3A_1265, %select_n3A_1285 : vector<16xi1>, vector<16xf32>
      %add3A_1287 = vector.broadcast %scan3A_1167 : i32 to vector<16xi32>
      %add3A_1288 = arith.addi %add3A_1287, %broadcast_in_dim3A_15 : vector<16xi32>
      %gather3A_1289 = tpu.vector_load_idx %arg6[%add3A_5, %add3A_1288] : memref<24x512xf32, #tpu.memory_space<vmem>>[vector<16xi32>, vector<16xi32>], vector<16xf32>,
      %sub3A_1290 = arith.subf %select_n3A_1286, %gather3A_1289 : vector<16xf32>
      %jit3A_1291 = arith.constant 1.000000e+30 : f32
      %broadcast_in_dim3A_1292 = vector.broadcast %jit3A_1291 : f32 to vector<16xf32>
      %select_n3A_1293 = arith.select %lt3A_2, %sub3A_1290, %broadcast_in_dim3A_1292 : vector<16xi1>, vector<16xf32>
      %add3A_1294 = arith.constant 1024 : i32
      %add3A_1295 = arith.addi %add3A_1294, %scan3A_1167 : i32
      %mul3A_1296 = arith.constant 16 : i32
      %mul3A_1297 = arith.muli %add3A_1295, %mul3A_1296 : i32
      %swap3A_1298 = arith.index_cast %mul3A_1297 : i32 to index
      %swap3A_1299 = tpu.vector_load %arg8[%swap3A_1298] {strides = array<i32>} : memref<32768xi32, #tpu.memory_space<vmem>>, vector<16xi32>,
      tpu.vector_store %arg8[%swap3A_1298], %select_n3A_1284 {strides = array<i32>} : memref<32768xi32, #tpu.memory_space<vmem>>, vector<16xi32>,
      %lt3A_1300 = arith.constant 0 : i32
      %lt3A_1301 = vector.broadcast %lt3A_1300 : i32 to vector<16xi32>
      %lt3A_1302 = arith.cmpi slt, %max3A_9, %lt3A_1301 : vector<16xi32>
      %add3A_1303 = arith.constant 16 : i32
      %add3A_1304 = vector.broadcast %add3A_1303 : i32 to vector<16xi32>
      %add3A_1305 = arith.addi %max3A_9, %add3A_1304 : vector<16xi32>
      %select_n3A_1306 = arith.select %lt3A_1302, %add3A_1305, %max3A_9 : vector<16xi1>, vector<16xi32>
      %broadcast_in_dim3A_1307 = vector.shape_cast %select_n3A_1306 : vector<16xi32> to vector<16x1xi32>
      %gather3A_1308 = vector.shape_cast %broadcast_in_dim3A_1307 : vector<16x1xi32> to vector<16xi32>
      %gather3A_1309 = tpu.dynamic_gather %select_n3A_1159[%gather3A_1308] in [0] : vector<16xf32>, vector<16xi32> -> vector<16xf32>
      %lt3A_1310 = arith.constant 0 : i32
      %lt3A_1311 = vector.broadcast %lt3A_1310 : i32 to vector<16xi32>
      %lt3A_1312 = arith.cmpi slt, %min3A_14, %lt3A_1311 : vector<16xi32>
      %add3A_1313 = arith.constant 16 : i32
      %add3A_1314 = vector.broadcast %add3A_1313 : i32 to vector<16xi32>
      %add3A_1315 = arith.addi %min3A_14, %add3A_1314 : vector<16xi32>
      %select_n3A_1316 = arith.select %lt3A_1312, %add3A_1315, %min3A_14 : vector<16xi1>, vector<16xi32>
      %broadcast_in_dim3A_1317 = vector.shape_cast %select_n3A_1316 : vector<16xi32> to vector<16x1xi32>
      %gather3A_1318 = vector.shape_cast %broadcast_in_dim3A_1317 : vector<16x1xi32> to vector<16xi32>
      %gather3A_1319 = tpu.dynamic_gather %select_n3A_1159[%gather3A_1318] in [0] : vector<16xf32>, vector<16xi32> -> vector<16xf32>
      %le3A_1320 = arith.cmpf ole, %gather3A_1309, %select_n3A_1159 : vector<16xf32>
      %le3A_1321 = arith.cmpf ole, %gather3A_1309, %gather3A_1319 : vector<16xf32>
      %and3A_1322 = arith.andi %le3A_1320, %le3A_1321 : vector<16xi1>
      %not3A_1323 = arith.constant dense<true> : vector<16xi1>
      %not3A_1324 = arith.xori %and3A_1322, %not3A_1323 : vector<16xi1>
      %le3A_1325 = arith.cmpf ole, %select_n3A_1159, %gather3A_1319 : vector<16xf32>
      %and3A_1326 = arith.andi %not3A_1324, %le3A_1325 : vector<16xi1>
      %select_n3A_1327 = arith.select %and3A_1326, %iota3A, %min3A_14 : vector<16xi1>, vector<16xi32>
      %select_n3A_1328 = arith.select %and3A_1322, %max3A_9, %select_n3A_1327 : vector<16xi1>, vector<16xi32>
      %select_n3A_1329 = arith.select %and3A_1326, %select_n3A_1159, %gather3A_1319 : vector<16xi1>, vector<16xf32>
      %select_n3A_1330 = arith.select %and3A_1322, %gather3A_1309, %select_n3A_1329 : vector<16xi1>, vector<16xf32>
      %add3A_1331 = vector.broadcast %scan3A_1167 : i32 to vector<16xi32>
      %add3A_1332 = arith.addi %add3A_1331, %broadcast_in_dim3A_15 : vector<16xi32>
      %gather3A_1333 = tpu.vector_load_idx %arg7[%add3A_5, %add3A_1332] : memref<24x512xf32, #tpu.memory_space<vmem>>[vector<16xi32>, vector<16xi32>], vector<16xf32>,
      %sub3A_1334 = arith.subf %select_n3A_1330, %gather3A_1333 : vector<16xf32>
      %jit3A_1335 = arith.constant 1.000000e+30 : f32
      %broadcast_in_dim3A_1336 = vector.broadcast %jit3A_1335 : f32 to vector<16xf32>
      %select_n3A_1337 = arith.select %lt3A_2, %sub3A_1334, %broadcast_in_dim3A_1336 : vector<16xi1>, vector<16xf32>
      %add3A_1338 = arith.constant 1536 : i32
      %add3A_1339 = arith.addi %add3A_1338, %scan3A_1167 : i32
      %mul3A_1340 = arith.constant 16 : i32
      %mul3A_1341 = arith.muli %add3A_1339, %mul3A_1340 : i32
      %swap3A_1342 = arith.index_cast %mul3A_1341 : i32 to index
      %swap3A_1343 = tpu.vector_load %arg8[%swap3A_1342] {strides = array<i32>} : memref<32768xi32, #tpu.memory_space<vmem>>, vector<16xi32>,
      tpu.vector_store %arg8[%swap3A_1342], %select_n3A_1328 {strides = array<i32>} : memref<32768xi32, #tpu.memory_space<vmem>>, vector<16xi32>,
      %scan3A_1344 = arith.constant 3 : i32
      %scan3A_1345 = arith.addi %scan3A_807, %scan3A_1344 : i32
      %lt3A_1346 = arith.constant 0 : i32
      %lt3A_1347 = vector.broadcast %lt3A_1346 : i32 to vector<16xi32>
      %lt3A_1348 = arith.cmpi slt, %max3A_9, %lt3A_1347 : vector<16xi32>
      %add3A_1349 = arith.constant 16 : i32
      %add3A_1350 = vector.broadcast %add3A_1349 : i32 to vector<16xi32>
      %add3A_1351 = arith.addi %max3A_9, %add3A_1350 : vector<16xi32>
      %select_n3A_1352 = arith.select %lt3A_1348, %add3A_1351, %max3A_9 : vector<16xi1>, vector<16xi32>
      %broadcast_in_dim3A_1353 = vector.shape_cast %select_n3A_1352 : vector<16xi32> to vector<16x1xi32>
      %gather3A_1354 = vector.shape_cast %broadcast_in_dim3A_1353 : vector<16x1xi32> to vector<16xi32>
      %gather3A_1355 = tpu.dynamic_gather %select_n3A_1205[%gather3A_1354] in [0] : vector<16xf32>, vector<16xi32> -> vector<16xf32>
      %lt3A_1356 = arith.constant 0 : i32
      %lt3A_1357 = vector.broadcast %lt3A_1356 : i32 to vector<16xi32>
      %lt3A_1358 = arith.cmpi slt, %min3A_14, %lt3A_1357 : vector<16xi32>
      %add3A_1359 = arith.constant 16 : i32
      %add3A_1360 = vector.broadcast %add3A_1359 : i32 to vector<16xi32>
      %add3A_1361 = arith.addi %min3A_14, %add3A_1360 : vector<16xi32>
      %select_n3A_1362 = arith.select %lt3A_1358, %add3A_1361, %min3A_14 : vector<16xi1>, vector<16xi32>
      %broadcast_in_dim3A_1363 = vector.shape_cast %select_n3A_1362 : vector<16xi32> to vector<16x1xi32>
      %gather3A_1364 = vector.shape_cast %broadcast_in_dim3A_1363 : vector<16x1xi32> to vector<16xi32>
      %gather3A_1365 = tpu.dynamic_gather %select_n3A_1205[%gather3A_1364] in [0] : vector<16xf32>, vector<16xi32> -> vector<16xf32>
      %le3A_1366 = arith.cmpf ole, %gather3A_1355, %select_n3A_1205 : vector<16xf32>
      %le3A_1367 = arith.cmpf ole, %gather3A_1355, %gather3A_1365 : vector<16xf32>
      %and3A_1368 = arith.andi %le3A_1366, %le3A_1367 : vector<16xi1>
      %not3A_1369 = arith.constant dense<true> : vector<16xi1>
      %not3A_1370 = arith.xori %and3A_1368, %not3A_1369 : vector<16xi1>
      %le3A_1371 = arith.cmpf ole, %select_n3A_1205, %gather3A_1365 : vector<16xf32>
      %and3A_1372 = arith.andi %not3A_1370, %le3A_1371 : vector<16xi1>
      %select_n3A_1373 = arith.select %and3A_1372, %iota3A, %min3A_14 : vector<16xi1>, vector<16xi32>
      %select_n3A_1374 = arith.select %and3A_1368, %max3A_9, %select_n3A_1373 : vector<16xi1>, vector<16xi32>
      %select_n3A_1375 = arith.select %and3A_1372, %select_n3A_1205, %gather3A_1365 : vector<16xi1>, vector<16xf32>
      %select_n3A_1376 = arith.select %and3A_1368, %gather3A_1355, %select_n3A_1375 : vector<16xi1>, vector<16xf32>
      %add3A_1377 = vector.broadcast %scan3A_1345 : i32 to vector<16xi32>
      %add3A_1378 = arith.addi %add3A_1377, %broadcast_in_dim3A_15 : vector<16xi32>
      %gather3A_1379 = tpu.vector_load_idx %arg4[%add3A_5, %add3A_1378] : memref<24x512xf32, #tpu.memory_space<vmem>>[vector<16xi32>, vector<16xi32>], vector<16xf32>,
      %sub3A_1380 = arith.subf %select_n3A_1376, %gather3A_1379 : vector<16xf32>
      %jit3A_1381 = arith.constant 1.000000e+30 : f32
      %broadcast_in_dim3A_1382 = vector.broadcast %jit3A_1381 : f32 to vector<16xf32>
      %select_n3A_1383 = arith.select %lt3A_2, %sub3A_1380, %broadcast_in_dim3A_1382 : vector<16xi1>, vector<16xf32>
      %add3A_1384 = arith.constant 0 : i32
      %add3A_1385 = arith.addi %add3A_1384, %scan3A_1345 : i32
      %mul3A_1386 = arith.constant 16 : i32
      %mul3A_1387 = arith.muli %add3A_1385, %mul3A_1386 : i32
      %swap3A_1388 = arith.index_cast %mul3A_1387 : i32 to index
      %swap3A_1389 = tpu.vector_load %arg8[%swap3A_1388] {strides = array<i32>} : memref<32768xi32, #tpu.memory_space<vmem>>, vector<16xi32>,
      tpu.vector_store %arg8[%swap3A_1388], %select_n3A_1374 {strides = array<i32>} : memref<32768xi32, #tpu.memory_space<vmem>>, vector<16xi32>,
      %lt3A_1390 = arith.constant 0 : i32
      %lt3A_1391 = vector.broadcast %lt3A_1390 : i32 to vector<16xi32>
      %lt3A_1392 = arith.cmpi slt, %max3A_9, %lt3A_1391 : vector<16xi32>
      %add3A_1393 = arith.constant 16 : i32
      %add3A_1394 = vector.broadcast %add3A_1393 : i32 to vector<16xi32>
      %add3A_1395 = arith.addi %max3A_9, %add3A_1394 : vector<16xi32>
      %select_n3A_1396 = arith.select %lt3A_1392, %add3A_1395, %max3A_9 : vector<16xi1>, vector<16xi32>
      %broadcast_in_dim3A_1397 = vector.shape_cast %select_n3A_1396 : vector<16xi32> to vector<16x1xi32>
      %gather3A_1398 = vector.shape_cast %broadcast_in_dim3A_1397 : vector<16x1xi32> to vector<16xi32>
      %gather3A_1399 = tpu.dynamic_gather %select_n3A_1249[%gather3A_1398] in [0] : vector<16xf32>, vector<16xi32> -> vector<16xf32>
      %lt3A_1400 = arith.constant 0 : i32
      %lt3A_1401 = vector.broadcast %lt3A_1400 : i32 to vector<16xi32>
      %lt3A_1402 = arith.cmpi slt, %min3A_14, %lt3A_1401 : vector<16xi32>
      %add3A_1403 = arith.constant 16 : i32
      %add3A_1404 = vector.broadcast %add3A_1403 : i32 to vector<16xi32>
      %add3A_1405 = arith.addi %min3A_14, %add3A_1404 : vector<16xi32>
      %select_n3A_1406 = arith.select %lt3A_1402, %add3A_1405, %min3A_14 : vector<16xi1>, vector<16xi32>
      %broadcast_in_dim3A_1407 = vector.shape_cast %select_n3A_1406 : vector<16xi32> to vector<16x1xi32>
      %gather3A_1408 = vector.shape_cast %broadcast_in_dim3A_1407 : vector<16x1xi32> to vector<16xi32>
      %gather3A_1409 = tpu.dynamic_gather %select_n3A_1249[%gather3A_1408] in [0] : vector<16xf32>, vector<16xi32> -> vector<16xf32>
      %le3A_1410 = arith.cmpf ole, %gather3A_1399, %select_n3A_1249 : vector<16xf32>
      %le3A_1411 = arith.cmpf ole, %gather3A_1399, %gather3A_1409 : vector<16xf32>
      %and3A_1412 = arith.andi %le3A_1410, %le3A_1411 : vector<16xi1>
      %not3A_1413 = arith.constant dense<true> : vector<16xi1>
      %not3A_1414 = arith.xori %and3A_1412, %not3A_1413 : vector<16xi1>
      %le3A_1415 = arith.cmpf ole, %select_n3A_1249, %gather3A_1409 : vector<16xf32>
      %and3A_1416 = arith.andi %not3A_1414, %le3A_1415 : vector<16xi1>
      %select_n3A_1417 = arith.select %and3A_1416, %iota3A, %min3A_14 : vector<16xi1>, vector<16xi32>
      %select_n3A_1418 = arith.select %and3A_1412, %max3A_9, %select_n3A_1417 : vector<16xi1>, vector<16xi32>
      %select_n3A_1419 = arith.select %and3A_1416, %select_n3A_1249, %gather3A_1409 : vector<16xi1>, vector<16xf32>
      %select_n3A_1420 = arith.select %and3A_1412, %gather3A_1399, %select_n3A_1419 : vector<16xi1>, vector<16xf32>
      %add3A_1421 = vector.broadcast %scan3A_1345 : i32 to vector<16xi32>
      %add3A_1422 = arith.addi %add3A_1421, %broadcast_in_dim3A_15 : vector<16xi32>
      %gather3A_1423 = tpu.vector_load_idx %arg5[%add3A_5, %add3A_1422] : memref<24x512xf32, #tpu.memory_space<vmem>>[vector<16xi32>, vector<16xi32>], vector<16xf32>,
      %sub3A_1424 = arith.subf %select_n3A_1420, %gather3A_1423 : vector<16xf32>
      %jit3A_1425 = arith.constant 1.000000e+30 : f32
      %broadcast_in_dim3A_1426 = vector.broadcast %jit3A_1425 : f32 to vector<16xf32>
      %select_n3A_1427 = arith.select %lt3A_2, %sub3A_1424, %broadcast_in_dim3A_1426 : vector<16xi1>, vector<16xf32>
      %add3A_1428 = arith.constant 512 : i32
      %add3A_1429 = arith.addi %add3A_1428, %scan3A_1345 : i32
      %mul3A_1430 = arith.constant 16 : i32
      %mul3A_1431 = arith.muli %add3A_1429, %mul3A_1430 : i32
      %swap3A_1432 = arith.index_cast %mul3A_1431 : i32 to index
      %swap3A_1433 = tpu.vector_load %arg8[%swap3A_1432] {strides = array<i32>} : memref<32768xi32, #tpu.memory_space<vmem>>, vector<16xi32>,
      tpu.vector_store %arg8[%swap3A_1432], %select_n3A_1418 {strides = array<i32>} : memref<32768xi32, #tpu.memory_space<vmem>>, vector<16xi32>,
      %lt3A_1434 = arith.constant 0 : i32
      %lt3A_1435 = vector.broadcast %lt3A_1434 : i32 to vector<16xi32>
      %lt3A_1436 = arith.cmpi slt, %max3A_9, %lt3A_1435 : vector<16xi32>
      %add3A_1437 = arith.constant 16 : i32
      %add3A_1438 = vector.broadcast %add3A_1437 : i32 to vector<16xi32>
      %add3A_1439 = arith.addi %max3A_9, %add3A_1438 : vector<16xi32>
      %select_n3A_1440 = arith.select %lt3A_1436, %add3A_1439, %max3A_9 : vector<16xi1>, vector<16xi32>
      %broadcast_in_dim3A_1441 = vector.shape_cast %select_n3A_1440 : vector<16xi32> to vector<16x1xi32>
      %gather3A_1442 = vector.shape_cast %broadcast_in_dim3A_1441 : vector<16x1xi32> to vector<16xi32>
      %gather3A_1443 = tpu.dynamic_gather %select_n3A_1293[%gather3A_1442] in [0] : vector<16xf32>, vector<16xi32> -> vector<16xf32>
      %lt3A_1444 = arith.constant 0 : i32
      %lt3A_1445 = vector.broadcast %lt3A_1444 : i32 to vector<16xi32>
      %lt3A_1446 = arith.cmpi slt, %min3A_14, %lt3A_1445 : vector<16xi32>
      %add3A_1447 = arith.constant 16 : i32
      %add3A_1448 = vector.broadcast %add3A_1447 : i32 to vector<16xi32>
      %add3A_1449 = arith.addi %min3A_14, %add3A_1448 : vector<16xi32>
      %select_n3A_1450 = arith.select %lt3A_1446, %add3A_1449, %min3A_14 : vector<16xi1>, vector<16xi32>
      %broadcast_in_dim3A_1451 = vector.shape_cast %select_n3A_1450 : vector<16xi32> to vector<16x1xi32>
      %gather3A_1452 = vector.shape_cast %broadcast_in_dim3A_1451 : vector<16x1xi32> to vector<16xi32>
      %gather3A_1453 = tpu.dynamic_gather %select_n3A_1293[%gather3A_1452] in [0] : vector<16xf32>, vector<16xi32> -> vector<16xf32>
      %le3A_1454 = arith.cmpf ole, %gather3A_1443, %select_n3A_1293 : vector<16xf32>
      %le3A_1455 = arith.cmpf ole, %gather3A_1443, %gather3A_1453 : vector<16xf32>
      %and3A_1456 = arith.andi %le3A_1454, %le3A_1455 : vector<16xi1>
      %not3A_1457 = arith.constant dense<true> : vector<16xi1>
      %not3A_1458 = arith.xori %and3A_1456, %not3A_1457 : vector<16xi1>
      %le3A_1459 = arith.cmpf ole, %select_n3A_1293, %gather3A_1453 : vector<16xf32>
      %and3A_1460 = arith.andi %not3A_1458, %le3A_1459 : vector<16xi1>
      %select_n3A_1461 = arith.select %and3A_1460, %iota3A, %min3A_14 : vector<16xi1>, vector<16xi32>
      %select_n3A_1462 = arith.select %and3A_1456, %max3A_9, %select_n3A_1461 : vector<16xi1>, vector<16xi32>
      %select_n3A_1463 = arith.select %and3A_1460, %select_n3A_1293, %gather3A_1453 : vector<16xi1>, vector<16xf32>
      %select_n3A_1464 = arith.select %and3A_1456, %gather3A_1443, %select_n3A_1463 : vector<16xi1>, vector<16xf32>
      %add3A_1465 = vector.broadcast %scan3A_1345 : i32 to vector<16xi32>
      %add3A_1466 = arith.addi %add3A_1465, %broadcast_in_dim3A_15 : vector<16xi32>
      %gather3A_1467 = tpu.vector_load_idx %arg6[%add3A_5, %add3A_1466] : memref<24x512xf32, #tpu.memory_space<vmem>>[vector<16xi32>, vector<16xi32>], vector<16xf32>,
      %sub3A_1468 = arith.subf %select_n3A_1464, %gather3A_1467 : vector<16xf32>
      %jit3A_1469 = arith.constant 1.000000e+30 : f32
      %broadcast_in_dim3A_1470 = vector.broadcast %jit3A_1469 : f32 to vector<16xf32>
      %select_n3A_1471 = arith.select %lt3A_2, %sub3A_1468, %broadcast_in_dim3A_1470 : vector<16xi1>, vector<16xf32>
      %add3A_1472 = arith.constant 1024 : i32
      %add3A_1473 = arith.addi %add3A_1472, %scan3A_1345 : i32
      %mul3A_1474 = arith.constant 16 : i32
      %mul3A_1475 = arith.muli %add3A_1473, %mul3A_1474 : i32
      %swap3A_1476 = arith.index_cast %mul3A_1475 : i32 to index
      %swap3A_1477 = tpu.vector_load %arg8[%swap3A_1476] {strides = array<i32>} : memref<32768xi32, #tpu.memory_space<vmem>>, vector<16xi32>,
      tpu.vector_store %arg8[%swap3A_1476], %select_n3A_1462 {strides = array<i32>} : memref<32768xi32, #tpu.memory_space<vmem>>, vector<16xi32>,
      %lt3A_1478 = arith.constant 0 : i32
      %lt3A_1479 = vector.broadcast %lt3A_1478 : i32 to vector<16xi32>
      %lt3A_1480 = arith.cmpi slt, %max3A_9, %lt3A_1479 : vector<16xi32>
      %add3A_1481 = arith.constant 16 : i32
      %add3A_1482 = vector.broadcast %add3A_1481 : i32 to vector<16xi32>
      %add3A_1483 = arith.addi %max3A_9, %add3A_1482 : vector<16xi32>
      %select_n3A_1484 = arith.select %lt3A_1480, %add3A_1483, %max3A_9 : vector<16xi1>, vector<16xi32>
      %broadcast_in_dim3A_1485 = vector.shape_cast %select_n3A_1484 : vector<16xi32> to vector<16x1xi32>
      %gather3A_1486 = vector.shape_cast %broadcast_in_dim3A_1485 : vector<16x1xi32> to vector<16xi32>
      %gather3A_1487 = tpu.dynamic_gather %select_n3A_1337[%gather3A_1486] in [0] : vector<16xf32>, vector<16xi32> -> vector<16xf32>
      %lt3A_1488 = arith.constant 0 : i32
      %lt3A_1489 = vector.broadcast %lt3A_1488 : i32 to vector<16xi32>
      %lt3A_1490 = arith.cmpi slt, %min3A_14, %lt3A_1489 : vector<16xi32>
      %add3A_1491 = arith.constant 16 : i32
      %add3A_1492 = vector.broadcast %add3A_1491 : i32 to vector<16xi32>
      %add3A_1493 = arith.addi %min3A_14, %add3A_1492 : vector<16xi32>
      %select_n3A_1494 = arith.select %lt3A_1490, %add3A_1493, %min3A_14 : vector<16xi1>, vector<16xi32>
      %broadcast_in_dim3A_1495 = vector.shape_cast %select_n3A_1494 : vector<16xi32> to vector<16x1xi32>
      %gather3A_1496 = vector.shape_cast %broadcast_in_dim3A_1495 : vector<16x1xi32> to vector<16xi32>
      %gather3A_1497 = tpu.dynamic_gather %select_n3A_1337[%gather3A_1496] in [0] : vector<16xf32>, vector<16xi32> -> vector<16xf32>
      %le3A_1498 = arith.cmpf ole, %gather3A_1487, %select_n3A_1337 : vector<16xf32>
      %le3A_1499 = arith.cmpf ole, %gather3A_1487, %gather3A_1497 : vector<16xf32>
      %and3A_1500 = arith.andi %le3A_1498, %le3A_1499 : vector<16xi1>
      %not3A_1501 = arith.constant dense<true> : vector<16xi1>
      %not3A_1502 = arith.xori %and3A_1500, %not3A_1501 : vector<16xi1>
      %le3A_1503 = arith.cmpf ole, %select_n3A_1337, %gather3A_1497 : vector<16xf32>
      %and3A_1504 = arith.andi %not3A_1502, %le3A_1503 : vector<16xi1>
      %select_n3A_1505 = arith.select %and3A_1504, %iota3A, %min3A_14 : vector<16xi1>, vector<16xi32>
      %select_n3A_1506 = arith.select %and3A_1500, %max3A_9, %select_n3A_1505 : vector<16xi1>, vector<16xi32>
      %select_n3A_1507 = arith.select %and3A_1504, %select_n3A_1337, %gather3A_1497 : vector<16xi1>, vector<16xf32>
      %select_n3A_1508 = arith.select %and3A_1500, %gather3A_1487, %select_n3A_1507 : vector<16xi1>, vector<16xf32>
      %add3A_1509 = vector.broadcast %scan3A_1345 : i32 to vector<16xi32>
      %add3A_1510 = arith.addi %add3A_1509, %broadcast_in_dim3A_15 : vector<16xi32>
      %gather3A_1511 = tpu.vector_load_idx %arg7[%add3A_5, %add3A_1510] : memref<24x512xf32, #tpu.memory_space<vmem>>[vector<16xi32>, vector<16xi32>], vector<16xf32>,
      %sub3A_1512 = arith.subf %select_n3A_1508, %gather3A_1511 : vector<16xf32>
      %jit3A_1513 = arith.constant 1.000000e+30 : f32
      %broadcast_in_dim3A_1514 = vector.broadcast %jit3A_1513 : f32 to vector<16xf32>
      %select_n3A_1515 = arith.select %lt3A_2, %sub3A_1512, %broadcast_in_dim3A_1514 : vector<16xi1>, vector<16xf32>
      %add3A_1516 = arith.constant 1536 : i32
      %add3A_1517 = arith.addi %add3A_1516, %scan3A_1345 : i32
      %mul3A_1518 = arith.constant 16 : i32
      %mul3A_1519 = arith.muli %add3A_1517, %mul3A_1518 : i32
      %swap3A_1520 = arith.index_cast %mul3A_1519 : i32 to index
      %swap3A_1521 = tpu.vector_load %arg8[%swap3A_1520] {strides = array<i32>} : memref<32768xi32, #tpu.memory_space<vmem>>, vector<16xi32>,
      tpu.vector_store %arg8[%swap3A_1520], %select_n3A_1506 {strides = array<i32>} : memref<32768xi32, #tpu.memory_space<vmem>>, vector<16xi32>,
      scf.yield %select_n3A_1383, %select_n3A_1427, %select_n3A_1471, %select_n3A_1515 : vector<16xf32>, vector<16xf32>, vector<16xf32>, vector<16xf32>
    }
    %scan3A_221 = arith.constant 508 : i32
    %scan3A_222 = arith.addi %scan3A, %scan3A_221 : i32
    %lt3A_223 = arith.constant 0 : i32
    %lt3A_224 = vector.broadcast %lt3A_223 : i32 to vector<16xi32>
    %lt3A_225 = arith.cmpi slt, %max3A_9, %lt3A_224 : vector<16xi32>
    %add3A_226 = arith.constant 16 : i32
    %add3A_227 = vector.broadcast %add3A_226 : i32 to vector<16xi32>
    %add3A_228 = arith.addi %max3A_9, %add3A_227 : vector<16xi32>
    %select_n3A_229 = arith.select %lt3A_225, %add3A_228, %max3A_9 : vector<16xi1>, vector<16xi32>
    %broadcast_in_dim3A_230 = vector.shape_cast %select_n3A_229 : vector<16xi32> to vector<16x1xi32>
    %gather3A_231 = vector.shape_cast %broadcast_in_dim3A_230 : vector<16x1xi32> to vector<16xi32>
    %gather3A_232 = tpu.dynamic_gather %scan3A_220#0[%gather3A_231] in [0] : vector<16xf32>, vector<16xi32> -> vector<16xf32>
    %lt3A_233 = arith.constant 0 : i32
    %lt3A_234 = vector.broadcast %lt3A_233 : i32 to vector<16xi32>
    %lt3A_235 = arith.cmpi slt, %min3A_14, %lt3A_234 : vector<16xi32>
    %add3A_236 = arith.constant 16 : i32
    %add3A_237 = vector.broadcast %add3A_236 : i32 to vector<16xi32>
    %add3A_238 = arith.addi %min3A_14, %add3A_237 : vector<16xi32>
    %select_n3A_239 = arith.select %lt3A_235, %add3A_238, %min3A_14 : vector<16xi1>, vector<16xi32>
    %broadcast_in_dim3A_240 = vector.shape_cast %select_n3A_239 : vector<16xi32> to vector<16x1xi32>
    %gather3A_241 = vector.shape_cast %broadcast_in_dim3A_240 : vector<16x1xi32> to vector<16xi32>
    %gather3A_242 = tpu.dynamic_gather %scan3A_220#0[%gather3A_241] in [0] : vector<16xf32>, vector<16xi32> -> vector<16xf32>
    %le3A = arith.cmpf ole, %gather3A_232, %scan3A_220#0 : vector<16xf32>
    %le3A_243 = arith.cmpf ole, %gather3A_232, %gather3A_242 : vector<16xf32>
    %and3A_244 = arith.andi %le3A, %le3A_243 : vector<16xi1>
    %not3A = arith.constant dense<true> : vector<16xi1>
    %not3A_245 = arith.xori %and3A_244, %not3A : vector<16xi1>
    %le3A_246 = arith.cmpf ole, %scan3A_220#0, %gather3A_242 : vector<16xf32>
    %and3A_247 = arith.andi %not3A_245, %le3A_246 : vector<16xi1>
    %select_n3A_248 = arith.select %and3A_247, %iota3A, %min3A_14 : vector<16xi1>, vector<16xi32>
    %select_n3A_249 = arith.select %and3A_244, %max3A_9, %select_n3A_248 : vector<16xi1>, vector<16xi32>
    %select_n3A_250 = arith.select %and3A_247, %scan3A_220#0, %gather3A_242 : vector<16xi1>, vector<16xf32>
    %select_n3A_251 = arith.select %and3A_244, %gather3A_232, %select_n3A_250 : vector<16xi1>, vector<16xf32>
    %add3A_252 = vector.broadcast %scan3A_222 : i32 to vector<16xi32>
    %add3A_253 = arith.addi %add3A_252, %broadcast_in_dim3A_15 : vector<16xi32>
    %gather3A_254 = tpu.vector_load_idx %arg4[%add3A_5, %add3A_253] : memref<24x512xf32, #tpu.memory_space<vmem>>[vector<16xi32>, vector<16xi32>], vector<16xf32>,
    %sub3A_255 = arith.subf %select_n3A_251, %gather3A_254 : vector<16xf32>
    %jit3A_256 = arith.constant 1.000000e+30 : f32
    %broadcast_in_dim3A_257 = vector.broadcast %jit3A_256 : f32 to vector<16xf32>
    %select_n3A_258 = arith.select %lt3A_2, %sub3A_255, %broadcast_in_dim3A_257 : vector<16xi1>, vector<16xf32>
    %add3A_259 = arith.constant 0 : i32
    %add3A_260 = arith.addi %add3A_259, %scan3A_222 : i32
    %mul3A_261 = arith.constant 16 : i32
    %mul3A_262 = arith.muli %add3A_260, %mul3A_261 : i32
    %swap3A = arith.index_cast %mul3A_262 : i32 to index
    %swap3A_263 = tpu.vector_load %arg8[%swap3A] {strides = array<i32>} : memref<32768xi32, #tpu.memory_space<vmem>>, vector<16xi32>,
    tpu.vector_store %arg8[%swap3A], %select_n3A_249 {strides = array<i32>} : memref<32768xi32, #tpu.memory_space<vmem>>, vector<16xi32>,
    %lt3A_264 = arith.constant 0 : i32
    %lt3A_265 = vector.broadcast %lt3A_264 : i32 to vector<16xi32>
    %lt3A_266 = arith.cmpi slt, %max3A_9, %lt3A_265 : vector<16xi32>
    %add3A_267 = arith.constant 16 : i32
    %add3A_268 = vector.broadcast %add3A_267 : i32 to vector<16xi32>
    %add3A_269 = arith.addi %max3A_9, %add3A_268 : vector<16xi32>
    %select_n3A_270 = arith.select %lt3A_266, %add3A_269, %max3A_9 : vector<16xi1>, vector<16xi32>
    %broadcast_in_dim3A_271 = vector.shape_cast %select_n3A_270 : vector<16xi32> to vector<16x1xi32>
    %gather3A_272 = vector.shape_cast %broadcast_in_dim3A_271 : vector<16x1xi32> to vector<16xi32>
    %gather3A_273 = tpu.dynamic_gather %scan3A_220#1[%gather3A_272] in [0] : vector<16xf32>, vector<16xi32> -> vector<16xf32>
    %lt3A_274 = arith.constant 0 : i32
    %lt3A_275 = vector.broadcast %lt3A_274 : i32 to vector<16xi32>
    %lt3A_276 = arith.cmpi slt, %min3A_14, %lt3A_275 : vector<16xi32>
    %add3A_277 = arith.constant 16 : i32
    %add3A_278 = vector.broadcast %add3A_277 : i32 to vector<16xi32>
    %add3A_279 = arith.addi %min3A_14, %add3A_278 : vector<16xi32>
    %select_n3A_280 = arith.select %lt3A_276, %add3A_279, %min3A_14 : vector<16xi1>, vector<16xi32>
    %broadcast_in_dim3A_281 = vector.shape_cast %select_n3A_280 : vector<16xi32> to vector<16x1xi32>
    %gather3A_282 = vector.shape_cast %broadcast_in_dim3A_281 : vector<16x1xi32> to vector<16xi32>
    %gather3A_283 = tpu.dynamic_gather %scan3A_220#1[%gather3A_282] in [0] : vector<16xf32>, vector<16xi32> -> vector<16xf32>
    %le3A_284 = arith.cmpf ole, %gather3A_273, %scan3A_220#1 : vector<16xf32>
    %le3A_285 = arith.cmpf ole, %gather3A_273, %gather3A_283 : vector<16xf32>
    %and3A_286 = arith.andi %le3A_284, %le3A_285 : vector<16xi1>
    %not3A_287 = arith.constant dense<true> : vector<16xi1>
    %not3A_288 = arith.xori %and3A_286, %not3A_287 : vector<16xi1>
    %le3A_289 = arith.cmpf ole, %scan3A_220#1, %gather3A_283 : vector<16xf32>
    %and3A_290 = arith.andi %not3A_288, %le3A_289 : vector<16xi1>
    %select_n3A_291 = arith.select %and3A_290, %iota3A, %min3A_14 : vector<16xi1>, vector<16xi32>
    %select_n3A_292 = arith.select %and3A_286, %max3A_9, %select_n3A_291 : vector<16xi1>, vector<16xi32>
    %select_n3A_293 = arith.select %and3A_290, %scan3A_220#1, %gather3A_283 : vector<16xi1>, vector<16xf32>
    %select_n3A_294 = arith.select %and3A_286, %gather3A_273, %select_n3A_293 : vector<16xi1>, vector<16xf32>
    %add3A_295 = vector.broadcast %scan3A_222 : i32 to vector<16xi32>
    %add3A_296 = arith.addi %add3A_295, %broadcast_in_dim3A_15 : vector<16xi32>
    %gather3A_297 = tpu.vector_load_idx %arg5[%add3A_5, %add3A_296] : memref<24x512xf32, #tpu.memory_space<vmem>>[vector<16xi32>, vector<16xi32>], vector<16xf32>,
    %sub3A_298 = arith.subf %select_n3A_294, %gather3A_297 : vector<16xf32>
    %jit3A_299 = arith.constant 1.000000e+30 : f32
    %broadcast_in_dim3A_300 = vector.broadcast %jit3A_299 : f32 to vector<16xf32>
    %select_n3A_301 = arith.select %lt3A_2, %sub3A_298, %broadcast_in_dim3A_300 : vector<16xi1>, vector<16xf32>
    %add3A_302 = arith.constant 512 : i32
    %add3A_303 = arith.addi %add3A_302, %scan3A_222 : i32
    %mul3A_304 = arith.constant 16 : i32
    %mul3A_305 = arith.muli %add3A_303, %mul3A_304 : i32
    %swap3A_306 = arith.index_cast %mul3A_305 : i32 to index
    %swap3A_307 = tpu.vector_load %arg8[%swap3A_306] {strides = array<i32>} : memref<32768xi32, #tpu.memory_space<vmem>>, vector<16xi32>,
    tpu.vector_store %arg8[%swap3A_306], %select_n3A_292 {strides = array<i32>} : memref<32768xi32, #tpu.memory_space<vmem>>, vector<16xi32>,
    %lt3A_308 = arith.constant 0 : i32
    %lt3A_309 = vector.broadcast %lt3A_308 : i32 to vector<16xi32>
    %lt3A_310 = arith.cmpi slt, %max3A_9, %lt3A_309 : vector<16xi32>
    %add3A_311 = arith.constant 16 : i32
    %add3A_312 = vector.broadcast %add3A_311 : i32 to vector<16xi32>
    %add3A_313 = arith.addi %max3A_9, %add3A_312 : vector<16xi32>
    %select_n3A_314 = arith.select %lt3A_310, %add3A_313, %max3A_9 : vector<16xi1>, vector<16xi32>
    %broadcast_in_dim3A_315 = vector.shape_cast %select_n3A_314 : vector<16xi32> to vector<16x1xi32>
    %gather3A_316 = vector.shape_cast %broadcast_in_dim3A_315 : vector<16x1xi32> to vector<16xi32>
    %gather3A_317 = tpu.dynamic_gather %scan3A_220#2[%gather3A_316] in [0] : vector<16xf32>, vector<16xi32> -> vector<16xf32>
    %lt3A_318 = arith.constant 0 : i32
    %lt3A_319 = vector.broadcast %lt3A_318 : i32 to vector<16xi32>
    %lt3A_320 = arith.cmpi slt, %min3A_14, %lt3A_319 : vector<16xi32>
    %add3A_321 = arith.constant 16 : i32
    %add3A_322 = vector.broadcast %add3A_321 : i32 to vector<16xi32>
    %add3A_323 = arith.addi %min3A_14, %add3A_322 : vector<16xi32>
    %select_n3A_324 = arith.select %lt3A_320, %add3A_323, %min3A_14 : vector<16xi1>, vector<16xi32>
    %broadcast_in_dim3A_325 = vector.shape_cast %select_n3A_324 : vector<16xi32> to vector<16x1xi32>
    %gather3A_326 = vector.shape_cast %broadcast_in_dim3A_325 : vector<16x1xi32> to vector<16xi32>
    %gather3A_327 = tpu.dynamic_gather %scan3A_220#2[%gather3A_326] in [0] : vector<16xf32>, vector<16xi32> -> vector<16xf32>
    %le3A_328 = arith.cmpf ole, %gather3A_317, %scan3A_220#2 : vector<16xf32>
    %le3A_329 = arith.cmpf ole, %gather3A_317, %gather3A_327 : vector<16xf32>
    %and3A_330 = arith.andi %le3A_328, %le3A_329 : vector<16xi1>
    %not3A_331 = arith.constant dense<true> : vector<16xi1>
    %not3A_332 = arith.xori %and3A_330, %not3A_331 : vector<16xi1>
    %le3A_333 = arith.cmpf ole, %scan3A_220#2, %gather3A_327 : vector<16xf32>
    %and3A_334 = arith.andi %not3A_332, %le3A_333 : vector<16xi1>
    %select_n3A_335 = arith.select %and3A_334, %iota3A, %min3A_14 : vector<16xi1>, vector<16xi32>
    %select_n3A_336 = arith.select %and3A_330, %max3A_9, %select_n3A_335 : vector<16xi1>, vector<16xi32>
    %select_n3A_337 = arith.select %and3A_334, %scan3A_220#2, %gather3A_327 : vector<16xi1>, vector<16xf32>
    %select_n3A_338 = arith.select %and3A_330, %gather3A_317, %select_n3A_337 : vector<16xi1>, vector<16xf32>
    %add3A_339 = vector.broadcast %scan3A_222 : i32 to vector<16xi32>
    %add3A_340 = arith.addi %add3A_339, %broadcast_in_dim3A_15 : vector<16xi32>
    %gather3A_341 = tpu.vector_load_idx %arg6[%add3A_5, %add3A_340] : memref<24x512xf32, #tpu.memory_space<vmem>>[vector<16xi32>, vector<16xi32>], vector<16xf32>,
    %sub3A_342 = arith.subf %select_n3A_338, %gather3A_341 : vector<16xf32>
    %jit3A_343 = arith.constant 1.000000e+30 : f32
    %broadcast_in_dim3A_344 = vector.broadcast %jit3A_343 : f32 to vector<16xf32>
    %select_n3A_345 = arith.select %lt3A_2, %sub3A_342, %broadcast_in_dim3A_344 : vector<16xi1>, vector<16xf32>
    %add3A_346 = arith.constant 1024 : i32
    %add3A_347 = arith.addi %add3A_346, %scan3A_222 : i32
    %mul3A_348 = arith.constant 16 : i32
    %mul3A_349 = arith.muli %add3A_347, %mul3A_348 : i32
    %swap3A_350 = arith.index_cast %mul3A_349 : i32 to index
    %swap3A_351 = tpu.vector_load %arg8[%swap3A_350] {strides = array<i32>} : memref<32768xi32, #tpu.memory_space<vmem>>, vector<16xi32>,
    tpu.vector_store %arg8[%swap3A_350], %select_n3A_336 {strides = array<i32>} : memref<32768xi32, #tpu.memory_space<vmem>>, vector<16xi32>,
    %lt3A_352 = arith.constant 0 : i32
    %lt3A_353 = vector.broadcast %lt3A_352 : i32 to vector<16xi32>
    %lt3A_354 = arith.cmpi slt, %max3A_9, %lt3A_353 : vector<16xi32>
    %add3A_355 = arith.constant 16 : i32
    %add3A_356 = vector.broadcast %add3A_355 : i32 to vector<16xi32>
    %add3A_357 = arith.addi %max3A_9, %add3A_356 : vector<16xi32>
    %select_n3A_358 = arith.select %lt3A_354, %add3A_357, %max3A_9 : vector<16xi1>, vector<16xi32>
    %broadcast_in_dim3A_359 = vector.shape_cast %select_n3A_358 : vector<16xi32> to vector<16x1xi32>
    %gather3A_360 = vector.shape_cast %broadcast_in_dim3A_359 : vector<16x1xi32> to vector<16xi32>
    %gather3A_361 = tpu.dynamic_gather %scan3A_220#3[%gather3A_360] in [0] : vector<16xf32>, vector<16xi32> -> vector<16xf32>
    %lt3A_362 = arith.constant 0 : i32
    %lt3A_363 = vector.broadcast %lt3A_362 : i32 to vector<16xi32>
    %lt3A_364 = arith.cmpi slt, %min3A_14, %lt3A_363 : vector<16xi32>
    %add3A_365 = arith.constant 16 : i32
    %add3A_366 = vector.broadcast %add3A_365 : i32 to vector<16xi32>
    %add3A_367 = arith.addi %min3A_14, %add3A_366 : vector<16xi32>
    %select_n3A_368 = arith.select %lt3A_364, %add3A_367, %min3A_14 : vector<16xi1>, vector<16xi32>
    %broadcast_in_dim3A_369 = vector.shape_cast %select_n3A_368 : vector<16xi32> to vector<16x1xi32>
    %gather3A_370 = vector.shape_cast %broadcast_in_dim3A_369 : vector<16x1xi32> to vector<16xi32>
    %gather3A_371 = tpu.dynamic_gather %scan3A_220#3[%gather3A_370] in [0] : vector<16xf32>, vector<16xi32> -> vector<16xf32>
    %le3A_372 = arith.cmpf ole, %gather3A_361, %scan3A_220#3 : vector<16xf32>
    %le3A_373 = arith.cmpf ole, %gather3A_361, %gather3A_371 : vector<16xf32>
    %and3A_374 = arith.andi %le3A_372, %le3A_373 : vector<16xi1>
    %not3A_375 = arith.constant dense<true> : vector<16xi1>
    %not3A_376 = arith.xori %and3A_374, %not3A_375 : vector<16xi1>
    %le3A_377 = arith.cmpf ole, %scan3A_220#3, %gather3A_371 : vector<16xf32>
    %and3A_378 = arith.andi %not3A_376, %le3A_377 : vector<16xi1>
    %select_n3A_379 = arith.select %and3A_378, %iota3A, %min3A_14 : vector<16xi1>, vector<16xi32>
    %select_n3A_380 = arith.select %and3A_374, %max3A_9, %select_n3A_379 : vector<16xi1>, vector<16xi32>
    %select_n3A_381 = arith.select %and3A_378, %scan3A_220#3, %gather3A_371 : vector<16xi1>, vector<16xf32>
    %select_n3A_382 = arith.select %and3A_374, %gather3A_361, %select_n3A_381 : vector<16xi1>, vector<16xf32>
    %add3A_383 = vector.broadcast %scan3A_222 : i32 to vector<16xi32>
    %add3A_384 = arith.addi %add3A_383, %broadcast_in_dim3A_15 : vector<16xi32>
    %gather3A_385 = tpu.vector_load_idx %arg7[%add3A_5, %add3A_384] : memref<24x512xf32, #tpu.memory_space<vmem>>[vector<16xi32>, vector<16xi32>], vector<16xf32>,
    %sub3A_386 = arith.subf %select_n3A_382, %gather3A_385 : vector<16xf32>
    %jit3A_387 = arith.constant 1.000000e+30 : f32
    %broadcast_in_dim3A_388 = vector.broadcast %jit3A_387 : f32 to vector<16xf32>
    %select_n3A_389 = arith.select %lt3A_2, %sub3A_386, %broadcast_in_dim3A_388 : vector<16xi1>, vector<16xf32>
    %add3A_390 = arith.constant 1536 : i32
    %add3A_391 = arith.addi %add3A_390, %scan3A_222 : i32
    %mul3A_392 = arith.constant 16 : i32
    %mul3A_393 = arith.muli %add3A_391, %mul3A_392 : i32
    %swap3A_394 = arith.index_cast %mul3A_393 : i32 to index
    %swap3A_395 = tpu.vector_load %arg8[%swap3A_394] {strides = array<i32>} : memref<32768xi32, #tpu.memory_space<vmem>>, vector<16xi32>,
    tpu.vector_store %arg8[%swap3A_394], %select_n3A_380 {strides = array<i32>} : memref<32768xi32, #tpu.memory_space<vmem>>, vector<16xi32>,
    %scan3A_396 = arith.constant 509 : i32
    %scan3A_397 = arith.addi %scan3A, %scan3A_396 : i32
    %lt3A_398 = arith.constant 0 : i32
    %lt3A_399 = vector.broadcast %lt3A_398 : i32 to vector<16xi32>
    %lt3A_400 = arith.cmpi slt, %max3A_9, %lt3A_399 : vector<16xi32>
    %add3A_401 = arith.constant 16 : i32
    %add3A_402 = vector.broadcast %add3A_401 : i32 to vector<16xi32>
    %add3A_403 = arith.addi %max3A_9, %add3A_402 : vector<16xi32>
    %select_n3A_404 = arith.select %lt3A_400, %add3A_403, %max3A_9 : vector<16xi1>, vector<16xi32>
    %broadcast_in_dim3A_405 = vector.shape_cast %select_n3A_404 : vector<16xi32> to vector<16x1xi32>
    %gather3A_406 = vector.shape_cast %broadcast_in_dim3A_405 : vector<16x1xi32> to vector<16xi32>
    %gather3A_407 = tpu.dynamic_gather %select_n3A_258[%gather3A_406] in [0] : vector<16xf32>, vector<16xi32> -> vector<16xf32>
    %lt3A_408 = arith.constant 0 : i32
    %lt3A_409 = vector.broadcast %lt3A_408 : i32 to vector<16xi32>
    %lt3A_410 = arith.cmpi slt, %min3A_14, %lt3A_409 : vector<16xi32>
    %add3A_411 = arith.constant 16 : i32
    %add3A_412 = vector.broadcast %add3A_411 : i32 to vector<16xi32>
    %add3A_413 = arith.addi %min3A_14, %add3A_412 : vector<16xi32>
    %select_n3A_414 = arith.select %lt3A_410, %add3A_413, %min3A_14 : vector<16xi1>, vector<16xi32>
    %broadcast_in_dim3A_415 = vector.shape_cast %select_n3A_414 : vector<16xi32> to vector<16x1xi32>
    %gather3A_416 = vector.shape_cast %broadcast_in_dim3A_415 : vector<16x1xi32> to vector<16xi32>
    %gather3A_417 = tpu.dynamic_gather %select_n3A_258[%gather3A_416] in [0] : vector<16xf32>, vector<16xi32> -> vector<16xf32>
    %le3A_418 = arith.cmpf ole, %gather3A_407, %select_n3A_258 : vector<16xf32>
    %le3A_419 = arith.cmpf ole, %gather3A_407, %gather3A_417 : vector<16xf32>
    %and3A_420 = arith.andi %le3A_418, %le3A_419 : vector<16xi1>
    %not3A_421 = arith.constant dense<true> : vector<16xi1>
    %not3A_422 = arith.xori %and3A_420, %not3A_421 : vector<16xi1>
    %le3A_423 = arith.cmpf ole, %select_n3A_258, %gather3A_417 : vector<16xf32>
    %and3A_424 = arith.andi %not3A_422, %le3A_423 : vector<16xi1>
    %select_n3A_425 = arith.select %and3A_424, %iota3A, %min3A_14 : vector<16xi1>, vector<16xi32>
    %select_n3A_426 = arith.select %and3A_420, %max3A_9, %select_n3A_425 : vector<16xi1>, vector<16xi32>
    %select_n3A_427 = arith.select %and3A_424, %select_n3A_258, %gather3A_417 : vector<16xi1>, vector<16xf32>
    %select_n3A_428 = arith.select %and3A_420, %gather3A_407, %select_n3A_427 : vector<16xi1>, vector<16xf32>
    %add3A_429 = vector.broadcast %scan3A_397 : i32 to vector<16xi32>
    %add3A_430 = arith.addi %add3A_429, %broadcast_in_dim3A_15 : vector<16xi32>
    %gather3A_431 = tpu.vector_load_idx %arg4[%add3A_5, %add3A_430] : memref<24x512xf32, #tpu.memory_space<vmem>>[vector<16xi32>, vector<16xi32>], vector<16xf32>,
    %sub3A_432 = arith.subf %select_n3A_428, %gather3A_431 : vector<16xf32>
    %jit3A_433 = arith.constant 1.000000e+30 : f32
    %broadcast_in_dim3A_434 = vector.broadcast %jit3A_433 : f32 to vector<16xf32>
    %select_n3A_435 = arith.select %lt3A_2, %sub3A_432, %broadcast_in_dim3A_434 : vector<16xi1>, vector<16xf32>
    %add3A_436 = arith.constant 0 : i32
    %add3A_437 = arith.addi %add3A_436, %scan3A_397 : i32
    %mul3A_438 = arith.constant 16 : i32
    %mul3A_439 = arith.muli %add3A_437, %mul3A_438 : i32
    %swap3A_440 = arith.index_cast %mul3A_439 : i32 to index
    %swap3A_441 = tpu.vector_load %arg8[%swap3A_440] {strides = array<i32>} : memref<32768xi32, #tpu.memory_space<vmem>>, vector<16xi32>,
    tpu.vector_store %arg8[%swap3A_440], %select_n3A_426 {strides = array<i32>} : memref<32768xi32, #tpu.memory_space<vmem>>, vector<16xi32>,
    %lt3A_442 = arith.constant 0 : i32
    %lt3A_443 = vector.broadcast %lt3A_442 : i32 to vector<16xi32>
    %lt3A_444 = arith.cmpi slt, %max3A_9, %lt3A_443 : vector<16xi32>
    %add3A_445 = arith.constant 16 : i32
    %add3A_446 = vector.broadcast %add3A_445 : i32 to vector<16xi32>
    %add3A_447 = arith.addi %max3A_9, %add3A_446 : vector<16xi32>
    %select_n3A_448 = arith.select %lt3A_444, %add3A_447, %max3A_9 : vector<16xi1>, vector<16xi32>
    %broadcast_in_dim3A_449 = vector.shape_cast %select_n3A_448 : vector<16xi32> to vector<16x1xi32>
    %gather3A_450 = vector.shape_cast %broadcast_in_dim3A_449 : vector<16x1xi32> to vector<16xi32>
    %gather3A_451 = tpu.dynamic_gather %select_n3A_301[%gather3A_450] in [0] : vector<16xf32>, vector<16xi32> -> vector<16xf32>
    %lt3A_452 = arith.constant 0 : i32
    %lt3A_453 = vector.broadcast %lt3A_452 : i32 to vector<16xi32>
    %lt3A_454 = arith.cmpi slt, %min3A_14, %lt3A_453 : vector<16xi32>
    %add3A_455 = arith.constant 16 : i32
    %add3A_456 = vector.broadcast %add3A_455 : i32 to vector<16xi32>
    %add3A_457 = arith.addi %min3A_14, %add3A_456 : vector<16xi32>
    %select_n3A_458 = arith.select %lt3A_454, %add3A_457, %min3A_14 : vector<16xi1>, vector<16xi32>
    %broadcast_in_dim3A_459 = vector.shape_cast %select_n3A_458 : vector<16xi32> to vector<16x1xi32>
    %gather3A_460 = vector.shape_cast %broadcast_in_dim3A_459 : vector<16x1xi32> to vector<16xi32>
    %gather3A_461 = tpu.dynamic_gather %select_n3A_301[%gather3A_460] in [0] : vector<16xf32>, vector<16xi32> -> vector<16xf32>
    %le3A_462 = arith.cmpf ole, %gather3A_451, %select_n3A_301 : vector<16xf32>
    %le3A_463 = arith.cmpf ole, %gather3A_451, %gather3A_461 : vector<16xf32>
    %and3A_464 = arith.andi %le3A_462, %le3A_463 : vector<16xi1>
    %not3A_465 = arith.constant dense<true> : vector<16xi1>
    %not3A_466 = arith.xori %and3A_464, %not3A_465 : vector<16xi1>
    %le3A_467 = arith.cmpf ole, %select_n3A_301, %gather3A_461 : vector<16xf32>
    %and3A_468 = arith.andi %not3A_466, %le3A_467 : vector<16xi1>
    %select_n3A_469 = arith.select %and3A_468, %iota3A, %min3A_14 : vector<16xi1>, vector<16xi32>
    %select_n3A_470 = arith.select %and3A_464, %max3A_9, %select_n3A_469 : vector<16xi1>, vector<16xi32>
    %select_n3A_471 = arith.select %and3A_468, %select_n3A_301, %gather3A_461 : vector<16xi1>, vector<16xf32>
    %select_n3A_472 = arith.select %and3A_464, %gather3A_451, %select_n3A_471 : vector<16xi1>, vector<16xf32>
    %add3A_473 = vector.broadcast %scan3A_397 : i32 to vector<16xi32>
    %add3A_474 = arith.addi %add3A_473, %broadcast_in_dim3A_15 : vector<16xi32>
    %gather3A_475 = tpu.vector_load_idx %arg5[%add3A_5, %add3A_474] : memref<24x512xf32, #tpu.memory_space<vmem>>[vector<16xi32>, vector<16xi32>], vector<16xf32>,
    %sub3A_476 = arith.subf %select_n3A_472, %gather3A_475 : vector<16xf32>
    %jit3A_477 = arith.constant 1.000000e+30 : f32
    %broadcast_in_dim3A_478 = vector.broadcast %jit3A_477 : f32 to vector<16xf32>
    %select_n3A_479 = arith.select %lt3A_2, %sub3A_476, %broadcast_in_dim3A_478 : vector<16xi1>, vector<16xf32>
    %add3A_480 = arith.constant 512 : i32
    %add3A_481 = arith.addi %add3A_480, %scan3A_397 : i32
    %mul3A_482 = arith.constant 16 : i32
    %mul3A_483 = arith.muli %add3A_481, %mul3A_482 : i32
    %swap3A_484 = arith.index_cast %mul3A_483 : i32 to index
    %swap3A_485 = tpu.vector_load %arg8[%swap3A_484] {strides = array<i32>} : memref<32768xi32, #tpu.memory_space<vmem>>, vector<16xi32>,
    tpu.vector_store %arg8[%swap3A_484], %select_n3A_470 {strides = array<i32>} : memref<32768xi32, #tpu.memory_space<vmem>>, vector<16xi32>,
    %lt3A_486 = arith.constant 0 : i32
    %lt3A_487 = vector.broadcast %lt3A_486 : i32 to vector<16xi32>
    %lt3A_488 = arith.cmpi slt, %max3A_9, %lt3A_487 : vector<16xi32>
    %add3A_489 = arith.constant 16 : i32
    %add3A_490 = vector.broadcast %add3A_489 : i32 to vector<16xi32>
    %add3A_491 = arith.addi %max3A_9, %add3A_490 : vector<16xi32>
    %select_n3A_492 = arith.select %lt3A_488, %add3A_491, %max3A_9 : vector<16xi1>, vector<16xi32>
    %broadcast_in_dim3A_493 = vector.shape_cast %select_n3A_492 : vector<16xi32> to vector<16x1xi32>
    %gather3A_494 = vector.shape_cast %broadcast_in_dim3A_493 : vector<16x1xi32> to vector<16xi32>
    %gather3A_495 = tpu.dynamic_gather %select_n3A_345[%gather3A_494] in [0] : vector<16xf32>, vector<16xi32> -> vector<16xf32>
    %lt3A_496 = arith.constant 0 : i32
    %lt3A_497 = vector.broadcast %lt3A_496 : i32 to vector<16xi32>
    %lt3A_498 = arith.cmpi slt, %min3A_14, %lt3A_497 : vector<16xi32>
    %add3A_499 = arith.constant 16 : i32
    %add3A_500 = vector.broadcast %add3A_499 : i32 to vector<16xi32>
    %add3A_501 = arith.addi %min3A_14, %add3A_500 : vector<16xi32>
    %select_n3A_502 = arith.select %lt3A_498, %add3A_501, %min3A_14 : vector<16xi1>, vector<16xi32>
    %broadcast_in_dim3A_503 = vector.shape_cast %select_n3A_502 : vector<16xi32> to vector<16x1xi32>
    %gather3A_504 = vector.shape_cast %broadcast_in_dim3A_503 : vector<16x1xi32> to vector<16xi32>
    %gather3A_505 = tpu.dynamic_gather %select_n3A_345[%gather3A_504] in [0] : vector<16xf32>, vector<16xi32> -> vector<16xf32>
    %le3A_506 = arith.cmpf ole, %gather3A_495, %select_n3A_345 : vector<16xf32>
    %le3A_507 = arith.cmpf ole, %gather3A_495, %gather3A_505 : vector<16xf32>
    %and3A_508 = arith.andi %le3A_506, %le3A_507 : vector<16xi1>
    %not3A_509 = arith.constant dense<true> : vector<16xi1>
    %not3A_510 = arith.xori %and3A_508, %not3A_509 : vector<16xi1>
    %le3A_511 = arith.cmpf ole, %select_n3A_345, %gather3A_505 : vector<16xf32>
    %and3A_512 = arith.andi %not3A_510, %le3A_511 : vector<16xi1>
    %select_n3A_513 = arith.select %and3A_512, %iota3A, %min3A_14 : vector<16xi1>, vector<16xi32>
    %select_n3A_514 = arith.select %and3A_508, %max3A_9, %select_n3A_513 : vector<16xi1>, vector<16xi32>
    %select_n3A_515 = arith.select %and3A_512, %select_n3A_345, %gather3A_505 : vector<16xi1>, vector<16xf32>
    %select_n3A_516 = arith.select %and3A_508, %gather3A_495, %select_n3A_515 : vector<16xi1>, vector<16xf32>
    %add3A_517 = vector.broadcast %scan3A_397 : i32 to vector<16xi32>
    %add3A_518 = arith.addi %add3A_517, %broadcast_in_dim3A_15 : vector<16xi32>
    %gather3A_519 = tpu.vector_load_idx %arg6[%add3A_5, %add3A_518] : memref<24x512xf32, #tpu.memory_space<vmem>>[vector<16xi32>, vector<16xi32>], vector<16xf32>,
    %sub3A_520 = arith.subf %select_n3A_516, %gather3A_519 : vector<16xf32>
    %jit3A_521 = arith.constant 1.000000e+30 : f32
    %broadcast_in_dim3A_522 = vector.broadcast %jit3A_521 : f32 to vector<16xf32>
    %select_n3A_523 = arith.select %lt3A_2, %sub3A_520, %broadcast_in_dim3A_522 : vector<16xi1>, vector<16xf32>
    %add3A_524 = arith.constant 1024 : i32
    %add3A_525 = arith.addi %add3A_524, %scan3A_397 : i32
    %mul3A_526 = arith.constant 16 : i32
    %mul3A_527 = arith.muli %add3A_525, %mul3A_526 : i32
    %swap3A_528 = arith.index_cast %mul3A_527 : i32 to index
    %swap3A_529 = tpu.vector_load %arg8[%swap3A_528] {strides = array<i32>} : memref<32768xi32, #tpu.memory_space<vmem>>, vector<16xi32>,
    tpu.vector_store %arg8[%swap3A_528], %select_n3A_514 {strides = array<i32>} : memref<32768xi32, #tpu.memory_space<vmem>>, vector<16xi32>,
    %lt3A_530 = arith.constant 0 : i32
    %lt3A_531 = vector.broadcast %lt3A_530 : i32 to vector<16xi32>
    %lt3A_532 = arith.cmpi slt, %max3A_9, %lt3A_531 : vector<16xi32>
    %add3A_533 = arith.constant 16 : i32
    %add3A_534 = vector.broadcast %add3A_533 : i32 to vector<16xi32>
    %add3A_535 = arith.addi %max3A_9, %add3A_534 : vector<16xi32>
    %select_n3A_536 = arith.select %lt3A_532, %add3A_535, %max3A_9 : vector<16xi1>, vector<16xi32>
    %broadcast_in_dim3A_537 = vector.shape_cast %select_n3A_536 : vector<16xi32> to vector<16x1xi32>
    %gather3A_538 = vector.shape_cast %broadcast_in_dim3A_537 : vector<16x1xi32> to vector<16xi32>
    %gather3A_539 = tpu.dynamic_gather %select_n3A_389[%gather3A_538] in [0] : vector<16xf32>, vector<16xi32> -> vector<16xf32>
    %lt3A_540 = arith.constant 0 : i32
    %lt3A_541 = vector.broadcast %lt3A_540 : i32 to vector<16xi32>
    %lt3A_542 = arith.cmpi slt, %min3A_14, %lt3A_541 : vector<16xi32>
    %add3A_543 = arith.constant 16 : i32
    %add3A_544 = vector.broadcast %add3A_543 : i32 to vector<16xi32>
    %add3A_545 = arith.addi %min3A_14, %add3A_544 : vector<16xi32>
    %select_n3A_546 = arith.select %lt3A_542, %add3A_545, %min3A_14 : vector<16xi1>, vector<16xi32>
    %broadcast_in_dim3A_547 = vector.shape_cast %select_n3A_546 : vector<16xi32> to vector<16x1xi32>
    %gather3A_548 = vector.shape_cast %broadcast_in_dim3A_547 : vector<16x1xi32> to vector<16xi32>
    %gather3A_549 = tpu.dynamic_gather %select_n3A_389[%gather3A_548] in [0] : vector<16xf32>, vector<16xi32> -> vector<16xf32>
    %le3A_550 = arith.cmpf ole, %gather3A_539, %select_n3A_389 : vector<16xf32>
    %le3A_551 = arith.cmpf ole, %gather3A_539, %gather3A_549 : vector<16xf32>
    %and3A_552 = arith.andi %le3A_550, %le3A_551 : vector<16xi1>
    %not3A_553 = arith.constant dense<true> : vector<16xi1>
    %not3A_554 = arith.xori %and3A_552, %not3A_553 : vector<16xi1>
    %le3A_555 = arith.cmpf ole, %select_n3A_389, %gather3A_549 : vector<16xf32>
    %and3A_556 = arith.andi %not3A_554, %le3A_555 : vector<16xi1>
    %select_n3A_557 = arith.select %and3A_556, %iota3A, %min3A_14 : vector<16xi1>, vector<16xi32>
    %select_n3A_558 = arith.select %and3A_552, %max3A_9, %select_n3A_557 : vector<16xi1>, vector<16xi32>
    %select_n3A_559 = arith.select %and3A_556, %select_n3A_389, %gather3A_549 : vector<16xi1>, vector<16xf32>
    %select_n3A_560 = arith.select %and3A_552, %gather3A_539, %select_n3A_559 : vector<16xi1>, vector<16xf32>
    %add3A_561 = vector.broadcast %scan3A_397 : i32 to vector<16xi32>
    %add3A_562 = arith.addi %add3A_561, %broadcast_in_dim3A_15 : vector<16xi32>
    %gather3A_563 = tpu.vector_load_idx %arg7[%add3A_5, %add3A_562] : memref<24x512xf32, #tpu.memory_space<vmem>>[vector<16xi32>, vector<16xi32>], vector<16xf32>,
    %sub3A_564 = arith.subf %select_n3A_560, %gather3A_563 : vector<16xf32>
    %jit3A_565 = arith.constant 1.000000e+30 : f32
    %broadcast_in_dim3A_566 = vector.broadcast %jit3A_565 : f32 to vector<16xf32>
    %select_n3A_567 = arith.select %lt3A_2, %sub3A_564, %broadcast_in_dim3A_566 : vector<16xi1>, vector<16xf32>
    %add3A_568 = arith.constant 1536 : i32
    %add3A_569 = arith.addi %add3A_568, %scan3A_397 : i32
    %mul3A_570 = arith.constant 16 : i32
    %mul3A_571 = arith.muli %add3A_569, %mul3A_570 : i32
    %swap3A_572 = arith.index_cast %mul3A_571 : i32 to index
    %swap3A_573 = tpu.vector_load %arg8[%swap3A_572] {strides = array<i32>} : memref<32768xi32, #tpu.memory_space<vmem>>, vector<16xi32>,
    tpu.vector_store %arg8[%swap3A_572], %select_n3A_558 {strides = array<i32>} : memref<32768xi32, #tpu.memory_space<vmem>>, vector<16xi32>,
    %scan3A_574 = arith.constant 510 : i32
    %scan3A_575 = arith.addi %scan3A, %scan3A_574 : i32
    %lt3A_576 = arith.constant 0 : i32
    %lt3A_577 = vector.broadcast %lt3A_576 : i32 to vector<16xi32>
    %lt3A_578 = arith.cmpi slt, %max3A_9, %lt3A_577 : vector<16xi32>
    %add3A_579 = arith.constant 16 : i32
    %add3A_580 = vector.broadcast %add3A_579 : i32 to vector<16xi32>
    %add3A_581 = arith.addi %max3A_9, %add3A_580 : vector<16xi32>
    %select_n3A_582 = arith.select %lt3A_578, %add3A_581, %max3A_9 : vector<16xi1>, vector<16xi32>
    %broadcast_in_dim3A_583 = vector.shape_cast %select_n3A_582 : vector<16xi32> to vector<16x1xi32>
    %gather3A_584 = vector.shape_cast %broadcast_in_dim3A_583 : vector<16x1xi32> to vector<16xi32>
    %gather3A_585 = tpu.dynamic_gather %select_n3A_435[%gather3A_584] in [0] : vector<16xf32>, vector<16xi32> -> vector<16xf32>
    %lt3A_586 = arith.constant 0 : i32
    %lt3A_587 = vector.broadcast %lt3A_586 : i32 to vector<16xi32>
    %lt3A_588 = arith.cmpi slt, %min3A_14, %lt3A_587 : vector<16xi32>
    %add3A_589 = arith.constant 16 : i32
    %add3A_590 = vector.broadcast %add3A_589 : i32 to vector<16xi32>
    %add3A_591 = arith.addi %min3A_14, %add3A_590 : vector<16xi32>
    %select_n3A_592 = arith.select %lt3A_588, %add3A_591, %min3A_14 : vector<16xi1>, vector<16xi32>
    %broadcast_in_dim3A_593 = vector.shape_cast %select_n3A_592 : vector<16xi32> to vector<16x1xi32>
    %gather3A_594 = vector.shape_cast %broadcast_in_dim3A_593 : vector<16x1xi32> to vector<16xi32>
    %gather3A_595 = tpu.dynamic_gather %select_n3A_435[%gather3A_594] in [0] : vector<16xf32>, vector<16xi32> -> vector<16xf32>
    %le3A_596 = arith.cmpf ole, %gather3A_585, %select_n3A_435 : vector<16xf32>
    %le3A_597 = arith.cmpf ole, %gather3A_585, %gather3A_595 : vector<16xf32>
    %and3A_598 = arith.andi %le3A_596, %le3A_597 : vector<16xi1>
    %not3A_599 = arith.constant dense<true> : vector<16xi1>
    %not3A_600 = arith.xori %and3A_598, %not3A_599 : vector<16xi1>
    %le3A_601 = arith.cmpf ole, %select_n3A_435, %gather3A_595 : vector<16xf32>
    %and3A_602 = arith.andi %not3A_600, %le3A_601 : vector<16xi1>
    %select_n3A_603 = arith.select %and3A_602, %iota3A, %min3A_14 : vector<16xi1>, vector<16xi32>
    %select_n3A_604 = arith.select %and3A_598, %max3A_9, %select_n3A_603 : vector<16xi1>, vector<16xi32>
    %select_n3A_605 = arith.select %and3A_602, %select_n3A_435, %gather3A_595 : vector<16xi1>, vector<16xf32>
    %select_n3A_606 = arith.select %and3A_598, %gather3A_585, %select_n3A_605 : vector<16xi1>, vector<16xf32>
    %add3A_607 = vector.broadcast %scan3A_575 : i32 to vector<16xi32>
    %add3A_608 = arith.addi %add3A_607, %broadcast_in_dim3A_15 : vector<16xi32>
    %gather3A_609 = tpu.vector_load_idx %arg4[%add3A_5, %add3A_608] : memref<24x512xf32, #tpu.memory_space<vmem>>[vector<16xi32>, vector<16xi32>], vector<16xf32>,
    %sub3A_610 = arith.subf %select_n3A_606, %gather3A_609 : vector<16xf32>
    %jit3A_611 = arith.constant 1.000000e+30 : f32
    %broadcast_in_dim3A_612 = vector.broadcast %jit3A_611 : f32 to vector<16xf32>
    %select_n3A_613 = arith.select %lt3A_2, %sub3A_610, %broadcast_in_dim3A_612 : vector<16xi1>, vector<16xf32>
    %add3A_614 = arith.constant 0 : i32
    %add3A_615 = arith.addi %add3A_614, %scan3A_575 : i32
    %mul3A_616 = arith.constant 16 : i32
    %mul3A_617 = arith.muli %add3A_615, %mul3A_616 : i32
    %swap3A_618 = arith.index_cast %mul3A_617 : i32 to index
    %swap3A_619 = tpu.vector_load %arg8[%swap3A_618] {strides = array<i32>} : memref<32768xi32, #tpu.memory_space<vmem>>, vector<16xi32>,
    tpu.vector_store %arg8[%swap3A_618], %select_n3A_604 {strides = array<i32>} : memref<32768xi32, #tpu.memory_space<vmem>>, vector<16xi32>,
    %lt3A_620 = arith.constant 0 : i32
    %lt3A_621 = vector.broadcast %lt3A_620 : i32 to vector<16xi32>
    %lt3A_622 = arith.cmpi slt, %max3A_9, %lt3A_621 : vector<16xi32>
    %add3A_623 = arith.constant 16 : i32
    %add3A_624 = vector.broadcast %add3A_623 : i32 to vector<16xi32>
    %add3A_625 = arith.addi %max3A_9, %add3A_624 : vector<16xi32>
    %select_n3A_626 = arith.select %lt3A_622, %add3A_625, %max3A_9 : vector<16xi1>, vector<16xi32>
    %broadcast_in_dim3A_627 = vector.shape_cast %select_n3A_626 : vector<16xi32> to vector<16x1xi32>
    %gather3A_628 = vector.shape_cast %broadcast_in_dim3A_627 : vector<16x1xi32> to vector<16xi32>
    %gather3A_629 = tpu.dynamic_gather %select_n3A_479[%gather3A_628] in [0] : vector<16xf32>, vector<16xi32> -> vector<16xf32>
    %lt3A_630 = arith.constant 0 : i32
    %lt3A_631 = vector.broadcast %lt3A_630 : i32 to vector<16xi32>
    %lt3A_632 = arith.cmpi slt, %min3A_14, %lt3A_631 : vector<16xi32>
    %add3A_633 = arith.constant 16 : i32
    %add3A_634 = vector.broadcast %add3A_633 : i32 to vector<16xi32>
    %add3A_635 = arith.addi %min3A_14, %add3A_634 : vector<16xi32>
    %select_n3A_636 = arith.select %lt3A_632, %add3A_635, %min3A_14 : vector<16xi1>, vector<16xi32>
    %broadcast_in_dim3A_637 = vector.shape_cast %select_n3A_636 : vector<16xi32> to vector<16x1xi32>
    %gather3A_638 = vector.shape_cast %broadcast_in_dim3A_637 : vector<16x1xi32> to vector<16xi32>
    %gather3A_639 = tpu.dynamic_gather %select_n3A_479[%gather3A_638] in [0] : vector<16xf32>, vector<16xi32> -> vector<16xf32>
    %le3A_640 = arith.cmpf ole, %gather3A_629, %select_n3A_479 : vector<16xf32>
    %le3A_641 = arith.cmpf ole, %gather3A_629, %gather3A_639 : vector<16xf32>
    %and3A_642 = arith.andi %le3A_640, %le3A_641 : vector<16xi1>
    %not3A_643 = arith.constant dense<true> : vector<16xi1>
    %not3A_644 = arith.xori %and3A_642, %not3A_643 : vector<16xi1>
    %le3A_645 = arith.cmpf ole, %select_n3A_479, %gather3A_639 : vector<16xf32>
    %and3A_646 = arith.andi %not3A_644, %le3A_645 : vector<16xi1>
    %select_n3A_647 = arith.select %and3A_646, %iota3A, %min3A_14 : vector<16xi1>, vector<16xi32>
    %select_n3A_648 = arith.select %and3A_642, %max3A_9, %select_n3A_647 : vector<16xi1>, vector<16xi32>
    %select_n3A_649 = arith.select %and3A_646, %select_n3A_479, %gather3A_639 : vector<16xi1>, vector<16xf32>
    %select_n3A_650 = arith.select %and3A_642, %gather3A_629, %select_n3A_649 : vector<16xi1>, vector<16xf32>
    %add3A_651 = vector.broadcast %scan3A_575 : i32 to vector<16xi32>
    %add3A_652 = arith.addi %add3A_651, %broadcast_in_dim3A_15 : vector<16xi32>
    %gather3A_653 = tpu.vector_load_idx %arg5[%add3A_5, %add3A_652] : memref<24x512xf32, #tpu.memory_space<vmem>>[vector<16xi32>, vector<16xi32>], vector<16xf32>,
    %sub3A_654 = arith.subf %select_n3A_650, %gather3A_653 : vector<16xf32>
    %jit3A_655 = arith.constant 1.000000e+30 : f32
    %broadcast_in_dim3A_656 = vector.broadcast %jit3A_655 : f32 to vector<16xf32>
    %select_n3A_657 = arith.select %lt3A_2, %sub3A_654, %broadcast_in_dim3A_656 : vector<16xi1>, vector<16xf32>
    %add3A_658 = arith.constant 512 : i32
    %add3A_659 = arith.addi %add3A_658, %scan3A_575 : i32
    %mul3A_660 = arith.constant 16 : i32
    %mul3A_661 = arith.muli %add3A_659, %mul3A_660 : i32
    %swap3A_662 = arith.index_cast %mul3A_661 : i32 to index
    %swap3A_663 = tpu.vector_load %arg8[%swap3A_662] {strides = array<i32>} : memref<32768xi32, #tpu.memory_space<vmem>>, vector<16xi32>,
    tpu.vector_store %arg8[%swap3A_662], %select_n3A_648 {strides = array<i32>} : memref<32768xi32, #tpu.memory_space<vmem>>, vector<16xi32>,
    %lt3A_664 = arith.constant 0 : i32
    %lt3A_665 = vector.broadcast %lt3A_664 : i32 to vector<16xi32>
    %lt3A_666 = arith.cmpi slt, %max3A_9, %lt3A_665 : vector<16xi32>
    %add3A_667 = arith.constant 16 : i32
    %add3A_668 = vector.broadcast %add3A_667 : i32 to vector<16xi32>
    %add3A_669 = arith.addi %max3A_9, %add3A_668 : vector<16xi32>
    %select_n3A_670 = arith.select %lt3A_666, %add3A_669, %max3A_9 : vector<16xi1>, vector<16xi32>
    %broadcast_in_dim3A_671 = vector.shape_cast %select_n3A_670 : vector<16xi32> to vector<16x1xi32>
    %gather3A_672 = vector.shape_cast %broadcast_in_dim3A_671 : vector<16x1xi32> to vector<16xi32>
    %gather3A_673 = tpu.dynamic_gather %select_n3A_523[%gather3A_672] in [0] : vector<16xf32>, vector<16xi32> -> vector<16xf32>
    %lt3A_674 = arith.constant 0 : i32
    %lt3A_675 = vector.broadcast %lt3A_674 : i32 to vector<16xi32>
    %lt3A_676 = arith.cmpi slt, %min3A_14, %lt3A_675 : vector<16xi32>
    %add3A_677 = arith.constant 16 : i32
    %add3A_678 = vector.broadcast %add3A_677 : i32 to vector<16xi32>
    %add3A_679 = arith.addi %min3A_14, %add3A_678 : vector<16xi32>
    %select_n3A_680 = arith.select %lt3A_676, %add3A_679, %min3A_14 : vector<16xi1>, vector<16xi32>
    %broadcast_in_dim3A_681 = vector.shape_cast %select_n3A_680 : vector<16xi32> to vector<16x1xi32>
    %gather3A_682 = vector.shape_cast %broadcast_in_dim3A_681 : vector<16x1xi32> to vector<16xi32>
    %gather3A_683 = tpu.dynamic_gather %select_n3A_523[%gather3A_682] in [0] : vector<16xf32>, vector<16xi32> -> vector<16xf32>
    %le3A_684 = arith.cmpf ole, %gather3A_673, %select_n3A_523 : vector<16xf32>
    %le3A_685 = arith.cmpf ole, %gather3A_673, %gather3A_683 : vector<16xf32>
    %and3A_686 = arith.andi %le3A_684, %le3A_685 : vector<16xi1>
    %not3A_687 = arith.constant dense<true> : vector<16xi1>
    %not3A_688 = arith.xori %and3A_686, %not3A_687 : vector<16xi1>
    %le3A_689 = arith.cmpf ole, %select_n3A_523, %gather3A_683 : vector<16xf32>
    %and3A_690 = arith.andi %not3A_688, %le3A_689 : vector<16xi1>
    %select_n3A_691 = arith.select %and3A_690, %iota3A, %min3A_14 : vector<16xi1>, vector<16xi32>
    %select_n3A_692 = arith.select %and3A_686, %max3A_9, %select_n3A_691 : vector<16xi1>, vector<16xi32>
    %select_n3A_693 = arith.select %and3A_690, %select_n3A_523, %gather3A_683 : vector<16xi1>, vector<16xf32>
    %select_n3A_694 = arith.select %and3A_686, %gather3A_673, %select_n3A_693 : vector<16xi1>, vector<16xf32>
    %add3A_695 = vector.broadcast %scan3A_575 : i32 to vector<16xi32>
    %add3A_696 = arith.addi %add3A_695, %broadcast_in_dim3A_15 : vector<16xi32>
    %gather3A_697 = tpu.vector_load_idx %arg6[%add3A_5, %add3A_696] : memref<24x512xf32, #tpu.memory_space<vmem>>[vector<16xi32>, vector<16xi32>], vector<16xf32>,
    %sub3A_698 = arith.subf %select_n3A_694, %gather3A_697 : vector<16xf32>
    %jit3A_699 = arith.constant 1.000000e+30 : f32
    %broadcast_in_dim3A_700 = vector.broadcast %jit3A_699 : f32 to vector<16xf32>
    %select_n3A_701 = arith.select %lt3A_2, %sub3A_698, %broadcast_in_dim3A_700 : vector<16xi1>, vector<16xf32>
    %add3A_702 = arith.constant 1024 : i32
    %add3A_703 = arith.addi %add3A_702, %scan3A_575 : i32
    %mul3A_704 = arith.constant 16 : i32
    %mul3A_705 = arith.muli %add3A_703, %mul3A_704 : i32
    %swap3A_706 = arith.index_cast %mul3A_705 : i32 to index
    %swap3A_707 = tpu.vector_load %arg8[%swap3A_706] {strides = array<i32>} : memref<32768xi32, #tpu.memory_space<vmem>>, vector<16xi32>,
    tpu.vector_store %arg8[%swap3A_706], %select_n3A_692 {strides = array<i32>} : memref<32768xi32, #tpu.memory_space<vmem>>, vector<16xi32>,
    %lt3A_708 = arith.constant 0 : i32
    %lt3A_709 = vector.broadcast %lt3A_708 : i32 to vector<16xi32>
    %lt3A_710 = arith.cmpi slt, %max3A_9, %lt3A_709 : vector<16xi32>
    %add3A_711 = arith.constant 16 : i32
    %add3A_712 = vector.broadcast %add3A_711 : i32 to vector<16xi32>
    %add3A_713 = arith.addi %max3A_9, %add3A_712 : vector<16xi32>
    %select_n3A_714 = arith.select %lt3A_710, %add3A_713, %max3A_9 : vector<16xi1>, vector<16xi32>
    %broadcast_in_dim3A_715 = vector.shape_cast %select_n3A_714 : vector<16xi32> to vector<16x1xi32>
    %gather3A_716 = vector.shape_cast %broadcast_in_dim3A_715 : vector<16x1xi32> to vector<16xi32>
    %gather3A_717 = tpu.dynamic_gather %select_n3A_567[%gather3A_716] in [0] : vector<16xf32>, vector<16xi32> -> vector<16xf32>
    %lt3A_718 = arith.constant 0 : i32
    %lt3A_719 = vector.broadcast %lt3A_718 : i32 to vector<16xi32>
    %lt3A_720 = arith.cmpi slt, %min3A_14, %lt3A_719 : vector<16xi32>
    %add3A_721 = arith.constant 16 : i32
    %add3A_722 = vector.broadcast %add3A_721 : i32 to vector<16xi32>
    %add3A_723 = arith.addi %min3A_14, %add3A_722 : vector<16xi32>
    %select_n3A_724 = arith.select %lt3A_720, %add3A_723, %min3A_14 : vector<16xi1>, vector<16xi32>
    %broadcast_in_dim3A_725 = vector.shape_cast %select_n3A_724 : vector<16xi32> to vector<16x1xi32>
    %gather3A_726 = vector.shape_cast %broadcast_in_dim3A_725 : vector<16x1xi32> to vector<16xi32>
    %gather3A_727 = tpu.dynamic_gather %select_n3A_567[%gather3A_726] in [0] : vector<16xf32>, vector<16xi32> -> vector<16xf32>
    %le3A_728 = arith.cmpf ole, %gather3A_717, %select_n3A_567 : vector<16xf32>
    %le3A_729 = arith.cmpf ole, %gather3A_717, %gather3A_727 : vector<16xf32>
    %and3A_730 = arith.andi %le3A_728, %le3A_729 : vector<16xi1>
    %not3A_731 = arith.constant dense<true> : vector<16xi1>
    %not3A_732 = arith.xori %and3A_730, %not3A_731 : vector<16xi1>
    %le3A_733 = arith.cmpf ole, %select_n3A_567, %gather3A_727 : vector<16xf32>
    %and3A_734 = arith.andi %not3A_732, %le3A_733 : vector<16xi1>
    %select_n3A_735 = arith.select %and3A_734, %iota3A, %min3A_14 : vector<16xi1>, vector<16xi32>
    %select_n3A_736 = arith.select %and3A_730, %max3A_9, %select_n3A_735 : vector<16xi1>, vector<16xi32>
    %select_n3A_737 = arith.select %and3A_734, %select_n3A_567, %gather3A_727 : vector<16xi1>, vector<16xf32>
    %select_n3A_738 = arith.select %and3A_730, %gather3A_717, %select_n3A_737 : vector<16xi1>, vector<16xf32>
    %add3A_739 = vector.broadcast %scan3A_575 : i32 to vector<16xi32>
    %add3A_740 = arith.addi %add3A_739, %broadcast_in_dim3A_15 : vector<16xi32>
    %gather3A_741 = tpu.vector_load_idx %arg7[%add3A_5, %add3A_740] : memref<24x512xf32, #tpu.memory_space<vmem>>[vector<16xi32>, vector<16xi32>], vector<16xf32>,
    %sub3A_742 = arith.subf %select_n3A_738, %gather3A_741 : vector<16xf32>
    %jit3A_743 = arith.constant 1.000000e+30 : f32
    %broadcast_in_dim3A_744 = vector.broadcast %jit3A_743 : f32 to vector<16xf32>
    %select_n3A_745 = arith.select %lt3A_2, %sub3A_742, %broadcast_in_dim3A_744 : vector<16xi1>, vector<16xf32>
    %add3A_746 = arith.constant 1536 : i32
    %add3A_747 = arith.addi %add3A_746, %scan3A_575 : i32
    %mul3A_748 = arith.constant 16 : i32
    %mul3A_749 = arith.muli %add3A_747, %mul3A_748 : i32
    %swap3A_750 = arith.index_cast %mul3A_749 : i32 to index
    %swap3A_751 = tpu.vector_load %arg8[%swap3A_750] {strides = array<i32>} : memref<32768xi32, #tpu.memory_space<vmem>>, vector<16xi32>,
    tpu.vector_store %arg8[%swap3A_750], %select_n3A_736 {strides = array<i32>} : memref<32768xi32, #tpu.memory_space<vmem>>, vector<16xi32>,
    %scan3A_752 = arith.constant 511 : i32
    %reduce_min3A = arith.constant true
    %reduce_min3A_753 = vector.broadcast %reduce_min3A : i1 to vector<16xi1>
    %reduce_min3A_754 = tpu.scan <min>, %select_n3A_613 masked %reduce_min3A_753 : vector<16xf32>, vector<16xi1> -> vector<16xf32>
    %reduce_min3A_755 = vector.extract %reduce_min3A_754[15] : f32 from vector<16xf32>
    %eq3A_756 = vector.broadcast %reduce_min3A_755 : f32 to vector<16xf32>
    %eq3A_757 = arith.cmpf oeq, %select_n3A_613, %eq3A_756 : vector<16xf32>
    %all_reduce_ffs3A = tpu.all_reduce %eq3A_757 {dim = 0 : i64, kind = #tpu.reduction_kind<find_first_set>} : vector<16xi1> -> vector<16xi32>
    %add3A_758 = arith.addi %all_reduce_ffs3A, %broadcast_in_dim3A_15 : vector<16xi32>
    %reduce_min3A_759 = arith.constant true
    %reduce_min3A_760 = vector.broadcast %reduce_min3A_759 : i1 to vector<16xi1>
    %reduce_min3A_761 = tpu.scan <min>, %select_n3A_657 masked %reduce_min3A_760 : vector<16xf32>, vector<16xi1> -> vector<16xf32>
    %reduce_min3A_762 = vector.extract %reduce_min3A_761[15] : f32 from vector<16xf32>
    %eq3A_763 = vector.broadcast %reduce_min3A_762 : f32 to vector<16xf32>
    %eq3A_764 = arith.cmpf oeq, %select_n3A_657, %eq3A_763 : vector<16xf32>
    %all_reduce_ffs3A_765 = tpu.all_reduce %eq3A_764 {dim = 0 : i64, kind = #tpu.reduction_kind<find_first_set>} : vector<16xi1> -> vector<16xi32>
    %add3A_766 = arith.addi %all_reduce_ffs3A_765, %broadcast_in_dim3A_15 : vector<16xi32>
    %reduce_min3A_767 = arith.constant true
    %reduce_min3A_768 = vector.broadcast %reduce_min3A_767 : i1 to vector<16xi1>
    %reduce_min3A_769 = tpu.scan <min>, %select_n3A_701 masked %reduce_min3A_768 : vector<16xf32>, vector<16xi1> -> vector<16xf32>
    %reduce_min3A_770 = vector.extract %reduce_min3A_769[15] : f32 from vector<16xf32>
    %eq3A_771 = vector.broadcast %reduce_min3A_770 : f32 to vector<16xf32>
    %eq3A_772 = arith.cmpf oeq, %select_n3A_701, %eq3A_771 : vector<16xf32>
    %all_reduce_ffs3A_773 = tpu.all_reduce %eq3A_772 {dim = 0 : i64, kind = #tpu.reduction_kind<find_first_set>} : vector<16xi1> -> vector<16xi32>
    %add3A_774 = arith.addi %all_reduce_ffs3A_773, %broadcast_in_dim3A_15 : vector<16xi32>
    %reduce_min3A_775 = arith.constant true
    %reduce_min3A_776 = vector.broadcast %reduce_min3A_775 : i1 to vector<16xi1>
    %reduce_min3A_777 = tpu.scan <min>, %select_n3A_745 masked %reduce_min3A_776 : vector<16xf32>, vector<16xi1> -> vector<16xf32>
    %reduce_min3A_778 = vector.extract %reduce_min3A_777[15] : f32 from vector<16xf32>
    %eq3A_779 = vector.broadcast %reduce_min3A_778 : f32 to vector<16xf32>
    %eq3A_780 = arith.cmpf oeq, %select_n3A_745, %eq3A_779 : vector<16xf32>
    %all_reduce_ffs3A_781 = tpu.all_reduce %eq3A_780 {dim = 0 : i64, kind = #tpu.reduction_kind<find_first_set>} : vector<16xi1> -> vector<16xi32>
    %add3A_782 = arith.addi %all_reduce_ffs3A_781, %broadcast_in_dim3A_15 : vector<16xi32>
    %scan3A_783 = arith.constant 0 : i32
    %scan3A_784 = arith.constant 512 : i32
    %scan3A_785 = arith.addi %scan3A_783, %scan3A_784 : i32
    %scan3A_786 = arith.constant 4 : i32
    %scan3A_787:4 = scf.for %scan3A_807 = %scan3A_783 to %scan3A_785 step %scan3A_786 iter_args(%scan3A_808 = %add3A_758, %scan3A_809 = %add3A_766, %scan3A_810 = %add3A_774, %scan3A_811 = %add3A_782) -> (vector<16xi32>, vector<16xi32>, vector<16xi32>, vector<16xi32>)  : i32 {
      %sub3A_812 = arith.constant 511 : i32
      %sub3A_813 = arith.subi %sub3A_812, %scan3A_807 : i32
      %add3A_814 = arith.constant 0 : i32
      %add3A_815 = arith.addi %add3A_814, %sub3A_813 : i32
      %add3A_816 = vector.broadcast %add3A_815 : i32 to vector<16xi32>
      %add3A_817 = arith.addi %add3A_816, %broadcast_in_dim3A_15 : vector<16xi32>
      %add3A_818 = vector.broadcast %add3A_58 : i32 to vector<16xi32>
      %add3A_819 = arith.addi %scan3A_808, %add3A_818 : vector<16xi32>
      tpu.vector_store_idx %arg9[%add3A_817], %add3A_819 masked %eq3A_17 : memref<2048xi32, #tpu.memory_space<vmem>>[vector<16xi32>], vector<16xi32>, vector<16xi1>
      %add3A_820 = arith.constant 0 : i32
      %add3A_821 = arith.addi %add3A_820, %sub3A_813 : i32
      %mul3A_822 = arith.constant 16 : i32
      %mul3A_823 = arith.muli %add3A_821, %mul3A_822 : i32
      %add3A_824 = vector.broadcast %mul3A_823 : i32 to vector<16xi32>
      %add3A_825 = arith.addi %add3A_824, %scan3A_808 : vector<16xi32>
      %gather3A_826 = tpu.vector_load_idx %arg8[%add3A_825] : memref<32768xi32, #tpu.memory_space<vmem>>[vector<16xi32>], vector<16xi32>,
      %add3A_827 = arith.constant 512 : i32
      %add3A_828 = arith.addi %add3A_827, %sub3A_813 : i32
      %add3A_829 = vector.broadcast %add3A_828 : i32 to vector<16xi32>
      %add3A_830 = arith.addi %add3A_829, %broadcast_in_dim3A_15 : vector<16xi32>
      %add3A_831 = vector.broadcast %add3A_98 : i32 to vector<16xi32>
      %add3A_832 = arith.addi %scan3A_809, %add3A_831 : vector<16xi32>
      tpu.vector_store_idx %arg9[%add3A_830], %add3A_832 masked %eq3A_17 : memref<2048xi32, #tpu.memory_space<vmem>>[vector<16xi32>], vector<16xi32>, vector<16xi1>
      %add3A_833 = arith.constant 512 : i32
      %add3A_834 = arith.addi %add3A_833, %sub3A_813 : i32
      %mul3A_835 = arith.constant 16 : i32
      %mul3A_836 = arith.muli %add3A_834, %mul3A_835 : i32
      %add3A_837 = vector.broadcast %mul3A_836 : i32 to vector<16xi32>
      %add3A_838 = arith.addi %add3A_837, %scan3A_809 : vector<16xi32>
      %gather3A_839 = tpu.vector_load_idx %arg8[%add3A_838] : memref<32768xi32, #tpu.memory_space<vmem>>[vector<16xi32>], vector<16xi32>,
      %add3A_840 = arith.constant 1024 : i32
      %add3A_841 = arith.addi %add3A_840, %sub3A_813 : i32
      %add3A_842 = vector.broadcast %add3A_841 : i32 to vector<16xi32>
      %add3A_843 = arith.addi %add3A_842, %broadcast_in_dim3A_15 : vector<16xi32>
      %add3A_844 = vector.broadcast %add3A_138 : i32 to vector<16xi32>
      %add3A_845 = arith.addi %scan3A_810, %add3A_844 : vector<16xi32>
      tpu.vector_store_idx %arg9[%add3A_843], %add3A_845 masked %eq3A_17 : memref<2048xi32, #tpu.memory_space<vmem>>[vector<16xi32>], vector<16xi32>, vector<16xi1>
      %add3A_846 = arith.constant 1024 : i32
      %add3A_847 = arith.addi %add3A_846, %sub3A_813 : i32
      %mul3A_848 = arith.constant 16 : i32
      %mul3A_849 = arith.muli %add3A_847, %mul3A_848 : i32
      %add3A_850 = vector.broadcast %mul3A_849 : i32 to vector<16xi32>
      %add3A_851 = arith.addi %add3A_850, %scan3A_810 : vector<16xi32>
      %gather3A_852 = tpu.vector_load_idx %arg8[%add3A_851] : memref<32768xi32, #tpu.memory_space<vmem>>[vector<16xi32>], vector<16xi32>,
      %add3A_853 = arith.constant 1536 : i32
      %add3A_854 = arith.addi %add3A_853, %sub3A_813 : i32
      %add3A_855 = vector.broadcast %add3A_854 : i32 to vector<16xi32>
      %add3A_856 = arith.addi %add3A_855, %broadcast_in_dim3A_15 : vector<16xi32>
      %add3A_857 = vector.broadcast %add3A_178 : i32 to vector<16xi32>
      %add3A_858 = arith.addi %scan3A_811, %add3A_857 : vector<16xi32>
      tpu.vector_store_idx %arg9[%add3A_856], %add3A_858 masked %eq3A_17 : memref<2048xi32, #tpu.memory_space<vmem>>[vector<16xi32>], vector<16xi32>, vector<16xi1>
      %add3A_859 = arith.constant 1536 : i32
      %add3A_860 = arith.addi %add3A_859, %sub3A_813 : i32
      %mul3A_861 = arith.constant 16 : i32
      %mul3A_862 = arith.muli %add3A_860, %mul3A_861 : i32
      %add3A_863 = vector.broadcast %mul3A_862 : i32 to vector<16xi32>
      %add3A_864 = arith.addi %add3A_863, %scan3A_811 : vector<16xi32>
      %gather3A_865 = tpu.vector_load_idx %arg8[%add3A_864] : memref<32768xi32, #tpu.memory_space<vmem>>[vector<16xi32>], vector<16xi32>,
      %scan3A_866 = arith.constant 1 : i32
      %scan3A_867 = arith.addi %scan3A_807, %scan3A_866 : i32
      %sub3A_868 = arith.constant 511 : i32
      %sub3A_869 = arith.subi %sub3A_868, %scan3A_867 : i32
      %add3A_870 = arith.constant 0 : i32
      %add3A_871 = arith.addi %add3A_870, %sub3A_869 : i32
      %add3A_872 = vector.broadcast %add3A_871 : i32 to vector<16xi32>
      %add3A_873 = arith.addi %add3A_872, %broadcast_in_dim3A_15 : vector<16xi32>
      %add3A_874 = vector.broadcast %add3A_58 : i32 to vector<16xi32>
      %add3A_875 = arith.addi %gather3A_826, %add3A_874 : vector<16xi32>
      tpu.vector_store_idx %arg9[%add3A_873], %add3A_875 masked %eq3A_17 : memref<2048xi32, #tpu.memory_space<vmem>>[vector<16xi32>], vector<16xi32>, vector<16xi1>
      %add3A_876 = arith.constant 0 : i32
      %add3A_877 = arith.addi %add3A_876, %sub3A_869 : i32
      %mul3A_878 = arith.constant 16 : i32
      %mul3A_879 = arith.muli %add3A_877, %mul3A_878 : i32
      %add3A_880 = vector.broadcast %mul3A_879 : i32 to vector<16xi32>
      %add3A_881 = arith.addi %add3A_880, %gather3A_826 : vector<16xi32>
      %gather3A_882 = tpu.vector_load_idx %arg8[%add3A_881] : memref<32768xi32, #tpu.memory_space<vmem>>[vector<16xi32>], vector<16xi32>,
      %add3A_883 = arith.constant 512 : i32
      %add3A_884 = arith.addi %add3A_883, %sub3A_869 : i32
      %add3A_885 = vector.broadcast %add3A_884 : i32 to vector<16xi32>
      %add3A_886 = arith.addi %add3A_885, %broadcast_in_dim3A_15 : vector<16xi32>
      %add3A_887 = vector.broadcast %add3A_98 : i32 to vector<16xi32>
      %add3A_888 = arith.addi %gather3A_839, %add3A_887 : vector<16xi32>
      tpu.vector_store_idx %arg9[%add3A_886], %add3A_888 masked %eq3A_17 : memref<2048xi32, #tpu.memory_space<vmem>>[vector<16xi32>], vector<16xi32>, vector<16xi1>
      %add3A_889 = arith.constant 512 : i32
      %add3A_890 = arith.addi %add3A_889, %sub3A_869 : i32
      %mul3A_891 = arith.constant 16 : i32
      %mul3A_892 = arith.muli %add3A_890, %mul3A_891 : i32
      %add3A_893 = vector.broadcast %mul3A_892 : i32 to vector<16xi32>
      %add3A_894 = arith.addi %add3A_893, %gather3A_839 : vector<16xi32>
      %gather3A_895 = tpu.vector_load_idx %arg8[%add3A_894] : memref<32768xi32, #tpu.memory_space<vmem>>[vector<16xi32>], vector<16xi32>,
      %add3A_896 = arith.constant 1024 : i32
      %add3A_897 = arith.addi %add3A_896, %sub3A_869 : i32
      %add3A_898 = vector.broadcast %add3A_897 : i32 to vector<16xi32>
      %add3A_899 = arith.addi %add3A_898, %broadcast_in_dim3A_15 : vector<16xi32>
      %add3A_900 = vector.broadcast %add3A_138 : i32 to vector<16xi32>
      %add3A_901 = arith.addi %gather3A_852, %add3A_900 : vector<16xi32>
      tpu.vector_store_idx %arg9[%add3A_899], %add3A_901 masked %eq3A_17 : memref<2048xi32, #tpu.memory_space<vmem>>[vector<16xi32>], vector<16xi32>, vector<16xi1>
      %add3A_902 = arith.constant 1024 : i32
      %add3A_903 = arith.addi %add3A_902, %sub3A_869 : i32
      %mul3A_904 = arith.constant 16 : i32
      %mul3A_905 = arith.muli %add3A_903, %mul3A_904 : i32
      %add3A_906 = vector.broadcast %mul3A_905 : i32 to vector<16xi32>
      %add3A_907 = arith.addi %add3A_906, %gather3A_852 : vector<16xi32>
      %gather3A_908 = tpu.vector_load_idx %arg8[%add3A_907] : memref<32768xi32, #tpu.memory_space<vmem>>[vector<16xi32>], vector<16xi32>,
      %add3A_909 = arith.constant 1536 : i32
      %add3A_910 = arith.addi %add3A_909, %sub3A_869 : i32
      %add3A_911 = vector.broadcast %add3A_910 : i32 to vector<16xi32>
      %add3A_912 = arith.addi %add3A_911, %broadcast_in_dim3A_15 : vector<16xi32>
      %add3A_913 = vector.broadcast %add3A_178 : i32 to vector<16xi32>
      %add3A_914 = arith.addi %gather3A_865, %add3A_913 : vector<16xi32>
      tpu.vector_store_idx %arg9[%add3A_912], %add3A_914 masked %eq3A_17 : memref<2048xi32, #tpu.memory_space<vmem>>[vector<16xi32>], vector<16xi32>, vector<16xi1>
      %add3A_915 = arith.constant 1536 : i32
      %add3A_916 = arith.addi %add3A_915, %sub3A_869 : i32
      %mul3A_917 = arith.constant 16 : i32
      %mul3A_918 = arith.muli %add3A_916, %mul3A_917 : i32
      %add3A_919 = vector.broadcast %mul3A_918 : i32 to vector<16xi32>
      %add3A_920 = arith.addi %add3A_919, %gather3A_865 : vector<16xi32>
      %gather3A_921 = tpu.vector_load_idx %arg8[%add3A_920] : memref<32768xi32, #tpu.memory_space<vmem>>[vector<16xi32>], vector<16xi32>,
      %scan3A_922 = arith.constant 2 : i32
      %scan3A_923 = arith.addi %scan3A_807, %scan3A_922 : i32
      %sub3A_924 = arith.constant 511 : i32
      %sub3A_925 = arith.subi %sub3A_924, %scan3A_923 : i32
      %add3A_926 = arith.constant 0 : i32
      %add3A_927 = arith.addi %add3A_926, %sub3A_925 : i32
      %add3A_928 = vector.broadcast %add3A_927 : i32 to vector<16xi32>
      %add3A_929 = arith.addi %add3A_928, %broadcast_in_dim3A_15 : vector<16xi32>
      %add3A_930 = vector.broadcast %add3A_58 : i32 to vector<16xi32>
      %add3A_931 = arith.addi %gather3A_882, %add3A_930 : vector<16xi32>
      tpu.vector_store_idx %arg9[%add3A_929], %add3A_931 masked %eq3A_17 : memref<2048xi32, #tpu.memory_space<vmem>>[vector<16xi32>], vector<16xi32>, vector<16xi1>
      %add3A_932 = arith.constant 0 : i32
      %add3A_933 = arith.addi %add3A_932, %sub3A_925 : i32
      %mul3A_934 = arith.constant 16 : i32
      %mul3A_935 = arith.muli %add3A_933, %mul3A_934 : i32
      %add3A_936 = vector.broadcast %mul3A_935 : i32 to vector<16xi32>
      %add3A_937 = arith.addi %add3A_936, %gather3A_882 : vector<16xi32>
      %gather3A_938 = tpu.vector_load_idx %arg8[%add3A_937] : memref<32768xi32, #tpu.memory_space<vmem>>[vector<16xi32>], vector<16xi32>,
      %add3A_939 = arith.constant 512 : i32
      %add3A_940 = arith.addi %add3A_939, %sub3A_925 : i32
      %add3A_941 = vector.broadcast %add3A_940 : i32 to vector<16xi32>
      %add3A_942 = arith.addi %add3A_941, %broadcast_in_dim3A_15 : vector<16xi32>
      %add3A_943 = vector.broadcast %add3A_98 : i32 to vector<16xi32>
      %add3A_944 = arith.addi %gather3A_895, %add3A_943 : vector<16xi32>
      tpu.vector_store_idx %arg9[%add3A_942], %add3A_944 masked %eq3A_17 : memref<2048xi32, #tpu.memory_space<vmem>>[vector<16xi32>], vector<16xi32>, vector<16xi1>
      %add3A_945 = arith.constant 512 : i32
      %add3A_946 = arith.addi %add3A_945, %sub3A_925 : i32
      %mul3A_947 = arith.constant 16 : i32
      %mul3A_948 = arith.muli %add3A_946, %mul3A_947 : i32
      %add3A_949 = vector.broadcast %mul3A_948 : i32 to vector<16xi32>
      %add3A_950 = arith.addi %add3A_949, %gather3A_895 : vector<16xi32>
      %gather3A_951 = tpu.vector_load_idx %arg8[%add3A_950] : memref<32768xi32, #tpu.memory_space<vmem>>[vector<16xi32>], vector<16xi32>,
      %add3A_952 = arith.constant 1024 : i32
      %add3A_953 = arith.addi %add3A_952, %sub3A_925 : i32
      %add3A_954 = vector.broadcast %add3A_953 : i32 to vector<16xi32>
      %add3A_955 = arith.addi %add3A_954, %broadcast_in_dim3A_15 : vector<16xi32>
      %add3A_956 = vector.broadcast %add3A_138 : i32 to vector<16xi32>
      %add3A_957 = arith.addi %gather3A_908, %add3A_956 : vector<16xi32>
      tpu.vector_store_idx %arg9[%add3A_955], %add3A_957 masked %eq3A_17 : memref<2048xi32, #tpu.memory_space<vmem>>[vector<16xi32>], vector<16xi32>, vector<16xi1>
      %add3A_958 = arith.constant 1024 : i32
      %add3A_959 = arith.addi %add3A_958, %sub3A_925 : i32
      %mul3A_960 = arith.constant 16 : i32
      %mul3A_961 = arith.muli %add3A_959, %mul3A_960 : i32
      %add3A_962 = vector.broadcast %mul3A_961 : i32 to vector<16xi32>
      %add3A_963 = arith.addi %add3A_962, %gather3A_908 : vector<16xi32>
      %gather3A_964 = tpu.vector_load_idx %arg8[%add3A_963] : memref<32768xi32, #tpu.memory_space<vmem>>[vector<16xi32>], vector<16xi32>,
      %add3A_965 = arith.constant 1536 : i32
      %add3A_966 = arith.addi %add3A_965, %sub3A_925 : i32
      %add3A_967 = vector.broadcast %add3A_966 : i32 to vector<16xi32>
      %add3A_968 = arith.addi %add3A_967, %broadcast_in_dim3A_15 : vector<16xi32>
      %add3A_969 = vector.broadcast %add3A_178 : i32 to vector<16xi32>
      %add3A_970 = arith.addi %gather3A_921, %add3A_969 : vector<16xi32>
      tpu.vector_store_idx %arg9[%add3A_968], %add3A_970 masked %eq3A_17 : memref<2048xi32, #tpu.memory_space<vmem>>[vector<16xi32>], vector<16xi32>, vector<16xi1>
      %add3A_971 = arith.constant 1536 : i32
      %add3A_972 = arith.addi %add3A_971, %sub3A_925 : i32
      %mul3A_973 = arith.constant 16 : i32
      %mul3A_974 = arith.muli %add3A_972, %mul3A_973 : i32
      %add3A_975 = vector.broadcast %mul3A_974 : i32 to vector<16xi32>
      %add3A_976 = arith.addi %add3A_975, %gather3A_921 : vector<16xi32>
      %gather3A_977 = tpu.vector_load_idx %arg8[%add3A_976] : memref<32768xi32, #tpu.memory_space<vmem>>[vector<16xi32>], vector<16xi32>,
      %scan3A_978 = arith.constant 3 : i32
      %scan3A_979 = arith.addi %scan3A_807, %scan3A_978 : i32
      %sub3A_980 = arith.constant 511 : i32
      %sub3A_981 = arith.subi %sub3A_980, %scan3A_979 : i32
      %add3A_982 = arith.constant 0 : i32
      %add3A_983 = arith.addi %add3A_982, %sub3A_981 : i32
      %add3A_984 = vector.broadcast %add3A_983 : i32 to vector<16xi32>
      %add3A_985 = arith.addi %add3A_984, %broadcast_in_dim3A_15 : vector<16xi32>
      %add3A_986 = vector.broadcast %add3A_58 : i32 to vector<16xi32>
      %add3A_987 = arith.addi %gather3A_938, %add3A_986 : vector<16xi32>
      tpu.vector_store_idx %arg9[%add3A_985], %add3A_987 masked %eq3A_17 : memref<2048xi32, #tpu.memory_space<vmem>>[vector<16xi32>], vector<16xi32>, vector<16xi1>
      %add3A_988 = arith.constant 0 : i32
      %add3A_989 = arith.addi %add3A_988, %sub3A_981 : i32
      %mul3A_990 = arith.constant 16 : i32
      %mul3A_991 = arith.muli %add3A_989, %mul3A_990 : i32
      %add3A_992 = vector.broadcast %mul3A_991 : i32 to vector<16xi32>
      %add3A_993 = arith.addi %add3A_992, %gather3A_938 : vector<16xi32>
      %gather3A_994 = tpu.vector_load_idx %arg8[%add3A_993] : memref<32768xi32, #tpu.memory_space<vmem>>[vector<16xi32>], vector<16xi32>,
      %add3A_995 = arith.constant 512 : i32
      %add3A_996 = arith.addi %add3A_995, %sub3A_981 : i32
      %add3A_997 = vector.broadcast %add3A_996 : i32 to vector<16xi32>
      %add3A_998 = arith.addi %add3A_997, %broadcast_in_dim3A_15 : vector<16xi32>
      %add3A_999 = vector.broadcast %add3A_98 : i32 to vector<16xi32>
      %add3A_1000 = arith.addi %gather3A_951, %add3A_999 : vector<16xi32>
      tpu.vector_store_idx %arg9[%add3A_998], %add3A_1000 masked %eq3A_17 : memref<2048xi32, #tpu.memory_space<vmem>>[vector<16xi32>], vector<16xi32>, vector<16xi1>
      %add3A_1001 = arith.constant 512 : i32
      %add3A_1002 = arith.addi %add3A_1001, %sub3A_981 : i32
      %mul3A_1003 = arith.constant 16 : i32
      %mul3A_1004 = arith.muli %add3A_1002, %mul3A_1003 : i32
      %add3A_1005 = vector.broadcast %mul3A_1004 : i32 to vector<16xi32>
      %add3A_1006 = arith.addi %add3A_1005, %gather3A_951 : vector<16xi32>
      %gather3A_1007 = tpu.vector_load_idx %arg8[%add3A_1006] : memref<32768xi32, #tpu.memory_space<vmem>>[vector<16xi32>], vector<16xi32>,
      %add3A_1008 = arith.constant 1024 : i32
      %add3A_1009 = arith.addi %add3A_1008, %sub3A_981 : i32
      %add3A_1010 = vector.broadcast %add3A_1009 : i32 to vector<16xi32>
      %add3A_1011 = arith.addi %add3A_1010, %broadcast_in_dim3A_15 : vector<16xi32>
      %add3A_1012 = vector.broadcast %add3A_138 : i32 to vector<16xi32>
      %add3A_1013 = arith.addi %gather3A_964, %add3A_1012 : vector<16xi32>
      tpu.vector_store_idx %arg9[%add3A_1011], %add3A_1013 masked %eq3A_17 : memref<2048xi32, #tpu.memory_space<vmem>>[vector<16xi32>], vector<16xi32>, vector<16xi1>
      %add3A_1014 = arith.constant 1024 : i32
      %add3A_1015 = arith.addi %add3A_1014, %sub3A_981 : i32
      %mul3A_1016 = arith.constant 16 : i32
      %mul3A_1017 = arith.muli %add3A_1015, %mul3A_1016 : i32
      %add3A_1018 = vector.broadcast %mul3A_1017 : i32 to vector<16xi32>
      %add3A_1019 = arith.addi %add3A_1018, %gather3A_964 : vector<16xi32>
      %gather3A_1020 = tpu.vector_load_idx %arg8[%add3A_1019] : memref<32768xi32, #tpu.memory_space<vmem>>[vector<16xi32>], vector<16xi32>,
      %add3A_1021 = arith.constant 1536 : i32
      %add3A_1022 = arith.addi %add3A_1021, %sub3A_981 : i32
      %add3A_1023 = vector.broadcast %add3A_1022 : i32 to vector<16xi32>
      %add3A_1024 = arith.addi %add3A_1023, %broadcast_in_dim3A_15 : vector<16xi32>
      %add3A_1025 = vector.broadcast %add3A_178 : i32 to vector<16xi32>
      %add3A_1026 = arith.addi %gather3A_977, %add3A_1025 : vector<16xi32>
      tpu.vector_store_idx %arg9[%add3A_1024], %add3A_1026 masked %eq3A_17 : memref<2048xi32, #tpu.memory_space<vmem>>[vector<16xi32>], vector<16xi32>, vector<16xi1>
      %add3A_1027 = arith.constant 1536 : i32
      %add3A_1028 = arith.addi %add3A_1027, %sub3A_981 : i32
      %mul3A_1029 = arith.constant 16 : i32
      %mul3A_1030 = arith.muli %add3A_1028, %mul3A_1029 : i32
      %add3A_1031 = vector.broadcast %mul3A_1030 : i32 to vector<16xi32>
      %add3A_1032 = arith.addi %add3A_1031, %gather3A_977 : vector<16xi32>
      %gather3A_1033 = tpu.vector_load_idx %arg8[%add3A_1032] : memref<32768xi32, #tpu.memory_space<vmem>>[vector<16xi32>], vector<16xi32>,
      scf.yield %gather3A_994, %gather3A_1007, %gather3A_1020, %gather3A_1033 : vector<16xi32>, vector<16xi32>, vector<16xi32>, vector<16xi32>
    }
    %scan3A_788 = arith.constant 512 : i32
    %lt3A_789 = arith.constant 112 : i32
    %lt3A_790 = arith.cmpi slt, %add3A_19, %lt3A_789 : i32
    %convert_element_type3A = arith.extui %lt3A_790 : i1 to i32
    %cond3A = arith.constant 0 : i32
    %cond3A_791 = arith.cmpi ne, %convert_element_type3A, %cond3A : i32
    scf.if %cond3A_791 {
      %mul3A_807 = arith.constant 512 : i32
      %mul3A_808 = arith.muli %add3A_19, %mul3A_807 : i32
      "tpu.region"() ({
        %run_scoped3A = tpu.sem_alloc : memref<!tpu.dma_semaphore, #tpu.memory_space<semaphore_mem>>
        %dma_start3A = arith.constant 0 : i32
        %dma_start3A_809 = tpu.memref_slice %arg9[%dma_start3A] : memref<2048xi32, #tpu.memory_space<vmem>> -> memref<512xi32, #tpu.memory_space<vmem>>
        %dma_start3A_810 = tpu.memref_slice %arg3[%mul3A_808] : memref<57344xi32, #tpu.memory_space<hbm>> -> memref<512xi32, #tpu.memory_space<hbm>>
        %dma_start3A_811 = tpu.memref_slice %arg3[%mul3A_808] : memref<57344xi32, #tpu.memory_space<hbm>> -> memref<512xi32, #tpu.memory_space<hbm>>
        %dma_start3A_812 = arith.constant 0 : i32
        %dma_start3A_813 = tpu.memref_slice %arg9[%dma_start3A_812] : memref<2048xi32, #tpu.memory_space<vmem>> -> memref<512xi32, #tpu.memory_space<vmem>>
        tpu.enqueue_dma source(%dma_start3A_813 : memref<512xi32, #tpu.memory_space<vmem>>) target(%dma_start3A_811 : memref<512xi32, #tpu.memory_space<hbm>>) target_semaphore(%run_scoped3A : memref<!tpu.dma_semaphore, #tpu.memory_space<semaphore_mem>>)
        %dma_wait3A = arith.constant 0 : i32
        %dma_wait3A_814 = tpu.memref_slice %arg9[%dma_wait3A] : memref<2048xi32, #tpu.memory_space<vmem>> -> memref<512xi32, #tpu.memory_space<vmem>>
        %dma_wait3A_815 = tpu.memref_slice %arg3[%mul3A_808] : memref<57344xi32, #tpu.memory_space<hbm>> -> memref<512xi32, #tpu.memory_space<hbm>>
        %dma_wait3A_816 = tpu.memref_slice %arg3[%mul3A_808] : memref<57344xi32, #tpu.memory_space<hbm>> -> memref<512xi32, #tpu.memory_space<hbm>>
        %dma_wait3A_817 = arith.constant 0 : i32
        %dma_wait3A_818 = tpu.memref_slice %arg9[%dma_wait3A_817] : memref<2048xi32, #tpu.memory_space<vmem>> -> memref<512xi32, #tpu.memory_space<vmem>>
        tpu.wait_dma2 semaphore(%run_scoped3A : memref<!tpu.dma_semaphore, #tpu.memory_space<semaphore_mem>>) src(%dma_wait3A_818 : memref<512xi32, #tpu.memory_space<vmem>>) dst(%dma_wait3A_816 : memref<512xi32, #tpu.memory_space<hbm>>)
        tpu.yield
      }) : () -> ()
    } else {
    }
    %lt3A_792 = arith.constant 112 : i32
    %lt3A_793 = arith.cmpi slt, %add3A_21, %lt3A_792 : i32
    %convert_element_type3A_794 = arith.extui %lt3A_793 : i1 to i32
    %cond3A_795 = arith.constant 0 : i32
    %cond3A_796 = arith.cmpi ne, %convert_element_type3A_794, %cond3A_795 : i32
    scf.if %cond3A_796 {
      %mul3A_807 = arith.constant 512 : i32
      %mul3A_808 = arith.muli %add3A_21, %mul3A_807 : i32
      "tpu.region"() ({
        %run_scoped3A = tpu.sem_alloc : memref<!tpu.dma_semaphore, #tpu.memory_space<semaphore_mem>>
        %dma_start3A = arith.constant 512 : i32
        %dma_start3A_809 = tpu.memref_slice %arg9[%dma_start3A] : memref<2048xi32, #tpu.memory_space<vmem>> -> memref<512xi32, #tpu.memory_space<vmem>>
        %dma_start3A_810 = tpu.memref_slice %arg3[%mul3A_808] : memref<57344xi32, #tpu.memory_space<hbm>> -> memref<512xi32, #tpu.memory_space<hbm>>
        %dma_start3A_811 = tpu.memref_slice %arg3[%mul3A_808] : memref<57344xi32, #tpu.memory_space<hbm>> -> memref<512xi32, #tpu.memory_space<hbm>>
        %dma_start3A_812 = arith.constant 512 : i32
        %dma_start3A_813 = tpu.memref_slice %arg9[%dma_start3A_812] : memref<2048xi32, #tpu.memory_space<vmem>> -> memref<512xi32, #tpu.memory_space<vmem>>
        tpu.enqueue_dma source(%dma_start3A_813 : memref<512xi32, #tpu.memory_space<vmem>>) target(%dma_start3A_811 : memref<512xi32, #tpu.memory_space<hbm>>) target_semaphore(%run_scoped3A : memref<!tpu.dma_semaphore, #tpu.memory_space<semaphore_mem>>)
        %dma_wait3A = arith.constant 512 : i32
        %dma_wait3A_814 = tpu.memref_slice %arg9[%dma_wait3A] : memref<2048xi32, #tpu.memory_space<vmem>> -> memref<512xi32, #tpu.memory_space<vmem>>
        %dma_wait3A_815 = tpu.memref_slice %arg3[%mul3A_808] : memref<57344xi32, #tpu.memory_space<hbm>> -> memref<512xi32, #tpu.memory_space<hbm>>
        %dma_wait3A_816 = tpu.memref_slice %arg3[%mul3A_808] : memref<57344xi32, #tpu.memory_space<hbm>> -> memref<512xi32, #tpu.memory_space<hbm>>
        %dma_wait3A_817 = arith.constant 512 : i32
        %dma_wait3A_818 = tpu.memref_slice %arg9[%dma_wait3A_817] : memref<2048xi32, #tpu.memory_space<vmem>> -> memref<512xi32, #tpu.memory_space<vmem>>
        tpu.wait_dma2 semaphore(%run_scoped3A : memref<!tpu.dma_semaphore, #tpu.memory_space<semaphore_mem>>) src(%dma_wait3A_818 : memref<512xi32, #tpu.memory_space<vmem>>) dst(%dma_wait3A_816 : memref<512xi32, #tpu.memory_space<hbm>>)
        tpu.yield
      }) : () -> ()
    } else {
    }
    %lt3A_797 = arith.constant 112 : i32
    %lt3A_798 = arith.cmpi slt, %add3A_23, %lt3A_797 : i32
    %convert_element_type3A_799 = arith.extui %lt3A_798 : i1 to i32
    %cond3A_800 = arith.constant 0 : i32
    %cond3A_801 = arith.cmpi ne, %convert_element_type3A_799, %cond3A_800 : i32
    scf.if %cond3A_801 {
      %mul3A_807 = arith.constant 512 : i32
      %mul3A_808 = arith.muli %add3A_23, %mul3A_807 : i32
      "tpu.region"() ({
        %run_scoped3A = tpu.sem_alloc : memref<!tpu.dma_semaphore, #tpu.memory_space<semaphore_mem>>
        %dma_start3A = arith.constant 1024 : i32
        %dma_start3A_809 = tpu.memref_slice %arg9[%dma_start3A] : memref<2048xi32, #tpu.memory_space<vmem>> -> memref<512xi32, #tpu.memory_space<vmem>>
        %dma_start3A_810 = tpu.memref_slice %arg3[%mul3A_808] : memref<57344xi32, #tpu.memory_space<hbm>> -> memref<512xi32, #tpu.memory_space<hbm>>
        %dma_start3A_811 = tpu.memref_slice %arg3[%mul3A_808] : memref<57344xi32, #tpu.memory_space<hbm>> -> memref<512xi32, #tpu.memory_space<hbm>>
        %dma_start3A_812 = arith.constant 1024 : i32
        %dma_start3A_813 = tpu.memref_slice %arg9[%dma_start3A_812] : memref<2048xi32, #tpu.memory_space<vmem>> -> memref<512xi32, #tpu.memory_space<vmem>>
        tpu.enqueue_dma source(%dma_start3A_813 : memref<512xi32, #tpu.memory_space<vmem>>) target(%dma_start3A_811 : memref<512xi32, #tpu.memory_space<hbm>>) target_semaphore(%run_scoped3A : memref<!tpu.dma_semaphore, #tpu.memory_space<semaphore_mem>>)
        %dma_wait3A = arith.constant 1024 : i32
        %dma_wait3A_814 = tpu.memref_slice %arg9[%dma_wait3A] : memref<2048xi32, #tpu.memory_space<vmem>> -> memref<512xi32, #tpu.memory_space<vmem>>
        %dma_wait3A_815 = tpu.memref_slice %arg3[%mul3A_808] : memref<57344xi32, #tpu.memory_space<hbm>> -> memref<512xi32, #tpu.memory_space<hbm>>
        %dma_wait3A_816 = tpu.memref_slice %arg3[%mul3A_808] : memref<57344xi32, #tpu.memory_space<hbm>> -> memref<512xi32, #tpu.memory_space<hbm>>
        %dma_wait3A_817 = arith.constant 1024 : i32
        %dma_wait3A_818 = tpu.memref_slice %arg9[%dma_wait3A_817] : memref<2048xi32, #tpu.memory_space<vmem>> -> memref<512xi32, #tpu.memory_space<vmem>>
        tpu.wait_dma2 semaphore(%run_scoped3A : memref<!tpu.dma_semaphore, #tpu.memory_space<semaphore_mem>>) src(%dma_wait3A_818 : memref<512xi32, #tpu.memory_space<vmem>>) dst(%dma_wait3A_816 : memref<512xi32, #tpu.memory_space<hbm>>)
        tpu.yield
      }) : () -> ()
    } else {
    }
    %lt3A_802 = arith.constant 112 : i32
    %lt3A_803 = arith.cmpi slt, %add3A_25, %lt3A_802 : i32
    %convert_element_type3A_804 = arith.extui %lt3A_803 : i1 to i32
    %cond3A_805 = arith.constant 0 : i32
    %cond3A_806 = arith.cmpi ne, %convert_element_type3A_804, %cond3A_805 : i32
    scf.if %cond3A_806 {
      %mul3A_807 = arith.constant 512 : i32
      %mul3A_808 = arith.muli %add3A_25, %mul3A_807 : i32
      "tpu.region"() ({
        %run_scoped3A = tpu.sem_alloc : memref<!tpu.dma_semaphore, #tpu.memory_space<semaphore_mem>>
        %dma_start3A = arith.constant 1536 : i32
        %dma_start3A_809 = tpu.memref_slice %arg9[%dma_start3A] : memref<2048xi32, #tpu.memory_space<vmem>> -> memref<512xi32, #tpu.memory_space<vmem>>
        %dma_start3A_810 = tpu.memref_slice %arg3[%mul3A_808] : memref<57344xi32, #tpu.memory_space<hbm>> -> memref<512xi32, #tpu.memory_space<hbm>>
        %dma_start3A_811 = tpu.memref_slice %arg3[%mul3A_808] : memref<57344xi32, #tpu.memory_space<hbm>> -> memref<512xi32, #tpu.memory_space<hbm>>
        %dma_start3A_812 = arith.constant 1536 : i32
        %dma_start3A_813 = tpu.memref_slice %arg9[%dma_start3A_812] : memref<2048xi32, #tpu.memory_space<vmem>> -> memref<512xi32, #tpu.memory_space<vmem>>
        tpu.enqueue_dma source(%dma_start3A_813 : memref<512xi32, #tpu.memory_space<vmem>>) target(%dma_start3A_811 : memref<512xi32, #tpu.memory_space<hbm>>) target_semaphore(%run_scoped3A : memref<!tpu.dma_semaphore, #tpu.memory_space<semaphore_mem>>)
        %dma_wait3A = arith.constant 1536 : i32
        %dma_wait3A_814 = tpu.memref_slice %arg9[%dma_wait3A] : memref<2048xi32, #tpu.memory_space<vmem>> -> memref<512xi32, #tpu.memory_space<vmem>>
        %dma_wait3A_815 = tpu.memref_slice %arg3[%mul3A_808] : memref<57344xi32, #tpu.memory_space<hbm>> -> memref<512xi32, #tpu.memory_space<hbm>>
        %dma_wait3A_816 = tpu.memref_slice %arg3[%mul3A_808] : memref<57344xi32, #tpu.memory_space<hbm>> -> memref<512xi32, #tpu.memory_space<hbm>>
        %dma_wait3A_817 = arith.constant 1536 : i32
        %dma_wait3A_818 = tpu.memref_slice %arg9[%dma_wait3A_817] : memref<2048xi32, #tpu.memory_space<vmem>> -> memref<512xi32, #tpu.memory_space<vmem>>
        tpu.wait_dma2 semaphore(%run_scoped3A : memref<!tpu.dma_semaphore, #tpu.memory_space<semaphore_mem>>) src(%dma_wait3A_818 : memref<512xi32, #tpu.memory_space<vmem>>) dst(%dma_wait3A_816 : memref<512xi32, #tpu.memory_space<hbm>>)
        tpu.yield
      }) : () -> ()
    } else {
    }
    return
  }
}

module attributes {stable_mosaic.version = 14 : i64} {
  func.func @_label_body(%arg0: i32, %arg1: memref<1x14x512xi32, #tpu.memory_space<vmem>>, %arg2: memref<1x512x512xi32, #tpu.memory_space<vmem>>) attributes {dimension_semantics = [#tpu.dimension_semantics<arbitrary>], iteration_bounds = array<i64: 8>, scalar_prefetch = 0 : i64, scratch_operands = 0 : i64, tpu.core_type = #tpu.core_type<tc>, window_params = [{transform_indices = @transform_0, window_bounds = array<i64: 1, 14, 512>}, {transform_indices = @transform_1, window_bounds = array<i64: 1, 512, 512>}]} {
    %get3A = arith.constant 0 : index
    %get3A_0 = arith.constant 0 : index
    %get3A_1 = arith.constant 0 : index
    %get3A_2 = vector.load %arg1[%get3A, %get3A_0, %get3A_1] : memref<1x14x512xi32, #tpu.memory_space<vmem>>, vector<1x14x512xi32>
    %get3A_3 = vector.shape_cast %get3A_2 : vector<1x14x512xi32> to vector<14x512xi32>
    %iota3A = tpu.iota {dimensions = array<i32: 1>} : vector<512x512xi32>
    %iota3A_4 = tpu.iota {dimensions = array<i32: 0>} : vector<512x512xi32>
    %broadcast_in_dim3A = arith.constant 0 : i32
    %broadcast_in_dim3A_5 = vector.broadcast %broadcast_in_dim3A : i32 to vector<512x512xi32>
    %slice3A = vector.extract_strided_slice %get3A_3 {offsets = [0, 0], sizes = [1, 512], strides = [1, 1]} : vector<14x512xi32> to vector<1x512xi32>
    %squeeze3A = vector.shape_cast %slice3A : vector<1x512xi32> to vector<512xi32>
    %broadcast_in_dim3A_6 = vector.shape_cast %squeeze3A : vector<512xi32> to vector<512x1xi32>
    %ge3A = vector.broadcast %broadcast_in_dim3A_6 : vector<512x1xi32> to vector<512x512xi32>
    %ge3A_7 = arith.cmpi sge, %iota3A, %ge3A : vector<512x512xi32>
    %convert_element_type3A = arith.extui %ge3A_7 : vector<512x512xi1> to vector<512x512xi32>
    %add3A = arith.addi %broadcast_in_dim3A_5, %convert_element_type3A : vector<512x512xi32>
    %slice3A_8 = vector.extract_strided_slice %get3A_3 {offsets = [7, 0], sizes = [1, 512], strides = [1, 1]} : vector<14x512xi32> to vector<1x512xi32>
    %squeeze3A_9 = vector.shape_cast %slice3A_8 : vector<1x512xi32> to vector<512xi32>
    %broadcast_in_dim3A_10 = vector.shape_cast %squeeze3A_9 : vector<512xi32> to vector<1x512xi32>
    %ge3A_11 = vector.broadcast %broadcast_in_dim3A_10 : vector<1x512xi32> to vector<512x512xi32>
    %ge3A_12 = arith.cmpi sge, %iota3A_4, %ge3A_11 : vector<512x512xi32>
    %convert_element_type3A_13 = arith.extui %ge3A_12 : vector<512x512xi1> to vector<512x512xi32>
    %mul3A = arith.constant 8 : i32
    %mul3A_14 = vector.broadcast %mul3A : i32 to vector<512x512xi32>
    %mul3A_15 = arith.muli %mul3A_14, %convert_element_type3A_13 : vector<512x512xi32>
    %add3A_16 = arith.addi %add3A, %mul3A_15 : vector<512x512xi32>
    %slice3A_17 = vector.extract_strided_slice %get3A_3 {offsets = [1, 0], sizes = [1, 512], strides = [1, 1]} : vector<14x512xi32> to vector<1x512xi32>
    %squeeze3A_18 = vector.shape_cast %slice3A_17 : vector<1x512xi32> to vector<512xi32>
    %broadcast_in_dim3A_19 = vector.shape_cast %squeeze3A_18 : vector<512xi32> to vector<512x1xi32>
    %ge3A_20 = vector.broadcast %broadcast_in_dim3A_19 : vector<512x1xi32> to vector<512x512xi32>
    %ge3A_21 = arith.cmpi sge, %iota3A, %ge3A_20 : vector<512x512xi32>
    %convert_element_type3A_22 = arith.extui %ge3A_21 : vector<512x512xi1> to vector<512x512xi32>
    %add3A_23 = arith.addi %add3A_16, %convert_element_type3A_22 : vector<512x512xi32>
    %slice3A_24 = vector.extract_strided_slice %get3A_3 {offsets = [8, 0], sizes = [1, 512], strides = [1, 1]} : vector<14x512xi32> to vector<1x512xi32>
    %squeeze3A_25 = vector.shape_cast %slice3A_24 : vector<1x512xi32> to vector<512xi32>
    %broadcast_in_dim3A_26 = vector.shape_cast %squeeze3A_25 : vector<512xi32> to vector<1x512xi32>
    %ge3A_27 = vector.broadcast %broadcast_in_dim3A_26 : vector<1x512xi32> to vector<512x512xi32>
    %ge3A_28 = arith.cmpi sge, %iota3A_4, %ge3A_27 : vector<512x512xi32>
    %convert_element_type3A_29 = arith.extui %ge3A_28 : vector<512x512xi1> to vector<512x512xi32>
    %mul3A_30 = arith.constant 8 : i32
    %mul3A_31 = vector.broadcast %mul3A_30 : i32 to vector<512x512xi32>
    %mul3A_32 = arith.muli %mul3A_31, %convert_element_type3A_29 : vector<512x512xi32>
    %add3A_33 = arith.addi %add3A_23, %mul3A_32 : vector<512x512xi32>
    %slice3A_34 = vector.extract_strided_slice %get3A_3 {offsets = [2, 0], sizes = [1, 512], strides = [1, 1]} : vector<14x512xi32> to vector<1x512xi32>
    %squeeze3A_35 = vector.shape_cast %slice3A_34 : vector<1x512xi32> to vector<512xi32>
    %broadcast_in_dim3A_36 = vector.shape_cast %squeeze3A_35 : vector<512xi32> to vector<512x1xi32>
    %ge3A_37 = vector.broadcast %broadcast_in_dim3A_36 : vector<512x1xi32> to vector<512x512xi32>
    %ge3A_38 = arith.cmpi sge, %iota3A, %ge3A_37 : vector<512x512xi32>
    %convert_element_type3A_39 = arith.extui %ge3A_38 : vector<512x512xi1> to vector<512x512xi32>
    %add3A_40 = arith.addi %add3A_33, %convert_element_type3A_39 : vector<512x512xi32>
    %slice3A_41 = vector.extract_strided_slice %get3A_3 {offsets = [9, 0], sizes = [1, 512], strides = [1, 1]} : vector<14x512xi32> to vector<1x512xi32>
    %squeeze3A_42 = vector.shape_cast %slice3A_41 : vector<1x512xi32> to vector<512xi32>
    %broadcast_in_dim3A_43 = vector.shape_cast %squeeze3A_42 : vector<512xi32> to vector<1x512xi32>
    %ge3A_44 = vector.broadcast %broadcast_in_dim3A_43 : vector<1x512xi32> to vector<512x512xi32>
    %ge3A_45 = arith.cmpi sge, %iota3A_4, %ge3A_44 : vector<512x512xi32>
    %convert_element_type3A_46 = arith.extui %ge3A_45 : vector<512x512xi1> to vector<512x512xi32>
    %mul3A_47 = arith.constant 8 : i32
    %mul3A_48 = vector.broadcast %mul3A_47 : i32 to vector<512x512xi32>
    %mul3A_49 = arith.muli %mul3A_48, %convert_element_type3A_46 : vector<512x512xi32>
    %add3A_50 = arith.addi %add3A_40, %mul3A_49 : vector<512x512xi32>
    %slice3A_51 = vector.extract_strided_slice %get3A_3 {offsets = [3, 0], sizes = [1, 512], strides = [1, 1]} : vector<14x512xi32> to vector<1x512xi32>
    %squeeze3A_52 = vector.shape_cast %slice3A_51 : vector<1x512xi32> to vector<512xi32>
    %broadcast_in_dim3A_53 = vector.shape_cast %squeeze3A_52 : vector<512xi32> to vector<512x1xi32>
    %ge3A_54 = vector.broadcast %broadcast_in_dim3A_53 : vector<512x1xi32> to vector<512x512xi32>
    %ge3A_55 = arith.cmpi sge, %iota3A, %ge3A_54 : vector<512x512xi32>
    %convert_element_type3A_56 = arith.extui %ge3A_55 : vector<512x512xi1> to vector<512x512xi32>
    %add3A_57 = arith.addi %add3A_50, %convert_element_type3A_56 : vector<512x512xi32>
    %slice3A_58 = vector.extract_strided_slice %get3A_3 {offsets = [10, 0], sizes = [1, 512], strides = [1, 1]} : vector<14x512xi32> to vector<1x512xi32>
    %squeeze3A_59 = vector.shape_cast %slice3A_58 : vector<1x512xi32> to vector<512xi32>
    %broadcast_in_dim3A_60 = vector.shape_cast %squeeze3A_59 : vector<512xi32> to vector<1x512xi32>
    %ge3A_61 = vector.broadcast %broadcast_in_dim3A_60 : vector<1x512xi32> to vector<512x512xi32>
    %ge3A_62 = arith.cmpi sge, %iota3A_4, %ge3A_61 : vector<512x512xi32>
    %convert_element_type3A_63 = arith.extui %ge3A_62 : vector<512x512xi1> to vector<512x512xi32>
    %mul3A_64 = arith.constant 8 : i32
    %mul3A_65 = vector.broadcast %mul3A_64 : i32 to vector<512x512xi32>
    %mul3A_66 = arith.muli %mul3A_65, %convert_element_type3A_63 : vector<512x512xi32>
    %add3A_67 = arith.addi %add3A_57, %mul3A_66 : vector<512x512xi32>
    %slice3A_68 = vector.extract_strided_slice %get3A_3 {offsets = [4, 0], sizes = [1, 512], strides = [1, 1]} : vector<14x512xi32> to vector<1x512xi32>
    %squeeze3A_69 = vector.shape_cast %slice3A_68 : vector<1x512xi32> to vector<512xi32>
    %broadcast_in_dim3A_70 = vector.shape_cast %squeeze3A_69 : vector<512xi32> to vector<512x1xi32>
    %ge3A_71 = vector.broadcast %broadcast_in_dim3A_70 : vector<512x1xi32> to vector<512x512xi32>
    %ge3A_72 = arith.cmpi sge, %iota3A, %ge3A_71 : vector<512x512xi32>
    %convert_element_type3A_73 = arith.extui %ge3A_72 : vector<512x512xi1> to vector<512x512xi32>
    %add3A_74 = arith.addi %add3A_67, %convert_element_type3A_73 : vector<512x512xi32>
    %slice3A_75 = vector.extract_strided_slice %get3A_3 {offsets = [11, 0], sizes = [1, 512], strides = [1, 1]} : vector<14x512xi32> to vector<1x512xi32>
    %squeeze3A_76 = vector.shape_cast %slice3A_75 : vector<1x512xi32> to vector<512xi32>
    %broadcast_in_dim3A_77 = vector.shape_cast %squeeze3A_76 : vector<512xi32> to vector<1x512xi32>
    %ge3A_78 = vector.broadcast %broadcast_in_dim3A_77 : vector<1x512xi32> to vector<512x512xi32>
    %ge3A_79 = arith.cmpi sge, %iota3A_4, %ge3A_78 : vector<512x512xi32>
    %convert_element_type3A_80 = arith.extui %ge3A_79 : vector<512x512xi1> to vector<512x512xi32>
    %mul3A_81 = arith.constant 8 : i32
    %mul3A_82 = vector.broadcast %mul3A_81 : i32 to vector<512x512xi32>
    %mul3A_83 = arith.muli %mul3A_82, %convert_element_type3A_80 : vector<512x512xi32>
    %add3A_84 = arith.addi %add3A_74, %mul3A_83 : vector<512x512xi32>
    %slice3A_85 = vector.extract_strided_slice %get3A_3 {offsets = [5, 0], sizes = [1, 512], strides = [1, 1]} : vector<14x512xi32> to vector<1x512xi32>
    %squeeze3A_86 = vector.shape_cast %slice3A_85 : vector<1x512xi32> to vector<512xi32>
    %broadcast_in_dim3A_87 = vector.shape_cast %squeeze3A_86 : vector<512xi32> to vector<512x1xi32>
    %ge3A_88 = vector.broadcast %broadcast_in_dim3A_87 : vector<512x1xi32> to vector<512x512xi32>
    %ge3A_89 = arith.cmpi sge, %iota3A, %ge3A_88 : vector<512x512xi32>
    %convert_element_type3A_90 = arith.extui %ge3A_89 : vector<512x512xi1> to vector<512x512xi32>
    %add3A_91 = arith.addi %add3A_84, %convert_element_type3A_90 : vector<512x512xi32>
    %slice3A_92 = vector.extract_strided_slice %get3A_3 {offsets = [12, 0], sizes = [1, 512], strides = [1, 1]} : vector<14x512xi32> to vector<1x512xi32>
    %squeeze3A_93 = vector.shape_cast %slice3A_92 : vector<1x512xi32> to vector<512xi32>
    %broadcast_in_dim3A_94 = vector.shape_cast %squeeze3A_93 : vector<512xi32> to vector<1x512xi32>
    %ge3A_95 = vector.broadcast %broadcast_in_dim3A_94 : vector<1x512xi32> to vector<512x512xi32>
    %ge3A_96 = arith.cmpi sge, %iota3A_4, %ge3A_95 : vector<512x512xi32>
    %convert_element_type3A_97 = arith.extui %ge3A_96 : vector<512x512xi1> to vector<512x512xi32>
    %mul3A_98 = arith.constant 8 : i32
    %mul3A_99 = vector.broadcast %mul3A_98 : i32 to vector<512x512xi32>
    %mul3A_100 = arith.muli %mul3A_99, %convert_element_type3A_97 : vector<512x512xi32>
    %add3A_101 = arith.addi %add3A_91, %mul3A_100 : vector<512x512xi32>
    %slice3A_102 = vector.extract_strided_slice %get3A_3 {offsets = [6, 0], sizes = [1, 512], strides = [1, 1]} : vector<14x512xi32> to vector<1x512xi32>
    %squeeze3A_103 = vector.shape_cast %slice3A_102 : vector<1x512xi32> to vector<512xi32>
    %broadcast_in_dim3A_104 = vector.shape_cast %squeeze3A_103 : vector<512xi32> to vector<512x1xi32>
    %ge3A_105 = vector.broadcast %broadcast_in_dim3A_104 : vector<512x1xi32> to vector<512x512xi32>
    %ge3A_106 = arith.cmpi sge, %iota3A, %ge3A_105 : vector<512x512xi32>
    %convert_element_type3A_107 = arith.extui %ge3A_106 : vector<512x512xi1> to vector<512x512xi32>
    %add3A_108 = arith.addi %add3A_101, %convert_element_type3A_107 : vector<512x512xi32>
    %slice3A_109 = vector.extract_strided_slice %get3A_3 {offsets = [13, 0], sizes = [1, 512], strides = [1, 1]} : vector<14x512xi32> to vector<1x512xi32>
    %squeeze3A_110 = vector.shape_cast %slice3A_109 : vector<1x512xi32> to vector<512xi32>
    %broadcast_in_dim3A_111 = vector.shape_cast %squeeze3A_110 : vector<512xi32> to vector<1x512xi32>
    %ge3A_112 = vector.broadcast %broadcast_in_dim3A_111 : vector<1x512xi32> to vector<512x512xi32>
    %ge3A_113 = arith.cmpi sge, %iota3A_4, %ge3A_112 : vector<512x512xi32>
    %convert_element_type3A_114 = arith.extui %ge3A_113 : vector<512x512xi1> to vector<512x512xi32>
    %mul3A_115 = arith.constant 8 : i32
    %mul3A_116 = vector.broadcast %mul3A_115 : i32 to vector<512x512xi32>
    %mul3A_117 = arith.muli %mul3A_116, %convert_element_type3A_114 : vector<512x512xi32>
    %add3A_118 = arith.addi %add3A_108, %mul3A_117 : vector<512x512xi32>
    %swap3A = arith.constant 0 : index
    %swap3A_119 = arith.constant 0 : index
    %swap3A_120 = arith.constant 0 : index
    %swap3A_121 = vector.load %arg2[%swap3A, %swap3A_119, %swap3A_120] : memref<1x512x512xi32, #tpu.memory_space<vmem>>, vector<1x512x512xi32>
    %swap3A_122 = vector.shape_cast %swap3A_121 : vector<1x512x512xi32> to vector<512x512xi32>
    %swap3A_123 = vector.shape_cast %add3A_118 : vector<512x512xi32> to vector<1x512x512xi32>
    tpu.vector_store %arg2[%swap3A, %swap3A_119, %swap3A_120], %swap3A_123 {strides = array<i32>} : memref<1x512x512xi32, #tpu.memory_space<vmem>>, vector<1x512x512xi32>,
    return
  }
  func.func @transform_0(%arg0: i32) -> (i32, i32, i32) {
    %c0_i32 = arith.constant 0 : i32
    %c0_i32_0 = arith.constant 0 : i32
    %c0_i32_1 = arith.constant 0 : i32
    return %arg0, %c0_i32, %c0_i32_0 : i32, i32, i32
  }
  func.func @transform_1(%arg0: i32) -> (i32, i32, i32) {
    %c0_i32 = arith.constant 0 : i32
    %c0_i32_0 = arith.constant 0 : i32
    %c0_i32_1 = arith.constant 0 : i32
    return %arg0, %c0_i32, %c0_i32_0 : i32, i32, i32
  }
}

module attributes {stable_mosaic.version = 14 : i64} {
  func.func @_gm_body(%arg0: i32, %arg1: memref<1x3x512x512xf32, #tpu.memory_space<vmem>>, %arg2: memref<1x2x7x24x512xf32, #tpu.memory_space<vmem>>) attributes {dimension_semantics = [#tpu.dimension_semantics<arbitrary>], iteration_bounds = array<i64: 8>, scalar_prefetch = 0 : i64, scratch_operands = 0 : i64, tpu.core_type = #tpu.core_type<tc>, window_params = [{transform_indices = @transform_0, window_bounds = array<i64: 1, 3, 512, 512>}, {transform_indices = @transform_1, window_bounds = array<i64: 1, 2, 7, 24, 512>}]} {
    %get3A = arith.constant 0 : index
    %get3A_0 = arith.constant 0 : index
    %get3A_1 = arith.constant 0 : index
    %get3A_2 = arith.constant 0 : index
    %get3A_3 = vector.load %arg1[%get3A, %get3A_0, %get3A_1, %get3A_2] : memref<1x3x512x512xf32, #tpu.memory_space<vmem>>, vector<1x3x512x512xf32>
    %get3A_4 = vector.shape_cast %get3A_3 : vector<1x3x512x512xf32> to vector<3x512x512xf32>
    %slice3A = vector.extract_strided_slice %get3A_4 {offsets = [0, 0, 0], sizes = [1, 512, 512], strides = [1, 1, 1]} : vector<3x512x512xf32> to vector<1x512x512xf32>
    %squeeze3A = vector.shape_cast %slice3A : vector<1x512x512xf32> to vector<512x512xf32>
    %mul3A = arith.constant 2.989000e-01 : f32
    %mul3A_5 = vector.broadcast %mul3A : f32 to vector<512x512xf32>
    %mul3A_6 = arith.mulf %mul3A_5, %squeeze3A : vector<512x512xf32>
    %slice3A_7 = vector.extract_strided_slice %get3A_4 {offsets = [1, 0, 0], sizes = [1, 512, 512], strides = [1, 1, 1]} : vector<3x512x512xf32> to vector<1x512x512xf32>
    %squeeze3A_8 = vector.shape_cast %slice3A_7 : vector<1x512x512xf32> to vector<512x512xf32>
    %mul3A_9 = arith.constant 5.870000e-01 : f32
    %mul3A_10 = vector.broadcast %mul3A_9 : f32 to vector<512x512xf32>
    %mul3A_11 = arith.mulf %mul3A_10, %squeeze3A_8 : vector<512x512xf32>
    %add3A = arith.addf %mul3A_6, %mul3A_11 : vector<512x512xf32>
    %slice3A_12 = vector.extract_strided_slice %get3A_4 {offsets = [2, 0, 0], sizes = [1, 512, 512], strides = [1, 1, 1]} : vector<3x512x512xf32> to vector<1x512x512xf32>
    %squeeze3A_13 = vector.shape_cast %slice3A_12 : vector<1x512x512xf32> to vector<512x512xf32>
    %mul3A_14 = arith.constant 1.140000e-01 : f32
    %mul3A_15 = vector.broadcast %mul3A_14 : f32 to vector<512x512xf32>
    %mul3A_16 = arith.mulf %mul3A_15, %squeeze3A_13 : vector<512x512xf32>
    %add3A_17 = arith.addf %add3A, %mul3A_16 : vector<512x512xf32>
    %broadcast_in_dim3A = arith.constant 0.000000e+00 : f32
    %broadcast_in_dim3A_18 = vector.broadcast %broadcast_in_dim3A : f32 to vector<1x512xf32>
    %broadcast_in_dim3A_19 = arith.constant 0.000000e+00 : f32
    %broadcast_in_dim3A_20 = vector.broadcast %broadcast_in_dim3A_19 : f32 to vector<512x1xf32>
    %slice3A_21 = vector.extract_strided_slice %add3A_17 {offsets = [1, 0], sizes = [511, 512], strides = [1, 1]} : vector<512x512xf32> to vector<511x512xf32>
    %concatenate3A = tpu.concatenate %slice3A_21, %broadcast_in_dim3A_18 in 0 : vector<511x512xf32>, vector<1x512xf32> -> vector<512x512xf32>
    %slice3A_22 = vector.extract_strided_slice %add3A_17 {offsets = [0, 0], sizes = [511, 512], strides = [1, 1]} : vector<512x512xf32> to vector<511x512xf32>
    %concatenate3A_23 = tpu.concatenate %broadcast_in_dim3A_18, %slice3A_22 in 0 : vector<1x512xf32>, vector<511x512xf32> -> vector<512x512xf32>
    %mul3A_24 = arith.constant 2.000000e+00 : f32
    %mul3A_25 = vector.broadcast %mul3A_24 : f32 to vector<512x512xf32>
    %mul3A_26 = arith.mulf %mul3A_25, %add3A_17 : vector<512x512xf32>
    %add3A_27 = arith.addf %concatenate3A_23, %mul3A_26 : vector<512x512xf32>
    %add3A_28 = arith.addf %add3A_27, %concatenate3A : vector<512x512xf32>
    %slice3A_29 = vector.extract_strided_slice %add3A_28 {offsets = [0, 1], sizes = [512, 511], strides = [1, 1]} : vector<512x512xf32> to vector<512x511xf32>
    %concatenate3A_30 = tpu.concatenate %slice3A_29, %broadcast_in_dim3A_20 in 1 : vector<512x511xf32>, vector<512x1xf32> -> vector<512x512xf32>
    %slice3A_31 = vector.extract_strided_slice %add3A_28 {offsets = [0, 0], sizes = [512, 511], strides = [1, 1]} : vector<512x512xf32> to vector<512x511xf32>
    %concatenate3A_32 = tpu.concatenate %broadcast_in_dim3A_20, %slice3A_31 in 1 : vector<512x1xf32>, vector<512x511xf32> -> vector<512x512xf32>
    %sub3A = arith.subf %concatenate3A_30, %concatenate3A_32 : vector<512x512xf32>
    %slice3A_33 = vector.extract_strided_slice %add3A_17 {offsets = [0, 1], sizes = [512, 511], strides = [1, 1]} : vector<512x512xf32> to vector<512x511xf32>
    %concatenate3A_34 = tpu.concatenate %slice3A_33, %broadcast_in_dim3A_20 in 1 : vector<512x511xf32>, vector<512x1xf32> -> vector<512x512xf32>
    %mul3A_35 = arith.constant 2.000000e+00 : f32
    %mul3A_36 = vector.broadcast %mul3A_35 : f32 to vector<512x512xf32>
    %mul3A_37 = arith.mulf %mul3A_36, %add3A_17 : vector<512x512xf32>
    %add3A_38 = arith.addf %concatenate3A_34, %mul3A_37 : vector<512x512xf32>
    %slice3A_39 = vector.extract_strided_slice %add3A_17 {offsets = [0, 0], sizes = [512, 511], strides = [1, 1]} : vector<512x512xf32> to vector<512x511xf32>
    %concatenate3A_40 = tpu.concatenate %broadcast_in_dim3A_20, %slice3A_39 in 1 : vector<512x1xf32>, vector<512x511xf32> -> vector<512x512xf32>
    %add3A_41 = arith.addf %add3A_38, %concatenate3A_40 : vector<512x512xf32>
    %slice3A_42 = vector.extract_strided_slice %add3A_41 {offsets = [1, 0], sizes = [511, 512], strides = [1, 1]} : vector<512x512xf32> to vector<511x512xf32>
    %concatenate3A_43 = tpu.concatenate %slice3A_42, %broadcast_in_dim3A_18 in 0 : vector<511x512xf32>, vector<1x512xf32> -> vector<512x512xf32>
    %slice3A_44 = vector.extract_strided_slice %add3A_41 {offsets = [0, 0], sizes = [511, 512], strides = [1, 1]} : vector<512x512xf32> to vector<511x512xf32>
    %concatenate3A_45 = tpu.concatenate %broadcast_in_dim3A_18, %slice3A_44 in 0 : vector<1x512xf32>, vector<511x512xf32> -> vector<512x512xf32>
    %sub3A_46 = arith.subf %concatenate3A_43, %concatenate3A_45 : vector<512x512xf32>
    %mul3A_47 = arith.mulf %sub3A, %sub3A : vector<512x512xf32>
    %mul3A_48 = arith.mulf %sub3A_46, %sub3A_46 : vector<512x512xf32>
    %add3A_49 = arith.addf %mul3A_47, %mul3A_48 : vector<512x512xf32>
    %add3A_50 = arith.constant 9.99999993E-9 : f32
    %add3A_51 = vector.broadcast %add3A_50 : f32 to vector<512x512xf32>
    %add3A_52 = arith.addf %add3A_49, %add3A_51 : vector<512x512xf32>
    %sqrt3A = math.sqrt %add3A_52 : vector<512x512xf32>
    %transpose3A = tpu.transpose %sqrt3A, [1, 0] : vector<512x512xf32> -> vector<512x512xf32>
    %slice3A_53 = vector.extract_strided_slice %sqrt3A {offsets = [56, 0], sizes = [24, 512], strides = [1, 1]} : vector<512x512xf32> to vector<24x512xf32>
    %swap3A = arith.constant 0 : index
    %swap3A_54 = arith.constant 0 : index
    %swap3A_55 = arith.constant 0 : index
    %swap3A_56 = arith.constant 0 : index
    %swap3A_57 = arith.constant 0 : index
    %swap3A_58 = vector.load %arg2[%swap3A, %swap3A_54, %swap3A_55, %swap3A_56, %swap3A_57] : memref<1x2x7x24x512xf32, #tpu.memory_space<vmem>>, vector<1x1x1x24x512xf32>
    %swap3A_59 = vector.shape_cast %swap3A_58 : vector<1x1x1x24x512xf32> to vector<24x512xf32>
    %swap3A_60 = vector.shape_cast %slice3A_53 : vector<24x512xf32> to vector<1x1x1x24x512xf32>
    tpu.vector_store %arg2[%swap3A, %swap3A_54, %swap3A_55, %swap3A_56, %swap3A_57], %swap3A_60 {strides = array<i32>} : memref<1x2x7x24x512xf32, #tpu.memory_space<vmem>>, vector<1x1x1x24x512xf32>,
    %slice3A_61 = vector.extract_strided_slice %transpose3A {offsets = [56, 0], sizes = [24, 512], strides = [1, 1]} : vector<512x512xf32> to vector<24x512xf32>
    %swap3A_62 = arith.constant 0 : index
    %swap3A_63 = arith.constant 1 : index
    %swap3A_64 = arith.constant 0 : index
    %swap3A_65 = arith.constant 0 : index
    %swap3A_66 = arith.constant 0 : index
    %swap3A_67 = vector.load %arg2[%swap3A_62, %swap3A_63, %swap3A_64, %swap3A_65, %swap3A_66] : memref<1x2x7x24x512xf32, #tpu.memory_space<vmem>>, vector<1x1x1x24x512xf32>
    %swap3A_68 = vector.shape_cast %swap3A_67 : vector<1x1x1x24x512xf32> to vector<24x512xf32>
    %swap3A_69 = vector.shape_cast %slice3A_61 : vector<24x512xf32> to vector<1x1x1x24x512xf32>
    tpu.vector_store %arg2[%swap3A_62, %swap3A_63, %swap3A_64, %swap3A_65, %swap3A_66], %swap3A_69 {strides = array<i32>} : memref<1x2x7x24x512xf32, #tpu.memory_space<vmem>>, vector<1x1x1x24x512xf32>,
    %slice3A_70 = vector.extract_strided_slice %sqrt3A {offsets = [120, 0], sizes = [24, 512], strides = [1, 1]} : vector<512x512xf32> to vector<24x512xf32>
    %swap3A_71 = arith.constant 0 : index
    %swap3A_72 = arith.constant 0 : index
    %swap3A_73 = arith.constant 1 : index
    %swap3A_74 = arith.constant 0 : index
    %swap3A_75 = arith.constant 0 : index
    %swap3A_76 = vector.load %arg2[%swap3A_71, %swap3A_72, %swap3A_73, %swap3A_74, %swap3A_75] : memref<1x2x7x24x512xf32, #tpu.memory_space<vmem>>, vector<1x1x1x24x512xf32>
    %swap3A_77 = vector.shape_cast %swap3A_76 : vector<1x1x1x24x512xf32> to vector<24x512xf32>
    %swap3A_78 = vector.shape_cast %slice3A_70 : vector<24x512xf32> to vector<1x1x1x24x512xf32>
    tpu.vector_store %arg2[%swap3A_71, %swap3A_72, %swap3A_73, %swap3A_74, %swap3A_75], %swap3A_78 {strides = array<i32>} : memref<1x2x7x24x512xf32, #tpu.memory_space<vmem>>, vector<1x1x1x24x512xf32>,
    %slice3A_79 = vector.extract_strided_slice %transpose3A {offsets = [120, 0], sizes = [24, 512], strides = [1, 1]} : vector<512x512xf32> to vector<24x512xf32>
    %swap3A_80 = arith.constant 0 : index
    %swap3A_81 = arith.constant 1 : index
    %swap3A_82 = arith.constant 1 : index
    %swap3A_83 = arith.constant 0 : index
    %swap3A_84 = arith.constant 0 : index
    %swap3A_85 = vector.load %arg2[%swap3A_80, %swap3A_81, %swap3A_82, %swap3A_83, %swap3A_84] : memref<1x2x7x24x512xf32, #tpu.memory_space<vmem>>, vector<1x1x1x24x512xf32>
    %swap3A_86 = vector.shape_cast %swap3A_85 : vector<1x1x1x24x512xf32> to vector<24x512xf32>
    %swap3A_87 = vector.shape_cast %slice3A_79 : vector<24x512xf32> to vector<1x1x1x24x512xf32>
    tpu.vector_store %arg2[%swap3A_80, %swap3A_81, %swap3A_82, %swap3A_83, %swap3A_84], %swap3A_87 {strides = array<i32>} : memref<1x2x7x24x512xf32, #tpu.memory_space<vmem>>, vector<1x1x1x24x512xf32>,
    %slice3A_88 = vector.extract_strided_slice %sqrt3A {offsets = [184, 0], sizes = [24, 512], strides = [1, 1]} : vector<512x512xf32> to vector<24x512xf32>
    %swap3A_89 = arith.constant 0 : index
    %swap3A_90 = arith.constant 0 : index
    %swap3A_91 = arith.constant 2 : index
    %swap3A_92 = arith.constant 0 : index
    %swap3A_93 = arith.constant 0 : index
    %swap3A_94 = vector.load %arg2[%swap3A_89, %swap3A_90, %swap3A_91, %swap3A_92, %swap3A_93] : memref<1x2x7x24x512xf32, #tpu.memory_space<vmem>>, vector<1x1x1x24x512xf32>
    %swap3A_95 = vector.shape_cast %swap3A_94 : vector<1x1x1x24x512xf32> to vector<24x512xf32>
    %swap3A_96 = vector.shape_cast %slice3A_88 : vector<24x512xf32> to vector<1x1x1x24x512xf32>
    tpu.vector_store %arg2[%swap3A_89, %swap3A_90, %swap3A_91, %swap3A_92, %swap3A_93], %swap3A_96 {strides = array<i32>} : memref<1x2x7x24x512xf32, #tpu.memory_space<vmem>>, vector<1x1x1x24x512xf32>,
    %slice3A_97 = vector.extract_strided_slice %transpose3A {offsets = [184, 0], sizes = [24, 512], strides = [1, 1]} : vector<512x512xf32> to vector<24x512xf32>
    %swap3A_98 = arith.constant 0 : index
    %swap3A_99 = arith.constant 1 : index
    %swap3A_100 = arith.constant 2 : index
    %swap3A_101 = arith.constant 0 : index
    %swap3A_102 = arith.constant 0 : index
    %swap3A_103 = vector.load %arg2[%swap3A_98, %swap3A_99, %swap3A_100, %swap3A_101, %swap3A_102] : memref<1x2x7x24x512xf32, #tpu.memory_space<vmem>>, vector<1x1x1x24x512xf32>
    %swap3A_104 = vector.shape_cast %swap3A_103 : vector<1x1x1x24x512xf32> to vector<24x512xf32>
    %swap3A_105 = vector.shape_cast %slice3A_97 : vector<24x512xf32> to vector<1x1x1x24x512xf32>
    tpu.vector_store %arg2[%swap3A_98, %swap3A_99, %swap3A_100, %swap3A_101, %swap3A_102], %swap3A_105 {strides = array<i32>} : memref<1x2x7x24x512xf32, #tpu.memory_space<vmem>>, vector<1x1x1x24x512xf32>,
    %slice3A_106 = vector.extract_strided_slice %sqrt3A {offsets = [248, 0], sizes = [24, 512], strides = [1, 1]} : vector<512x512xf32> to vector<24x512xf32>
    %swap3A_107 = arith.constant 0 : index
    %swap3A_108 = arith.constant 0 : index
    %swap3A_109 = arith.constant 3 : index
    %swap3A_110 = arith.constant 0 : index
    %swap3A_111 = arith.constant 0 : index
    %swap3A_112 = vector.load %arg2[%swap3A_107, %swap3A_108, %swap3A_109, %swap3A_110, %swap3A_111] : memref<1x2x7x24x512xf32, #tpu.memory_space<vmem>>, vector<1x1x1x24x512xf32>
    %swap3A_113 = vector.shape_cast %swap3A_112 : vector<1x1x1x24x512xf32> to vector<24x512xf32>
    %swap3A_114 = vector.shape_cast %slice3A_106 : vector<24x512xf32> to vector<1x1x1x24x512xf32>
    tpu.vector_store %arg2[%swap3A_107, %swap3A_108, %swap3A_109, %swap3A_110, %swap3A_111], %swap3A_114 {strides = array<i32>} : memref<1x2x7x24x512xf32, #tpu.memory_space<vmem>>, vector<1x1x1x24x512xf32>,
    %slice3A_115 = vector.extract_strided_slice %transpose3A {offsets = [248, 0], sizes = [24, 512], strides = [1, 1]} : vector<512x512xf32> to vector<24x512xf32>
    %swap3A_116 = arith.constant 0 : index
    %swap3A_117 = arith.constant 1 : index
    %swap3A_118 = arith.constant 3 : index
    %swap3A_119 = arith.constant 0 : index
    %swap3A_120 = arith.constant 0 : index
    %swap3A_121 = vector.load %arg2[%swap3A_116, %swap3A_117, %swap3A_118, %swap3A_119, %swap3A_120] : memref<1x2x7x24x512xf32, #tpu.memory_space<vmem>>, vector<1x1x1x24x512xf32>
    %swap3A_122 = vector.shape_cast %swap3A_121 : vector<1x1x1x24x512xf32> to vector<24x512xf32>
    %swap3A_123 = vector.shape_cast %slice3A_115 : vector<24x512xf32> to vector<1x1x1x24x512xf32>
    tpu.vector_store %arg2[%swap3A_116, %swap3A_117, %swap3A_118, %swap3A_119, %swap3A_120], %swap3A_123 {strides = array<i32>} : memref<1x2x7x24x512xf32, #tpu.memory_space<vmem>>, vector<1x1x1x24x512xf32>,
    %slice3A_124 = vector.extract_strided_slice %sqrt3A {offsets = [312, 0], sizes = [24, 512], strides = [1, 1]} : vector<512x512xf32> to vector<24x512xf32>
    %swap3A_125 = arith.constant 0 : index
    %swap3A_126 = arith.constant 0 : index
    %swap3A_127 = arith.constant 4 : index
    %swap3A_128 = arith.constant 0 : index
    %swap3A_129 = arith.constant 0 : index
    %swap3A_130 = vector.load %arg2[%swap3A_125, %swap3A_126, %swap3A_127, %swap3A_128, %swap3A_129] : memref<1x2x7x24x512xf32, #tpu.memory_space<vmem>>, vector<1x1x1x24x512xf32>
    %swap3A_131 = vector.shape_cast %swap3A_130 : vector<1x1x1x24x512xf32> to vector<24x512xf32>
    %swap3A_132 = vector.shape_cast %slice3A_124 : vector<24x512xf32> to vector<1x1x1x24x512xf32>
    tpu.vector_store %arg2[%swap3A_125, %swap3A_126, %swap3A_127, %swap3A_128, %swap3A_129], %swap3A_132 {strides = array<i32>} : memref<1x2x7x24x512xf32, #tpu.memory_space<vmem>>, vector<1x1x1x24x512xf32>,
    %slice3A_133 = vector.extract_strided_slice %transpose3A {offsets = [312, 0], sizes = [24, 512], strides = [1, 1]} : vector<512x512xf32> to vector<24x512xf32>
    %swap3A_134 = arith.constant 0 : index
    %swap3A_135 = arith.constant 1 : index
    %swap3A_136 = arith.constant 4 : index
    %swap3A_137 = arith.constant 0 : index
    %swap3A_138 = arith.constant 0 : index
    %swap3A_139 = vector.load %arg2[%swap3A_134, %swap3A_135, %swap3A_136, %swap3A_137, %swap3A_138] : memref<1x2x7x24x512xf32, #tpu.memory_space<vmem>>, vector<1x1x1x24x512xf32>
    %swap3A_140 = vector.shape_cast %swap3A_139 : vector<1x1x1x24x512xf32> to vector<24x512xf32>
    %swap3A_141 = vector.shape_cast %slice3A_133 : vector<24x512xf32> to vector<1x1x1x24x512xf32>
    tpu.vector_store %arg2[%swap3A_134, %swap3A_135, %swap3A_136, %swap3A_137, %swap3A_138], %swap3A_141 {strides = array<i32>} : memref<1x2x7x24x512xf32, #tpu.memory_space<vmem>>, vector<1x1x1x24x512xf32>,
    %slice3A_142 = vector.extract_strided_slice %sqrt3A {offsets = [376, 0], sizes = [24, 512], strides = [1, 1]} : vector<512x512xf32> to vector<24x512xf32>
    %swap3A_143 = arith.constant 0 : index
    %swap3A_144 = arith.constant 0 : index
    %swap3A_145 = arith.constant 5 : index
    %swap3A_146 = arith.constant 0 : index
    %swap3A_147 = arith.constant 0 : index
    %swap3A_148 = vector.load %arg2[%swap3A_143, %swap3A_144, %swap3A_145, %swap3A_146, %swap3A_147] : memref<1x2x7x24x512xf32, #tpu.memory_space<vmem>>, vector<1x1x1x24x512xf32>
    %swap3A_149 = vector.shape_cast %swap3A_148 : vector<1x1x1x24x512xf32> to vector<24x512xf32>
    %swap3A_150 = vector.shape_cast %slice3A_142 : vector<24x512xf32> to vector<1x1x1x24x512xf32>
    tpu.vector_store %arg2[%swap3A_143, %swap3A_144, %swap3A_145, %swap3A_146, %swap3A_147], %swap3A_150 {strides = array<i32>} : memref<1x2x7x24x512xf32, #tpu.memory_space<vmem>>, vector<1x1x1x24x512xf32>,
    %slice3A_151 = vector.extract_strided_slice %transpose3A {offsets = [376, 0], sizes = [24, 512], strides = [1, 1]} : vector<512x512xf32> to vector<24x512xf32>
    %swap3A_152 = arith.constant 0 : index
    %swap3A_153 = arith.constant 1 : index
    %swap3A_154 = arith.constant 5 : index
    %swap3A_155 = arith.constant 0 : index
    %swap3A_156 = arith.constant 0 : index
    %swap3A_157 = vector.load %arg2[%swap3A_152, %swap3A_153, %swap3A_154, %swap3A_155, %swap3A_156] : memref<1x2x7x24x512xf32, #tpu.memory_space<vmem>>, vector<1x1x1x24x512xf32>
    %swap3A_158 = vector.shape_cast %swap3A_157 : vector<1x1x1x24x512xf32> to vector<24x512xf32>
    %swap3A_159 = vector.shape_cast %slice3A_151 : vector<24x512xf32> to vector<1x1x1x24x512xf32>
    tpu.vector_store %arg2[%swap3A_152, %swap3A_153, %swap3A_154, %swap3A_155, %swap3A_156], %swap3A_159 {strides = array<i32>} : memref<1x2x7x24x512xf32, #tpu.memory_space<vmem>>, vector<1x1x1x24x512xf32>,
    %slice3A_160 = vector.extract_strided_slice %sqrt3A {offsets = [440, 0], sizes = [24, 512], strides = [1, 1]} : vector<512x512xf32> to vector<24x512xf32>
    %swap3A_161 = arith.constant 0 : index
    %swap3A_162 = arith.constant 0 : index
    %swap3A_163 = arith.constant 6 : index
    %swap3A_164 = arith.constant 0 : index
    %swap3A_165 = arith.constant 0 : index
    %swap3A_166 = vector.load %arg2[%swap3A_161, %swap3A_162, %swap3A_163, %swap3A_164, %swap3A_165] : memref<1x2x7x24x512xf32, #tpu.memory_space<vmem>>, vector<1x1x1x24x512xf32>
    %swap3A_167 = vector.shape_cast %swap3A_166 : vector<1x1x1x24x512xf32> to vector<24x512xf32>
    %swap3A_168 = vector.shape_cast %slice3A_160 : vector<24x512xf32> to vector<1x1x1x24x512xf32>
    tpu.vector_store %arg2[%swap3A_161, %swap3A_162, %swap3A_163, %swap3A_164, %swap3A_165], %swap3A_168 {strides = array<i32>} : memref<1x2x7x24x512xf32, #tpu.memory_space<vmem>>, vector<1x1x1x24x512xf32>,
    %slice3A_169 = vector.extract_strided_slice %transpose3A {offsets = [440, 0], sizes = [24, 512], strides = [1, 1]} : vector<512x512xf32> to vector<24x512xf32>
    %swap3A_170 = arith.constant 0 : index
    %swap3A_171 = arith.constant 1 : index
    %swap3A_172 = arith.constant 6 : index
    %swap3A_173 = arith.constant 0 : index
    %swap3A_174 = arith.constant 0 : index
    %swap3A_175 = vector.load %arg2[%swap3A_170, %swap3A_171, %swap3A_172, %swap3A_173, %swap3A_174] : memref<1x2x7x24x512xf32, #tpu.memory_space<vmem>>, vector<1x1x1x24x512xf32>
    %swap3A_176 = vector.shape_cast %swap3A_175 : vector<1x1x1x24x512xf32> to vector<24x512xf32>
    %swap3A_177 = vector.shape_cast %slice3A_169 : vector<24x512xf32> to vector<1x1x1x24x512xf32>
    tpu.vector_store %arg2[%swap3A_170, %swap3A_171, %swap3A_172, %swap3A_173, %swap3A_174], %swap3A_177 {strides = array<i32>} : memref<1x2x7x24x512xf32, #tpu.memory_space<vmem>>, vector<1x1x1x24x512xf32>,
    return
  }
  func.func @transform_0(%arg0: i32) -> (i32, i32, i32, i32) {
    %c0_i32 = arith.constant 0 : i32
    %c0_i32_0 = arith.constant 0 : i32
    %c0_i32_1 = arith.constant 0 : i32
    %c0_i32_2 = arith.constant 0 : i32
    return %arg0, %c0_i32, %c0_i32_0, %c0_i32_1 : i32, i32, i32, i32
  }
  func.func @transform_1(%arg0: i32) -> (i32, i32, i32, i32, i32) {
    %c0_i32 = arith.constant 0 : i32
    %c0_i32_0 = arith.constant 0 : i32
    %c0_i32_1 = arith.constant 0 : i32
    %c0_i32_2 = arith.constant 0 : i32
    %c0_i32_3 = arith.constant 0 : i32
    return %arg0, %c0_i32, %c0_i32_0, %c0_i32_1, %c0_i32_2 : i32, i32, i32, i32, i32
  }
}

</mosaic_0001>

<sc_bundles>
// kernel: kernel.5.cloned.1.call-start
scs
__scs_entry_jumppad:
0x0: {  	(pc) =	sbr.rel $0x88, $3  }
0x1: {  	(tag) =	ssettag $0x0;
	lr =	simm.s32 $0x1  }
0x2: {  	[smem:$0x3FA0] =	sst lr;
	_ =	strace $0xD0000000  }
0x3: {  	_ = 	snop  }
0x4: {  	_ = 	snop  }
0x5: {  	_ = 	snop  }
0x6: {  	_ = 	snop  }
0x7: {  	_ = 	snop  }
__scs_overlays_trampoline_lowered:
0x8: {  	[smem:$0x3FAF] =	sst s0  }
0x9: {  	[smem:$0x3FB0] =	sst s1  }
0xa: {  	[smem:$0x3FB1] =	sst s2  }
0xb: {  	[smem:$0x3FB2] =	sst s3  }
0xc: {  	[smem:$0x3FB3] =	sst s4  }
0xd: {  	[smem:$0x3FB4] =	sst s5  }
0xe: {  	[smem:$0x3FB5] =	sst s6  }
0xf: {  	[smem:$0x3FB6] =	sst s7  }
0x10: {  	[smem:$0x3FB7] =	sst s8  }
0x11: {  	[smem:$0x3FB8] =	sst s9;
	s0 =	simm.s32 @!p0 $0x0  }
0x12: {  	s1 =	sld [smem:$0x3F9E];
	s0 =	simm.s32 @p0 $0x1  }
0x13: {  	[smem:$0x3FB9] =	sst s0;
	s0 =	simm.s32 @!p1 $0x0  }
0x14: {  	s2 =	sld [smem:$0x3F9D];
	s0 =	simm.s32 @p1 $0x1  }
0x15: {  	[smem:$0x3FBA] =	sst s0;
	s0 =	simm.s32 @!p2 $0x0  }
0x16: {  	s3 =	sld [smem:$0x3FDB];
	s0 =	simm.s32 @p2 $0x1  }
0x17: {  	s4 =	simm.s32 $0x1BF5;
	[smem:$0x3FBC] =	sst s0  }
0x18: {  	s0 =	sld [smem:$0x3F9F];
	_ =	swait.ge [sflag:s4], $0x0  }
0x19: {  	s7 =	sld [smem:$0x3FA0]  }
0x1a: {  	s8 =	sadd.s32 $0xFFFFE003, lr  }
0x1b: {  	s9 =	sadd.s32 $0xFFFFFEF7, lr;
	s5 =	simm.s32 $0xFFFFFFFF;
	p2 =	slt.u32 s8, $0xFFFFF086  }
0x1c: {  	p1 =	slt.u32 s9, $0xF7A;
	s5 =	simm.s32 @!p2 $0x0  }
0x1d: {  	s5 =	simm.s32 @p1 $0x1;
	p0 =	seq.s32 s7, s2  }
0x1e: {  	s7 =	smul.u32 @!p0 $0xF7A, s2;
	p2 =	seq.s32 @!p0 s5, $0x0  }
0x1f: {  	s9 =	smul.u32 $0xF7A, s1;
	s8 =	simm.s32 @!p0 $0x1BF5;
	p2 =	por !p2, p0  }
0x20: {  	[sflag:s8] =	ssyncset.s32 @!p0 $0xFFFFF086;
	s6 =	sadd.s32 @!p0 s3, s7;
	s7 =	simm.s32 @!p0 $0x108  }
0x21: {  	s3 =	sadd.s32 s3, s9;
	s6 =	sadd.s32 @!p0 $0x88, s6;
	s7 =	simm.s32 @p2 $0x1082  }
0x22: {  	[simem:s7], [sflag:s8] =	dma.local @!p0 [hbm:s6], $0xF7A  }
0x23: {  	s9 =	sor.u32 $0xD0000000, s2;
	s6 =	simm.s32 $0x108;
	_ =	swait.ge @!p0 [sflag:s8], $0x0  }
0x24: {  	s3 =	sadd.s32 $0x88, s3;
	s6 =	simm.s32 @!p1 $0x1082;
	[sflag:s4] =	ssyncset.s32 $0xFFFFF086  }
0x25: {  	[simem:s6], [sflag:s4] =	dma.local [hbm:s3], $0xF7A  }
0x26: {  	[smem:$0x3FA0] =	sst s1;
	(tag) =	ssettag s2;
	_ =	strace s9  }
0x27: {  	s1 =	sld [smem:$0x3FB0]  }
0x28: {  	s2 =	sld [smem:$0x3FB1]  }
0x29: {  	s4 =	sld [smem:$0x3FB3]  }
0x2a: {  	p0 =	seq.s32 s5, $0x0;
	s5 =	sld [smem:$0x3FB4]  }
0x2b: {  	s6 =	sld [smem:$0x3FB5]  }
0x2c: {  	s7 =	sld [smem:$0x3FB6]  }
0x2d: {  	s3 =	simm.s32 $0x108;
	s8 =	sld [smem:$0x3FB7]  }
0x2e: {  	s3 =	simm.s32 @!p0 $0x1082;
	s9 =	sld [smem:$0x3FB8]  }
0x2f: {  	lr =	sadd.s32 s0, s3;
	s0 =	sld [smem:$0x3FAF]  }
0x30: {  	s3 =	sld [smem:$0x3FB2]  }
0x31: {  	[smem:$0x3FBB] =	sst s10  }
0x32: {  	s10 =	sld [smem:$0x3FB9];
	_ =	sdelay $0x3  }
0x33: {  	p0 =	seq.s32 s10, $0x1;
	s10 =	sld [smem:$0x3FBB];
	_ =	sdelay $0x3  }
0x34: {  	[smem:$0x3FBB] =	sst s10  }
0x35: {  	s10 =	sld [smem:$0x3FBA];
	_ =	sdelay $0x3  }
0x36: {  	p1 =	seq.s32 s10, $0x1;
	s10 =	sld [smem:$0x3FBB];
	_ =	sdelay $0x3  }
0x37: {  	[smem:$0x3FBB] =	sst s10  }
0x38: {  	s10 =	sld [smem:$0x3FBC]  }
0x39: {  	_ = 	snop;
	(pc) =	sbr.ind lr, $3  }
0x3a: {  	_ = 	snop  }
0x3b: {  	_ = 	snop  }
0x3c: {  	p2 =	seq.s32 s10, $0x1;
	s10 =	sld [smem:$0x3FBB]  }
0x3d: {  	_ =	shalt  }
0x3e: {  	_ =	shalt  }
0x3f: {  	_ =	shalt  }
0x40: {  	_ =	shalt  }
0x41: {  	_ =	shalt  }
0x42: {  	_ =	shalt  }
0x43: {  	_ =	shalt  }
0x44: {  	_ =	shalt  }
0x45: {  	_ =	shalt  }
0x46: {  	_ =	shalt  }
0x47: {  	_ =	shalt  }
0x48: {  	_ =	shalt  }
0x49: {  	_ =	shalt  }
0x4a: {  	_ =	shalt  }
0x4b: {  	_ =	shalt  }
0x4c: {  	_ =	shalt  }
0x4d: {  	_ =	shalt  }
0x4e: {  	_ =	shalt  }
0x4f: {  	_ =	shalt  }
0x50: {  	_ =	shalt  }
0x51: {  	_ =	shalt  }
0x52: {  	_ =	shalt  }
0x53: {  	_ =	shalt  }
0x54: {  	_ =	shalt  }
0x55: {  	_ =	shalt  }
0x56: {  	_ =	shalt  }
0x57: {  	_ =	shalt  }
0x58: {  	_ =	shalt  }
0x59: {  	_ =	shalt  }
0x5a: {  	_ =	shalt  }
0x5b: {  	_ =	shalt  }
0x5c: {  	_ =	shalt  }
0x5d: {  	_ =	shalt  }
0x5e: {  	_ =	shalt  }
0x5f: {  	_ =	shalt  }
0x60: {  	_ =	shalt  }
0x61: {  	_ =	shalt  }
0x62: {  	_ =	shalt  }
0x63: {  	_ =	shalt  }
0x64: {  	_ =	shalt  }
0x65: {  	_ =	shalt  }
0x66: {  	_ =	shalt  }
0x67: {  	_ =	shalt  }
0x68: {  	_ =	shalt  }
0x69: {  	_ =	shalt  }
0x6a: {  	_ =	shalt  }
0x6b: {  	_ =	shalt  }
0x6c: {  	_ =	shalt  }
0x6d: {  	_ =	shalt  }
0x6e: {  	_ =	shalt  }
0x6f: {  	_ =	shalt  }
0x70: {  	_ =	shalt  }
0x71: {  	_ =	shalt  }
0x72: {  	_ =	shalt  }
0x73: {  	_ =	shalt  }
0x74: {  	_ =	shalt  }
0x75: {  	_ =	shalt  }
0x76: {  	_ =	shalt  }
0x77: {  	_ =	shalt  }
0x78: {  	_ =	shalt  }
0x79: {  	_ =	shalt  }
0x7a: {  	_ =	shalt  }
0x7b: {  	_ =	shalt  }
0x7c: {  	_ =	shalt  }
0x7d: {  	_ =	shalt  }
0x7e: {  	_ =	shalt  }
0x7f: {  	_ =	shalt  }
0x80: {  	_ =	shalt  }
0x81: {  	_ =	shalt  }
0x82: {  	_ =	shalt  }
0x83: {  	_ =	shalt  }
0x84: {  	_ =	shalt  }
0x85: {  	_ =	shalt  }
0x86: {  	_ =	shalt  }
0x87: {  	_ =	shalt  }
.Lfunc_end0:
.L_simem_size_0:
called_computation_lowered:
.L_overlay_start_0:
0x88: {  	s2 =	sld [smem:$0x3FD9]  }
0x89: {  	s3 =	sld [smem:$0x3FFE];
	_ =	sdelay $0x1  }
0x8a: {  	s1 =	srdreg.scid  }
0x8b: {  	s0 =	sand.u32 $0x1, s1  }
0x8c: {  	s17 =	sshll.u32 s0, $0xA;
	s2 =	sadd.s32 s3, s2  }
0x8d: {  	s2 =	sadd.s32 s2, s17  }
0x8e: {  	[smem:$0x3FC7] =	sst s2  }
0x8f: {  	_ = 	snop  }
0x90: {  	s2 =	sld [smem:$0x3FD0];
	(tm) =	ssettm $0x1  }
0x91: {  	s18 =	sld [smem:$0x3FFB];
	_ =	sdelay $0x3  }
0x92: {  	_ =	strace s18  }
0x93: {  	s3 =	sld [smem:$0x3FFC];
	_ =	sdelay $0x3  }
0x94: {  	_ =	strace s3  }
0x95: {  	s3 =	sld [smem:$0x3FFD];
	_ =	sdelay $0x3  }
0x96: {  	_ =	strace s3  }
0x97: {  	_ =	strace $0x8FFFFFFF  }
0x98: {  	s19 =	sld [smem:$0x3FDB];
	_ =	sdelay $0x1  }
0x99: {  	s4 =	simm.s32 $_scs_section_size  }
0x9a: {  	s5 =	simm.s32 $_size__tile_overlayer_lowered;
	s6 =	simm.s32 $_tile_overlayer_lowered  }
0x9b: {  	s22 =	simm.s32 $0x1BFF;
	s21 =	sshll.u32 s6, $0x1;
	s3 =	sadd.s32 s4, s19  }
0x9c: {  	s7 =	simm.s32 $0x0;
	s20 =	sshll.u32 s5, $0x1;
	s5 =	sadd.s32 s21, s3  }
0x9d: {  	[timem:s7], [sflag:s22] =	dma.local [hbm:s5], s20  }
0x9e: {  	_ =	swait.ge [sflag:s22], s20  }
0x9f: {  	s4 =	ssub.s32 $0x0, s20;
	[sflag:s22] =	ssyncset.done $0x0  }
0xa0: {  	[sflag:s22] =	ssyncadd.s32 s4;
	_ =	sdelay $0x1  }
0xa1: {  	s23 =	simm.s32 $0x1B8B  }
0xa2: {  	_ =	swait.ge [sflag:s23], $0x1  }
0xa3: {  	[sflag:s23] =	ssyncset.done $0x0  }
0xa4: {  	s25 =	simm.s32 $0x1B8E;
	s24 =	sld [smem:$0x3FFE];
	[sflag:s23] =	ssyncadd.s32 $0xFFFFFFFF  }
0xa5: {  	s26 =	simm.s32 $execute0_lowered;
	[smem:$0x3FD2] =	sst s25  }
0xa6: {  	s5 =	sshll.u32 s26, $0x1;
	_ =	strace $0x80000046;
	[dreg:$0x1] =	wrdreg $0xFFFFFFFF  }
0xa7: {  	s28 =	simm.s32 $_size_execute0_lowered;
	s3 =	sadd.s32 s3, s5;
	[dreg:$0x0] =	wrdreg $0x0  }
0xa8: {  	s5 =	sshll.u32 s28, $0x1;
	[dreg:$0x2] =	wrdreg s3  }
0xa9: {  	[dreg:$0x3] =	wrdreg s5  }
0xaa: {  	[dreg:$0x4] =	wrdreg $0xC0  }
0xab: {  	_ =	task [dreg:s7], $0x5FFFF  }
0xac: {  	[dreg:$0x1] =	wrdreg $0xFFFFFFFF  }
0xad: {  	[dreg:$0x0] =	wrdreg $0x60  }
0xae: {  	[dreg:$0x2] =	wrdreg s2  }
0xaf: {  	[dreg:$0x3] =	wrdreg s24  }
0xb0: {  	[dreg:$0x4] =	wrdreg $0x9  }
0xb1: {  	_ =	task.clear_ibuf [dreg:s7], $0x5FFFF;
	_ =	strace $0x90000046  }
0xb2: {  	s29 =	simm.s32 $0x9;
	_ =	strace $0x80000048  }
0xb3: {  	_ =	swait.ge [sflag:s29], $0x1  }
0xb4: {  	[sflag:s29] =	ssyncadd.s32 $0xFFFFFFFF  }
0xb5: {  	_ =	strace $0x90000048  }
0xb6: {  	_ =	sfence  }
0xb7: {  	s30 =	sld [smem:$0x0];
	_ =	sdelay $0x2  }
0xb8: {  	s31 =	sshll.u32 s1, $0xD;
	s1 =	sshrl.u32 s1, $0x2  }
0xb9: {  	s3 =	sand.u32 $0x4000, s31;
	s1 =	sadd.s32 s1, s30  }
0xba: {  	s0 =	sor.u32 s3, s0;
	s1 =	sshll.u32 s1, $0x11  }
0xbb: {  	s0 =	sor.u32 s1, s0  }
0xbc: {  	s0 =	sadd.s32 $0x8F2B, s0  }
0xbd: {  	[sflag:s0] =	ssyncadd.remote.s32 $0x1  }
0xbe: {  	_ =	sfence.sel $0xFFFF  }
0xbf: {  	[dreg:$0x0] =	wrdreg $0xFFFFFFFF;
	(pc) =	sbr.abs _section_cstart, $3  }
0xc0: {  	[dreg:$0x1] =	wrdreg $0xFFFFFFFF  }
0xc1: {  	_ =	task.clear_ibuf [dreg:s7], $0x2FFFF;
	_ =	strace $0x9FFFFFFF  }
0xc2: {  	(tm) =	ssettm $0x7FFFFFFF  }
0xc3: {  	_ =	shalt  }
tec
execute0_lowered:
.L_overlay_start_1:
0x0: {  	(tag) =	ssettag $0x1  }
0x1: {  	s0 =	stileid.u32  }
0x2: {  	s2 =	srdreg.scid;
	s1 =	smul.u32 $0x25, s0  }
0x3: {  	s15 =	sand.u32 $0x1, s2;
	s21 =	sshll.u32 s0, $0x1  }
0x4: {  	s7 =	sor.u32 s15, s21;
	s13 =	sshrl.u32 s1, $0x8  }
0x5: {  	s8 =	sor.u32 $0x20, s7;
	s22 =	smul.u32 $0xFFFFFFF2, s13  }
0x6: {  	s24 =	smul.u32 $0x25, s8  }
0x7: {  	s14 =	sadd.s32 s7, s22  }
0x8: {  	s3 =	sshrl.u32 s24, $0x9;
	s23 =	sshll.u32 s14, $0x18  }
0x9: {  	s2 =	smul.u32 $0xFFFFFFF2, s3;
	s1 =	sshra.s32 s23, $0x18  }
0xa: {  	s1 =	smul.u32 $0xFFFFFF93, s1  }
0xb: {  	s15 =	ssub.s32 $0x2, s15;
	s9 =	sor.u32 $0x40, s7;
	s6 =	sadd.s32 s8, s2  }
0xc: {  	s5 =	smul.u32 $0x93, s9;
	s2 =	sshll.u32 s6, $0x18;
	s1 =	sshrl.u32 s1, $0x8  }
0xd: {  	s23 =	smul.u32 $0x2A000, s13;
	s2 =	sshra.s32 s2, $0x18;
	s1 =	sadd.s32 s14, s1  }
0xe: {  	p0 =	slt.s32 s14, $0x7;
	s2 =	smul.u32 $0xFFFFFF93, s2;
	s4 =	sand.u32 $0x80, s1  }
0xf: {  	s8 =	sshll.u32 s8, $0x6;
	s1 =	sshll.u32 s1, $0x18;
	s10 =	sshrl.u32 s4, $0x7  }
0x10: {  	s1 =	sshra.s32 s1, $0x1A;
	s4 =	sshrl.u32 s5, $0xB;
	s2 =	sshrl.u32 s2, $0x8  }
0x11: {  	s1 =	sadd.s32 s10, s1;
	s5 =	smul.u32 $0xFFFFFFF2, s4;
	s10 =	sor.u32 $0x60, s7  }
0x12: {  	s2 =	sadd.s32 s6, s2;
	s4 =	smul.u32 $0x2A000, s4;
	s7 =	sshll.u32 s7, $0x6  }
0x13: {  	s1 =	smul.u32 $0x7, s1;
	s12 =	smin.u32 s10, $0x6F;
	s25 =	sand.u32 $0x80, s2  }
0x14: {  	s2 =	sshll.u32 s2, $0x18;
	s10 =	sshll.u32 s10, $0x6;
	s5 =	sadd.s32 s9, s5  }
0x15: {  	v0 =	vimm.s32 $0x2100;
	vm14 =	vcmask $0x300;
	s16 =	smul.u32 $0x93, s12;
	s26 =	sshrl.u32 s25, $0x7;
	s11 =	sshll.u32 s5, $0x18  }
0x16: {  	vm13 =	vcmask $0x704;
	v0 =	vsel vm14, $0x180, v0;
	s2 =	sshra.s32 s2, $0x1A;
	s1 =	ssub.s32 s14, s1;
	s11 =	sshra.s32 s11, $0x18  }
0x17: {  	vm12 =	vcmask $0xB08;
	v0 =	vsel vm13, $0x200, v0;
	s1 =	sshll.u32 s1, $0x18;
	s18 =	smul.u32 $0xFFFFFF93, s11;
	s11 =	sshrl.u32 s16, $0xB  }
0x18: {  	vm10 =	vcmask $0xF0C;
	v0 =	vsel vm12, $0x280, v0;
	s17 =	sshra.s32 s1, $0x18;
	s1 =	sadd.s32 s26, s2;
	s19 =	smul.u32 $0xFFFFFFF2, s11  }
0x19: {  	vm9 =	vcmask $0x1310;
	v0 =	vsel vm10, $0x300, v0;
	s9 =	sshll.u32 s9, $0x6;
	s14 =	simm.s32 $0x15000;
	s1 =	smul.u32 $0x7, s1  }
0x1a: {  	vm8 =	vcmask $0x1714;
	v0 =	vsel vm9, $0x380, v0;
	s14 =	simm.s32 @!p0 $0x7;
	s31 =	sshll.u32 s17, $0x6;
	s17 =	smul.u32 $0x3000, s17  }
0x1b: {  	vm7 =	vcmask $0x1B18;
	v0 =	vsel vm8, $0x1000, v0;
	p0 =	slt.s32 s6, $0x7;
	s11 =	smul.u32 $0x2A000, s11;
	s28 =	sshrl.u32 s18, $0x8  }
0x1c: {  	vm6 =	vcmask $0x1F1C;
	vm5 =	vcmask $0x2320;
	v0 =	vsel vm7, $0x1080, v0;
	s20 =	sor.u32 $0x3B, s31;
	s31 =	sshrl.u32 s15, $0x1;
	s12 =	sadd.s32 s12, s19  }
0x1d: {  	vm3 =	vcmask $0x2724;
	vm4 =	vcmask $0x2B28;
	v0 =	vsel vm6, $0x1100, v0;
	s2 =	sadd.s32 s5, s28;
	s1 =	ssub.s32 s6, s1;
	s13 =	ssub.s32 s15, s31  }
0x1e: {  	vm2 =	vcmask $0x2F2C;
	v1 =	vsel vm5, $0x1180, v0;
	v0 =	vmov s20;
	s6 =	simm.s32 $0x15000;
	s20 =	simm.s32 $0x0;
	s29 =	sshll.u32 s12, $0x18  }
0x1f: {  	vm1 =	vcmask $0x3330;
	v5 =	vimm.s32 $0x87654321;
	v2 =	vsel vm3, $0x1200, v1;
	s30 =	sand.u32 $0x80, s2;
	s2 =	sshll.u32 s2, $0x18;
	s1 =	sshll.u32 s1, $0x18  }
0x20: {  	v6 =	vimm.s32 $0xEDCBA987;
	vm11 =	vcmask $0x3734;
	v3 =	vsel vm4, $0x1280, v2;
	s6 =	simm.s32 @!p0 $0x7;
	s16 =	sshra.s32 s29, $0x18;
	s18 =	sshrl.u32 s30, $0x7  }
0x21: {  	v7 =	vimm.s32 $0x65432100;
	vm15 =	vcmask $0x3B38;
	v3 =	vsel vm2, $0x1300, v3;
	s2 =	sshra.s32 s2, $0x1A;
	s19 =	sshra.s32 s1, $0x18;
	s16 =	smul.u32 $0xFFFFFF93, s16  }
0x22: {  	vm0 =	vmmov $0x7ff;
	v4 =	vsel vm1, $0x1380, v3;
	v3 =	vimm.s32 $0xFFEDCBA9;
	p0 =	slt.s32 s5, $0x7;
	s2 =	sadd.s32 s18, s2;
	s18 =	smul.u32 $0x3000, s19  }
0x23: {  	v9 =	vimm.s32 $0x2D7E;
	v5 =	vunpack.c.l.s4.s8 v5;
	v3 =	vunpack.c.l.s4.s8 v3;
	s29 =	rddreg [dreg:$0x1];
	s21 =	sshll.u32 s19, $0x6;
	s2 =	smul.u32 $0x7, s2  }
0x24: {  	v10 =	vimm.s32 $0x2D7F;
	v6 =	vunpack.c.l.s4.s8 v6;
	v9 =	vsel vm14, $0xDFE, v9;
	s19 =	simm.s32 $0x14400;
	s26 =	sor.u32 $0x3B, s21;
	s16 =	sshrl.u32 s16, $0x8  }
0x25: {  	v10 =	vsel vm14, $0xDFF, v10;
	v5 =	vunpack.c.0.s8.s32 v5;
	v8 =	vunpack.c.0.s8.s32 v3;
	s24 =	sadd.s32 s12, s16;
	s2 =	ssub.s32 s5, s2;
	s5 =	simm.s32 $0x15000  }
0x26: {  	v7 =	vunpack.c.l.s4.s8 v7;
	v9 =	vsel vm13, $0xE7E, v9;
	v10 =	vsel vm13, $0xE7F, v10;
	s16 =	sand.u32 $0x80, s24;
	s1 =	sshll.u32 s24, $0x18;
	s2 =	sshll.u32 s2, $0x18  }
0x27: {  	v6 =	vunpack.c.0.s8.s32 v6;
	v9 =	vsel vm12, $0xEFE, v9;
	v8 =	vcombine.low v5, v8;
	s24 =	smul.u32 $0x2A000, s3;
	s16 =	sshrl.u32 s16, $0x7;
	s1 =	sshra.s32 s1, $0x1A  }
0x28: {  	v7 =	vunpack.c.0.s8.s32 v7;
	v10 =	vsel vm12, $0xEFF, v10;
	v9 =	vsel vm10, $0xF7E, v9;
	s5 =	simm.s32 @!p0 $0x7;
	p0 =	slt.s32 s12, $0x7;
	s1 =	sadd.s32 s16, s1  }
0x29: {  	v5 =	vand.u32 $0xF, v6;
	v6 =	vand.u32 $0xF, v8;
	v8 =	vimm.s32 $0x2D7D;
	s25 =	sshra.s32 s2, $0x18;
	s2 =	simm.s32 $0x0;
	s1 =	smul.u32 $0x7, s1  }
0x2a: {  	v10 =	vsel vm10, $0xF7F, v10;
	v9 =	vsel vm9, $0xFFE, v9;
	v8 =	vsel vm14, $0xDFD, v8;
	s4 =	sadd.s32 s4, s5;
	s28 =	sshll.u32 s25, $0x6;
	[smem:$0x7FF] =	sst s2  }
0x2b: {  	v10 =	vsel vm9, $0xFFF, v10;
	v9 =	vsel vm8, $0x1C7E, v9;
	v8 =	vsel vm13, $0xE7D, v8;
	s25 =	smul.u32 $0x3000, s25;
	s6 =	sadd.s32 s24, s6;
	s1 =	ssub.s32 s12, s1  }
0x2c: {  	v10 =	vsel vm8, $0x1C7F, v10;
	v9 =	vsel vm7, $0x1CFE, v9;
	v8 =	vsel vm12, $0xEFD, v8;
	s16 =	sor.u32 $0x3B, s28;
	s6 =	sadd.s32 s18, s6;
	s1 =	sshll.u32 s1, $0x18  }
0x2d: {  	v10 =	vsel vm7, $0x1CFF, v10;
	v8 =	vsel vm10, $0xF7D, v8;
	s18 =	simm.s32 $0x14200;
	v2 =	vmov s16;
	s16 =	rddreg [dreg:$0x0];
	s30 =	sshra.s32 s1, $0x18  }
0x2e: {  	v9 =	vsel vm6, $0x1D7E, v9;
	v10 =	vsel vm6, $0x1D7F, v10;
	v8 =	vsel vm9, $0xFFD, v8;
	s6 =	sshrl.u32 s6, $0x3;
	s12 =	simm.s32 $0x3000;
	s22 =	sshll.u32 s30, $0x6  }
0x2f: {  	v9 =	vsel vm5, $0x1DFE, v9;
	v10 =	vsel vm5, $0x1DFF, v10;
	v8 =	vsel vm8, $0x1C7D, v8;
	s1 =	rddreg [dreg:$0x2];
	_ =	strace $0x80000047;
	s22 =	sor.u32 $0x3B, s22  }
0x30: {  	v8 =	vsel vm7, $0x1CFD, v8;
	v1 =	vmov s26;
	s26 =	smul.u32 $0x3000, s30;
	v3 =	vmov s22;
	s22 =	sadd.s32 s23, s14;
	s23 =	sadd.s32 $0x600, s29  }
0x31: {  	v9 =	vsel vm3, $0x1E7E, v9;
	v10 =	vsel vm3, $0x1E7F, v10;
	v8 =	vsel vm6, $0x1D7D, v8;
	s29 =	sadd.s32 s25, s4;
	s4 =	sadd.s32 s16, s6;
	s14 =	simm.s32 $0x9000  }
0x32: {  	v9 =	vsel vm4, $0x1EFE, v9;
	v10 =	vsel vm4, $0x1EFF, v10;
	v8 =	vsel vm5, $0x1DFD, v8;
	s15 =	sadd.s32 s17, s22;
	s17 =	simm.s32 $0x15000;
	s30 =	sshrl.u32 s29, $0x3  }
0x33: {  	v9 =	vsel vm2, $0x1F7E, v9;
	v10 =	vsel vm2, $0x1F7F, v10;
	v8 =	vsel vm3, $0x1E7D, v8;
	s7 =	sadd.s32 s23, s7;
	s8 =	sadd.s32 s23, s8;
	s9 =	sadd.s32 s23, s9  }
0x34: {  	v9 =	vsel vm1, $0x1FFE, v9;
	v10 =	vsel vm1, $0x1FFF, v10;
	v8 =	vsel vm4, $0x1EFD, v8;
	s10 =	sadd.s32 s23, s10;
	s15 =	sshrl.u32 s15, $0x3;
	s17 =	simm.s32 @!p0 $0x7  }
0x35: {  	v4 =	vsel vm11, $0x2000, v4;
	v9 =	vsel vm11, $0x2C7E, v9;
	v8 =	vsel vm2, $0x1F7D, v8;
	p0 =	sgt.u32 s0, $0x7;
	s3 =	sadd.s32 s16, s15;
	s28 =	sadd.s32 s11, s17  }
0x36: {  	v10 =	vsel vm11, $0x2C7F, v10;
	v4 =	vsel vm15, $0x2080, v4;
	v8 =	vsel vm1, $0x1FFD, v8;
	s11 =	smax.u32 s13, $0x1;
	s13 =	simm.s32 $0x6000;
	s5 =	sadd.s32 s26, s28  }
0x37: {  	v9 =	vsel vm15, $0x2CFE, v9;
	v10 =	vsel vm15, $0x2CFF, v10;
	v8 =	vsel vm11, $0x2C7D, v8;
	s15 =	simm.s32 $0x14000;
	s17 =	simm.s32 $0x1;
	s31 =	sshrl.u32 s5, $0x3  }
0x38: {  	v5 =	vcombine.low v7, v5;
	v7 =	vlaneseq.u32;
	v8 =	vsel vm15, $0x2CFD, v8;
	s5 =	sadd.s32 s16, s30;
	s6 =	sadd.s32 s16, s31;
	s16 =	simm.s32 $0xC000  }
.LBB2_1:
0x39: {  	[tilespmem:s2], [sflag:$0x1] =	stream.linear.gather [hbm4b:s3+s2], $0x3000, $0x38;
	[tilespmem:$0x14800] =	vst v63  }
0x3a: {  	_ =	swait.ge [sflag:s17], $0x3000  }
0x3b: {  	[sflag:s17] =	ssyncset.done $0x0  }
0x3c: {  	[sflag:s17] =	ssyncadd.s32 $0xFFFFD000  }
0x3d: {  	[tilespmem:s12], [sflag:$0x1] =	stream.linear.gather [hbm4b:s4+s2], $0x3000, $0x38;
	[tilespmem:$0x14800] =	vst v63  }
0x3e: {  	_ =	swait.ge [sflag:s17], $0x3000  }
0x3f: {  	[sflag:s17] =	ssyncset.done $0x0  }
0x40: {  	[sflag:s17] =	ssyncadd.s32 $0xFFFFD000  }
0x41: {  	[tilespmem:s13], [sflag:$0x1] =	stream.linear.gather [hbm4b:s5+s2], $0x3000, $0x38;
	[tilespmem:$0x14800] =	vst v63  }
0x42: {  	_ =	swait.ge [sflag:s17], $0x3000  }
0x43: {  	[sflag:s17] =	ssyncset.done $0x0  }
0x44: {  	[sflag:s17] =	ssyncadd.s32 $0xFFFFD000  }
0x45: {  	[tilespmem:s14], [sflag:$0x1] =	stream.linear.gather [hbm4b:s6+s2], $0x3000, $0x38;
	[tilespmem:$0x14800] =	vst v63  }
0x46: {  	_ =	swait.ge [sflag:s17], $0x3000  }
0x47: {  	[sflag:s17] =	ssyncset.done $0x0  }
0x48: {  	[sflag:s17] =	ssyncadd.s32 $0xFFFFD000  }
0x49: {  	v11 =	vld.idx.msk [tilespmem:v4+s2+$0x0], $0xffff  }
0x4a: {  	v12 =	vld.idx.msk [tilespmem:v4+s12+$0x0], $0xffff  }
0x4b: {  	s21 =	simm.s32 $0x2;
	v13 =	vld.idx.msk [tilespmem:v4+s13+$0x0], $0xffff  }
0x4c: {  	v23 =	vmov s17;
	v16 =	vmov s21;
	v14 =	vld.idx.msk [tilespmem:v4+s14+$0x0], $0xffff  }
0x4d: {  	v24 =	vshll.u32 v23, $0x3;
	v23 =	vand.u32 $0x7F, v23;
	v18 =	vshll.u32 v16, $0x3  }
0x4e: {  	v16 =	vand.u32 $0x7F, v16;
	v24 =	vand.u32 $0xC00, v24;
	v18 =	vand.u32 $0x1C00, v18  }
0x4f: {  	v23 =	vor.u32 v24, v23;
	v11 =	vsub.f32 $0.0e+00, v11;
	v12 =	vsub.f32 $0.0e+00, v12  }
0x50: {  	v23 =	vor.u32 v4, v23;
	v16 =	vor.u32 v16, v18;
	v13 =	vsub.f32 $0.0e+00, v13  }
0x51: {  	v14 =	vsub.f32 $0.0e+00, v14;
	v11 =	vnsel vm0, $0x7149F2CA, v11;
	v12 =	vnsel vm0, $0x7149F2CA, v12  }
0x52: {  	v13 =	vnsel vm0, $0x7149F2CA, v13;
	v15 =	vperm.xlane v11, v5;
	v17 =	vperm.xlane v11, v6  }
0x53: {  	v14 =	vnsel vm0, $0x7149F2CA, v14;
	v19 =	vperm.xlane v12, v5;
	v20 =	vperm.xlane v12, v6  }
0x54: {  	v21 =	vperm.xlane v13, v5;
	v22 =	vperm.xlane v13, v6;
	vm1 =	vle.f32 v15, v11  }
0x55: {  	vm2 =	vle.f32 v15, v17;
	vm3 =	vle.f32 v11, v17;
	vm4 =	vle.f32 v19, v20  }
0x56: {  	vm5 =	vle.f32 v12, v20;
	vm1 =	vmneg vm1;
	vm2 =	vmneg vm2  }
0x57: {  	vm6 =	vle.f32 v21, v13;
	vm1 =	vmor vm1, vm2;
	vm2 =	vle.f32 v19, v12  }
0x58: {  	vm4 =	vmneg vm4;
	vm2 =	vmneg vm2;
	vm3 =	vmand vm3, vm1  }
0x59: {  	s22 =	simm.s32 $0x3;
	vm2 =	vmor vm2, vm4;
	vm4 =	vmneg vm6;
	vm6 =	vle.f32 v21, v22  }
0x5a: {  	v26 =	vsel vm3, v7, v6;
	v11 =	vsel vm3, v11, v17;
	v17 =	vmov s22  }
0x5b: {  	vm5 =	vmand vm5, vm2;
	vm6 =	vmneg vm6;
	v18 =	vand.u32 $0x7F, v17  }
0x5c: {  	v17 =	vshll.u32 v17, $0x3;
	v25 =	vsel vm5, v7, v6;
	vm4 =	vmor vm4, vm6  }
0x5d: {  	vm6 =	vle.f32 v13, v22;
	v12 =	vsel vm5, v12, v20;
	v20 =	vperm.xlane v14, v5  }
0x5e: {  	v17 =	vand.u32 $0x1C00, v17;
	vm6 =	vmand vm6, vm4;
	v19 =	vsel vm2, v12, v19  }
0x5f: {  	v12 =	vld.idx.msk [tilespmem:v23+s2+$0x0], $0xffff;
	v13 =	vsel vm6, v13, v22;
	v22 =	vsel vm1, v26, v5;
	v26 =	vperm.xlane v14, v6  }
0x60: {  	s23 =	simm.s32 $0x4;
	s21 =	simm.s32 $0x12040;
	v11 =	vsel vm1, v11, v15;
	v24 =	vsel vm2, v25, v5;
	v15 =	vor.u32 v18, v17  }
0x61: {  	s31 =	simm.s32 $0x10;
	v17 =	vmov s23;
	vm2 =	vle.f32 v20, v14;
	[tilespmem:s21+$0xFFFF9FD0] =	vst v22;
	vm3 =	vle.f32 v20, v26  }
0x62: {  	s22 =	sand.u32 $0x1FF0, s31;
	v13 =	vsel vm4, v13, v21;
	vm2 =	vmneg vm2;
	v21 =	vld.idx.msk [tilespmem:v23+s12+$0x0], $0xffff;
	vm3 =	vmneg vm3  }
0x63: {  	v25 =	vsel vm6, v7, v6;
	[tilespmem:s22+$0xE000] =	vst v24;
	vm2 =	vmor vm2, vm3;
	vm3 =	vle.f32 v14, v26  }
0x64: {  	v25 =	vsel vm4, v25, v5;
	v18 =	vld.idx.msk [tilespmem:v23+s13+$0x0], $0xffff;
	v11 =	vsub.f32 v11, v12;
	vm1 =	vmand vm3, vm2  }
0x65: {  	v22 =	vshll.u32 v17, $0x3;
	v17 =	vand.u32 $0x7F, v17;
	v14 =	vsel vm1, v14, v26  }
0x66: {  	v12 =	vadd.s32 v4, v15;
	v11 =	vnsel vm0, $0x7149F2CA, v11;
	v14 =	vsel vm2, v14, v20  }
0x67: {  	[tilespmem:s22+$0x10000] =	vst v25;
	v20 =	vand.u32 $0x1C00, v22;
	v15 =	vsub.f32 v19, v21;
	v19 =	vperm.xlane v11, v5  }
0x68: {  	v21 =	vld.idx.msk [tilespmem:v23+s14+$0x0], $0xffff;
	v22 =	vsel vm1, v7, v6;
	v17 =	vor.u32 v17, v20;
	v20 =	vperm.xlane v11, v6  }
0x69: {  	v16 =	vadd.s32 v4, v16;
	v13 =	vsub.f32 v13, v18;
	v18 =	vsel vm2, v22, v5  }
0x6a: {  	v15 =	vnsel vm0, $0x7149F2CA, v15;
	vm1 =	vle.f32 v19, v11;
	vm3 =	vle.f32 v19, v20  }
0x6b: {  	[tilespmem:s22+$0x12000] =	vst v18;
	vm1 =	vmneg vm1;
	v13 =	vnsel vm0, $0x7149F2CA, v13;
	v18 =	vperm.xlane v15, v5  }
0x6c: {  	v22 =	vperm.xlane v15, v6;
	vm2 =	vmneg vm3;
	vm3 =	vle.f32 v11, v20  }
0x6d: {  	v23 =	vperm.xlane v13, v5;
	vm1 =	vmor vm1, vm2;
	v14 =	vsub.f32 v14, v21  }
0x6e: {  	vm4 =	vle.f32 v15, v22;
	vm2 =	vmand vm3, vm1;
	vm3 =	vle.f32 v18, v15  }
0x6f: {  	v21 =	vld.idx.msk [tilespmem:v16+s2+$0x0], $0xffff;
	vm5 =	vle.f32 v18, v22;
	v24 =	vsel vm2, v7, v6;
	vm3 =	vmneg vm3  }
0x70: {  	v11 =	vsel vm2, v11, v20;
	v14 =	vnsel vm0, $0x7149F2CA, v14;
	v20 =	vperm.xlane v13, v6  }
0x71: {  	vm2 =	vmneg vm5;
	v24 =	vsel vm1, v24, v5;
	v11 =	vsel vm1, v11, v19  }
0x72: {  	vm1 =	vle.f32 v23, v13;
	v19 =	vperm.xlane v14, v5;
	v25 =	vperm.xlane v14, v6  }
0x73: {  	vm2 =	vmor vm3, vm2;
	vm5 =	vle.f32 v13, v20;
	vm6 =	vle.f32 v23, v20  }
0x74: {  	vm1 =	vmneg vm1;
	vm4 =	vmand vm4, vm2;
	v11 =	vsub.f32 v11, v21  }
0x75: {  	vm3 =	vle.f32 v19, v14;
	vm6 =	vmneg vm6;
	v26 =	vsel vm4, v7, v6  }
0x76: {  	[tilespmem:s21+$0xFFFF9FE0] =	vst v24;
	v15 =	vsel vm4, v15, v22;
	vm3 =	vmneg vm3;
	vm1 =	vmor vm1, vm6  }
0x77: {  	v21 =	vld.idx.msk [tilespmem:v16+s12+$0x0], $0xffff;
	vm6 =	vle.f32 v19, v25;
	v15 =	vsel vm2, v15, v18;
	v18 =	vsel vm2, v26, v5  }
0x78: {  	v11 =	vnsel vm0, $0x7149F2CA, v11;
	vm5 =	vmand vm5, vm1;
	vm6 =	vmneg vm6  }
0x79: {  	[tilespmem:s21+$0xFFFFBFE0] =	vst v18;
	v24 =	vperm.xlane v11, v5;
	v22 =	vsel vm5, v7, v6;
	v18 =	vperm.xlane v11, v6  }
0x7a: {  	vm2 =	vmor vm3, vm6;
	vm3 =	vle.f32 v14, v25;
	v13 =	vsel vm5, v13, v20  }
0x7b: {  	v22 =	vsel vm1, v22, v5;
	vm3 =	vmand vm3, vm2;
	v13 =	vsel vm1, v13, v23  }
0x7c: {  	v20 =	vld.idx.msk [tilespmem:v16+s13+$0x0], $0xffff;
	vm4 =	vle.f32 v24, v11;
	v15 =	vsub.f32 v15, v21;
	vm5 =	vle.f32 v24, v18  }
0x7d: {  	v21 =	vsel vm3, v7, v6;
	v14 =	vsel vm3, v14, v25;
	vm4 =	vmneg vm4  }
0x7e: {  	v21 =	vsel vm2, v21, v5;
	vm1 =	vmneg vm5;
	vm5 =	vle.f32 v11, v18  }
0x7f: {  	v14 =	vsel vm2, v14, v19;
	v15 =	vnsel vm0, $0x7149F2CA, v15;
	vm1 =	vmor vm4, vm1  }
0x80: {  	[tilespmem:s21+$0xFFFFDFE0] =	vst v22;
	v26 =	vperm.xlane v15, v5;
	v23 =	vperm.xlane v15, v6;
	vm2 =	vmand vm5, vm1  }
0x81: {  	v16 =	vld.idx.msk [tilespmem:v16+s14+$0x0], $0xffff;
	v13 =	vsub.f32 v13, v20;
	v11 =	vsel vm2, v11, v18  }
0x82: {  	[tilespmem:s21+$0xFFFFFFE0] =	vst v21;
	vm3 =	vle.f32 v26, v15;
	vm6 =	vle.f32 v26, v23;
	vm4 =	vle.f32 v15, v23  }
0x83: {  	v19 =	vld.idx.msk [tilespmem:v12+s2+$0x0], $0xffff;
	v20 =	vnsel vm0, $0x7149F2CA, v13;
	vm3 =	vmneg vm3;
	vm6 =	vmneg vm6  }
0x84: {  	v13 =	vsel vm2, v7, v6;
	v22 =	vperm.xlane v20, v5;
	vm3 =	vmor vm3, vm6  }
0x85: {  	v11 =	vsel vm1, v11, v24;
	v13 =	vsel vm1, v13, v5;
	vm4 =	vmand vm4, vm3  }
0x86: {  	[tilespmem:s21+$0xFFFF9FF0] =	vst v13;
	vm2 =	vle.f32 v22, v20;
	v21 =	vsel vm4, v7, v6;
	v13 =	vsel vm4, v15, v23  }
0x87: {  	v18 =	vld.idx.msk [tilespmem:v12+s12+$0x0], $0xffff;
	v15 =	vperm.xlane v20, v6;
	vm1 =	vmneg vm2;
	v21 =	vsel vm3, v21, v5  }
0x88: {  	v23 =	vsel vm3, v13, v26;
	v13 =	vsub.f32 v14, v16;
	v14 =	vsub.f32 v11, v19  }
0x89: {  	v11 =	vadd.s32 v4, v17;
	vm2 =	vle.f32 v22, v15;
	vm3 =	vle.f32 v20, v15  }
0x8a: {  	vm2 =	vmneg vm2;
	v19 =	vnsel vm0, $0x7149F2CA, v13;
	v13 =	vnsel vm0, $0x7149F2CA, v14  }
0x8b: {  	vm1 =	vmor vm1, vm2;
	v17 =	vperm.xlane v19, v5;
	v24 =	vperm.xlane v19, v6  }
0x8c: {  	[tilespmem:s21+$0xFFFFBFF0] =	vst v21;
	v14 =	vsub.f32 v23, v18;
	v21 =	vperm.xlane v13, v6;
	vm2 =	vmand vm3, vm1  }
0x8d: {  	v16 =	vsel vm2, v7, v6;
	v15 =	vsel vm2, v20, v15;
	vm2 =	vle.f32 v17, v19  }
0x8e: {  	v18 =	vld.idx.msk [tilespmem:v12+s13+$0x0], $0xffff;
	vm3 =	vle.f32 v17, v24;
	v25 =	vnsel vm0, $0x7149F2CA, v14;
	v20 =	vperm.xlane v13, v5  }
0x8f: {  	v16 =	vsel vm1, v16, v5;
	vm2 =	vmneg vm2;
	vm3 =	vmneg vm3  }
0x90: {  	v14 =	vperm.xlane v25, v5;
	v26 =	vperm.xlane v25, v6;
	v15 =	vsel vm1, v15, v22  }
0x91: {  	vm1 =	vle.f32 v19, v24;
	vm3 =	vmor vm2, vm3;
	vm8 =	vle.f32 v20, v21  }
0x92: {  	vm2 =	vmand vm1, vm3;
	vm1 =	vle.f32 v14, v25;
	vm4 =	vle.f32 v14, v26  }
0x93: {  	[tilespmem:s21+$0xFFFFDFF0] =	vst v16;
	v15 =	vsub.f32 v15, v18;
	vm5 =	vle.f32 v25, v26;
	vm8 =	vmneg vm8  }
0x94: {  	v18 =	vld.idx.msk [tilespmem:v12+s14+$0x0], $0xffff;
	v16 =	vsel vm2, v7, v6;
	vm1 =	vmneg vm1;
	vm4 =	vmneg vm4  }
0x95: {  	v19 =	vsel vm2, v19, v24;
	vm2 =	vle.f32 v13, v21;
	v23 =	vsel vm3, v16, v5  }
0x96: {  	v15 =	vnsel vm0, $0x7149F2CA, v15;
	vm1 =	vmor vm1, vm4;
	v17 =	vsel vm3, v19, v17  }
0x97: {  	vm3 =	vle.f32 v20, v13;
	v12 =	vperm.xlane v15, v5;
	vm6 =	vmand vm5, vm1  }
0x98: {  	v16 =	vperm.xlane v15, v6;
	vm5 =	vmneg vm3;
	v19 =	vsel vm6, v7, v6  }
0x99: {  	vm5 =	vmor vm5, vm8;
	v24 =	vsel vm6, v25, v26;
	v17 =	vsub.f32 v17, v18  }
0x9a: {  	v22 =	vsel vm1, v19, v5;
	vm4 =	vle.f32 v12, v16;
	vm7 =	vle.f32 v12, v15  }
0x9b: {  	[tilespmem:s21+$0xFFFFFFF0] =	vst v23;
	vm3 =	vle.f32 v15, v16;
	vm4 =	vmneg vm4;
	v17 =	vnsel vm0, $0x7149F2CA, v17  }
0x9c: {  	s26 =	simm.s32 $0x5;
	s23 =	simm.s32 $0x50;
	s22 =	simm.s32 $0x12040;
	v23 =	vld.idx.msk [tilespmem:v11+s2+$0x0], $0xffff;
	vm6 =	vmneg vm7;
	v18 =	vperm.xlane v17, v5;
	v19 =	vperm.xlane v17, v6  }
.LBB2_2:
0x9d: {  	s28 =	sadd.s32 $0x1, s26  }
0x9e: {  	vm2 =	vmand vm2, vm5;
	v14 =	vsel vm1, v24, v14;
	s21 =	sadd.s32 $0x40, s21;
	s25 =	smov.u32 s26;
	s24 =	sadd.s32 $0x4, s26  }
0x9f: {  	p1 =	slt.u32 s26, $0x1F9;
	v24 =	vmov s28;
	v25 =	vsel vm2, v7, v6;
	v13 =	vsel vm2, v13, v21  }
0xa0: {  	vm1 =	vmor vm6, vm4;
	v21 =	vsel vm5, v25, v5;
	v13 =	vsel vm5, v13, v20  }
0xa1: {  	vm2 =	vmand vm3, vm1;
	v20 =	vshll.u32 v24, $0x3;
	v13 =	vsub.f32 v13, v23;
	[tilespmem:s22+$0xFFFFA000] =	vst v21  }
0xa2: {  	v21 =	vand.u32 $0x7F, v24;
	v20 =	vand.u32 $0x1C00, v20;
	v24 =	vsel vm2, v7, v6;
	v23 =	vld.idx.msk [tilespmem:v11+s12+$0x0], $0xffff  }
0xa3: {  	vm4 =	vle.f32 v18, v19;
	vm3 =	vle.f32 v18, v17;
	[tilespmem:s22+$0xFFFFC000] =	vst v22;
	v22 =	vsel vm1, v24, v5  }
0xa4: {  	v15 =	vsel vm2, v15, v16;
	vm2 =	vmneg vm3;
	vm3 =	vmneg vm4;
	v16 =	vld.idx.msk [tilespmem:v11+s13+$0x0], $0xffff  }
0xa5: {  	vm2 =	vmor vm2, vm3;
	vm3 =	vle.f32 v17, v19;
	v13 =	vnsel vm0, $0x7149F2CA, v13;
	[tilespmem:s22+$0xFFFFE000] =	vst v22  }
0xa6: {  	vm3 =	vmand vm3, vm2;
	v24 =	vperm.xlane v13, v6;
	v22 =	vperm.xlane v13, v5;
	v11 =	vld.idx.msk [tilespmem:v11+s14+$0x0], $0xffff  }
0xa7: {  	v12 =	vsel vm1, v15, v12;
	v15 =	vsel vm3, v7, v6;
	v17 =	vsel vm3, v17, v19  }
0xa8: {  	v15 =	vsel vm2, v15, v5;
	v17 =	vsel vm2, v17, v18;
	v14 =	vsub.f32 v14, v23  }
0xa9: {  	vm2 =	vle.f32 v13, v24;
	vm1 =	vle.f32 v22, v13;
	vm3 =	vle.f32 v22, v24;
	[tilespmem:s22+$0x0] =	vst v15;
	s22 =	smov.u32 s21  }
0xaa: {  	vm1 =	vmneg vm1;
	v14 =	vnsel vm0, $0x7149F2CA, v14;
	v12 =	vsub.f32 v12, v16  }
0xab: {  	vm3 =	vmneg vm3;
	v15 =	vperm.xlane v14, v5;
	v16 =	vperm.xlane v14, v6  }
0xac: {  	vm1 =	vmor vm1, vm3;
	v12 =	vnsel vm0, $0x7149F2CA, v12;
	v11 =	vsub.f32 v17, v11  }
0xad: {  	vm3 =	vle.f32 v15, v14;
	vm4 =	vle.f32 v15, v16;
	v17 =	vperm.xlane v12, v5  }
0xae: {  	v18 =	vperm.xlane v12, v6;
	vm3 =	vmneg vm3;
	v11 =	vnsel vm0, $0x7149F2CA, v11  }
0xaf: {  	vm5 =	vle.f32 v14, v16;
	vm4 =	vmneg vm4;
	vm6 =	vle.f32 v17, v12  }
0xb0: {  	vm3 =	vmor vm3, vm4;
	vm4 =	vmneg vm6;
	vm6 =	vle.f32 v17, v18  }
0xb1: {  	v19 =	vmov s25;
	vm5 =	vmand vm5, vm3;
	vm6 =	vmneg vm6  }
0xb2: {  	v23 =	vshll.u32 v19, $0x3;
	v25 =	vsel vm5, v7, v6;
	vm4 =	vmor vm4, vm6  }
0xb3: {  	v19 =	vand.u32 $0x7F, v19;
	v23 =	vand.u32 $0xC00, v23;
	vm6 =	vle.f32 v12, v18  }
0xb4: {  	v19 =	vor.u32 v23, v19;
	v23 =	vsel vm3, v25, v5;
	vm6 =	vmand vm6, vm4  }
0xb5: {  	vm2 =	vmand vm2, vm1;
	v19 =	vor.u32 v4, v19;
	v25 =	vsel vm6, v7, v6  }
0xb6: {  	v26 =	vsel vm2, v7, v6;
	v12 =	vsel vm6, v12, v18;
	v25 =	vsel vm4, v25, v5  }
0xb7: {  	v14 =	vsel vm5, v14, v16;
	v18 =	vsel vm1, v26, v5;
	v16 =	vsel vm4, v12, v17  }
0xb8: {  	s26 =	sadd.s32 $0x2, s25;
	v14 =	vsel vm3, v14, v15;
	v15 =	vperm.xlane v11, v6;
	v12 =	vperm.xlane v11, v5  }
0xb9: {  	v13 =	vsel vm2, v13, v24;
	v17 =	vor.u32 v21, v20;
	v20 =	vmov s26  }
0xba: {  	v24 =	vand.u32 $0x7F, v20;
	vm2 =	vle.f32 v12, v11;
	vm3 =	vle.f32 v12, v15;
	v21 =	vld.idx.msk [tilespmem:v19+s2+$0x0], $0xffff  }
0xbb: {  	vm2 =	vmneg vm2;
	vm3 =	vmneg vm3;
	[tilespmem:s21+$0xFFFF9FD0] =	vst v18;
	v18 =	vshll.u32 v20, $0x3  }
0xbc: {  	s26 =	sand.u32 $0x1FF0, s23;
	vm2 =	vmor vm2, vm3;
	vm3 =	vle.f32 v11, v15;
	v20 =	vld.idx.msk [tilespmem:v19+s12+$0x0], $0xffff;
	v18 =	vand.u32 $0x1C00, v18  }
0xbd: {  	s25 =	sadd.s32 $0x3, s25;
	v13 =	vsel vm1, v13, v22;
	vm1 =	vmand vm3, vm2;
	[tilespmem:s26+$0xE000] =	vst v23;
	v18 =	vor.u32 v24, v18  }
0xbe: {  	v11 =	vsel vm1, v11, v15;
	v15 =	vmov s25;
	v22 =	vld.idx.msk [tilespmem:v19+s13+$0x0], $0xffff  }
0xbf: {  	v23 =	vsel vm2, v11, v12;
	v11 =	vshll.u32 v15, $0x3;
	[tilespmem:s26+$0x10000] =	vst v25  }
0xc0: {  	v15 =	vand.u32 $0x7F, v15;
	v11 =	vand.u32 $0x1C00, v11;
	v13 =	vsub.f32 v13, v21;
	v19 =	vld.idx.msk [tilespmem:v19+s14+$0x0], $0xffff  }
0xc1: {  	v12 =	vadd.s32 v4, v18;
	v11 =	vor.u32 v15, v11  }
0xc2: {  	v15 =	vadd.s32 v4, v17;
	v13 =	vnsel vm0, $0x7149F2CA, v13;
	v14 =	vsub.f32 v14, v20  }
0xc3: {  	v17 =	vsel vm1, v7, v6;
	v18 =	vperm.xlane v13, v5;
	v20 =	vperm.xlane v13, v6  }
0xc4: {  	v17 =	vsel vm2, v17, v5;
	v14 =	vnsel vm0, $0x7149F2CA, v14;
	v16 =	vsub.f32 v16, v22  }
0xc5: {  	vm1 =	vle.f32 v18, v13;
	vm2 =	vle.f32 v18, v20;
	vm3 =	vle.f32 v13, v20  }
0xc6: {  	v16 =	vnsel vm0, $0x7149F2CA, v16;
	vm1 =	vmneg vm1;
	vm2 =	vmneg vm2  }
0xc7: {  	v21 =	vperm.xlane v14, v6;
	vm1 =	vmor vm1, vm2;
	[tilespmem:s26+$0x12000] =	vst v17;
	v17 =	vperm.xlane v14, v5  }
0xc8: {  	v19 =	vsub.f32 v23, v19;
	v23 =	vperm.xlane v16, v5;
	vm2 =	vmand vm3, vm1;
	v22 =	vld.idx.msk [tilespmem:v15+s2+$0x0], $0xffff  }
0xc9: {  	vm4 =	vle.f32 v14, v21;
	v24 =	vsel vm2, v7, v6;
	vm3 =	vle.f32 v17, v14  }
0xca: {  	v24 =	vsel vm1, v24, v5;
	vm5 =	vle.f32 v17, v21;
	vm3 =	vmneg vm3  }
0xcb: {  	v19 =	vnsel vm0, $0x7149F2CA, v19;
	v13 =	vsel vm2, v13, v20;
	v20 =	vperm.xlane v16, v6;
	[tilespmem:s21+$0xFFFF9FE0] =	vst v24  }
0xcc: {  	v13 =	vsel vm1, v13, v18;
	vm1 =	vle.f32 v23, v16;
	v24 =	vperm.xlane v19, v5;
	v18 =	vld.idx.msk [tilespmem:v15+s12+$0x0], $0xffff  }
0xcd: {  	v25 =	vperm.xlane v19, v6;
	vm2 =	vmneg vm5;
	vm5 =	vle.f32 v16, v20  }
0xce: {  	vm2 =	vmor vm3, vm2;
	v13 =	vsub.f32 v13, v22;
	vm3 =	vle.f32 v24, v19  }
0xcf: {  	vm1 =	vmneg vm1;
	vm6 =	vle.f32 v23, v20;
	vm3 =	vmneg vm3  }
0xd0: {  	vm6 =	vmneg vm6;
	vm4 =	vmand vm4, vm2;
	v13 =	vnsel vm0, $0x7149F2CA, v13  }
0xd1: {  	vm1 =	vmor vm1, vm6;
	vm6 =	vle.f32 v24, v25;
	v22 =	vperm.xlane v13, v5  }
0xd2: {  	v26 =	vsel vm4, v7, v6;
	vm5 =	vmand vm5, vm1;
	vm6 =	vmneg vm6  }
0xd3: {  	v14 =	vsel vm4, v14, v21;
	v21 =	vsel vm5, v7, v6;
	vm4 =	vle.f32 v22, v13  }
0xd4: {  	v26 =	vsel vm2, v26, v5;
	v14 =	vsel vm2, v14, v17;
	v17 =	vsel vm1, v21, v5  }
0xd5: {  	v14 =	vsub.f32 v14, v18;
	v18 =	vperm.xlane v13, v6;
	vm2 =	vmneg vm4;
	[tilespmem:s21+$0xFFFFBFE0] =	vst v26  }
0xd6: {  	v16 =	vsel vm5, v16, v20;
	vm3 =	vmor vm3, vm6;
	vm4 =	vle.f32 v19, v25;
	v20 =	vld.idx.msk [tilespmem:v15+s13+$0x0], $0xffff  }
0xd7: {  	v14 =	vnsel vm0, $0x7149F2CA, v14;
	vm5 =	vle.f32 v22, v18;
	vm4 =	vmand vm4, vm3;
	[tilespmem:s21+$0xFFFFDFE0] =	vst v17  }
0xd8: {  	v21 =	vperm.xlane v14, v5;
	v26 =	vperm.xlane v14, v6;
	v17 =	vsel vm4, v7, v6  }
0xd9: {  	vm6 =	vle.f32 v13, v18;
	vm5 =	vmneg vm5;
	v17 =	vsel vm3, v17, v5  }
0xda: {  	v16 =	vsel vm1, v16, v23;
	v19 =	vsel vm4, v19, v25;
	vm1 =	vle.f32 v21, v14;
	v15 =	vld.idx.msk [tilespmem:v15+s14+$0x0], $0xffff  }
0xdb: {  	v19 =	vsel vm3, v19, v24;
	vm1 =	vmneg vm1;
	vm3 =	vle.f32 v21, v26;
	[tilespmem:s21+$0xFFFFFFE0] =	vst v17  }
0xdc: {  	vm2 =	vmor vm2, vm5;
	vm3 =	vmneg vm3;
	v16 =	vsub.f32 v16, v20  }
0xdd: {  	vm4 =	vmand vm6, vm2;
	vm1 =	vmor vm1, vm3;
	vm3 =	vle.f32 v14, v26;
	v17 =	vld.idx.msk [tilespmem:v12+s2+$0x0], $0xffff  }
0xde: {  	v20 =	vsel vm4, v7, v6;
	vm3 =	vmand vm3, vm1;
	v16 =	vnsel vm0, $0x7149F2CA, v16  }
0xdf: {  	v20 =	vsel vm2, v20, v5;
	v23 =	vsel vm3, v7, v6;
	v24 =	vperm.xlane v16, v5  }
0xe0: {  	v14 =	vsel vm3, v14, v26;
	[tilespmem:s21+$0xFFFF9FF0] =	vst v20;
	v20 =	vsel vm1, v23, v5;
	v23 =	vperm.xlane v16, v6  }
0xe1: {  	v13 =	vsel vm4, v13, v18;
	vm3 =	vle.f32 v24, v16;
	v18 =	vld.idx.msk [tilespmem:v12+s12+$0x0], $0xffff  }
0xe2: {  	v13 =	vsel vm2, v13, v22;
	v14 =	vsel vm1, v14, v21;
	vm1 =	vmneg vm3;
	[tilespmem:s21+$0xFFFFBFF0] =	vst v20  }
0xe3: {  	v15 =	vsub.f32 v19, v15;
	vm2 =	vle.f32 v24, v23;
	vm3 =	vle.f32 v16, v23;
	v19 =	vld.idx.msk [tilespmem:v12+s13+$0x0], $0xffff  }
0xe4: {  	v13 =	vsub.f32 v13, v17;
	vm2 =	vmneg vm2  }
0xe5: {  	v11 =	vadd.s32 v4, v11;
	v17 =	vnsel vm0, $0x7149F2CA, v15;
	vm1 =	vmor vm1, vm2  }
0xe6: {  	v22 =	vperm.xlane v17, v5;
	v25 =	vperm.xlane v17, v6;
	vm2 =	vmand vm3, vm1  }
0xe7: {  	v13 =	vnsel vm0, $0x7149F2CA, v13;
	v14 =	vsub.f32 v14, v18;
	v15 =	vsel vm2, v7, v6  }
0xe8: {  	vm3 =	vle.f32 v22, v25;
	v16 =	vsel vm2, v16, v23;
	vm2 =	vle.f32 v22, v17  }
0xe9: {  	vm2 =	vmneg vm2;
	v26 =	vnsel vm0, $0x7149F2CA, v14;
	v14 =	vsel vm1, v15, v5  }
0xea: {  	vm3 =	vmneg vm3;
	v27 =	vperm.xlane v26, v6;
	[tilespmem:s21+$0xFFFFDFF0] =	vst v14;
	v14 =	vperm.xlane v26, v5  }
0xeb: {  	v15 =	vsel vm1, v16, v24;
	vm3 =	vmor vm2, vm3;
	vm1 =	vle.f32 v17, v25;
	v18 =	vld.idx.msk [tilespmem:v12+s14+$0x0], $0xffff  }
0xec: {  	vm2 =	vmand vm1, vm3;
	vm1 =	vle.f32 v14, v26;
	vm4 =	vle.f32 v14, v27  }
0xed: {  	v12 =	vsub.f32 v15, v19;
	v15 =	vsel vm2, v7, v6;
	vm5 =	vle.f32 v26, v27  }
0xee: {  	v16 =	vsel vm3, v15, v5;
	vm1 =	vmneg vm1;
	vm4 =	vmneg vm4  }
0xef: {  	v20 =	vperm.xlane v13, v5;
	v21 =	vperm.xlane v13, v6;
	v15 =	vnsel vm0, $0x7149F2CA, v12;
	[tilespmem:s21+$0xFFFFFFF0] =	vst v16  }
0xf0: {  	vm1 =	vmor vm1, vm4;
	v12 =	vperm.xlane v15, v5;
	v16 =	vperm.xlane v15, v6;
	v23 =	vld.idx.msk [tilespmem:v11+s2+$0x0], $0xffff  }
0xf1: {  	v17 =	vsel vm2, v17, v25;
	vm2 =	vle.f32 v13, v21;
	vm6 =	vmand vm5, vm1  }
0xf2: {  	v17 =	vsel vm3, v17, v22;
	vm3 =	vle.f32 v20, v13;
	v19 =	vsel vm6, v7, v6  }
.Ltmp0:
0xf3: {  	v17 =	vsub.f32 v17, v18;
	v22 =	vsel vm1, v19, v5;
	vm4 =	vle.f32 v12, v16;
	(pc) =	sbr.rel @p1 .LBB2_2-.Ltmp0, $4  }
0xf4: {  	vm5 =	vmneg vm3;
	vm7 =	vle.f32 v12, v15;
	vm4 =	vmneg vm4  }
0xf5: {  	vm8 =	vle.f32 v20, v21;
	vm3 =	vle.f32 v15, v16;
	v17 =	vnsel vm0, $0x7149F2CA, v17  }
0xf6: {  	vm8 =	vmneg vm8;
	v18 =	vperm.xlane v17, v5;
	v19 =	vperm.xlane v17, v6  }
0xf7: {  	s23 =	sadd.s32 $0x40, s23;
	s26 =	smov.u32 s24;
	vm5 =	vmor vm5, vm8;
	v24 =	vsel vm6, v26, v27;
	vm6 =	vmneg vm7  }
0xf8: {  	vm2 =	vmand vm2, vm5;
	vm11 =	vle.f32 v18, v17;
	vm12 =	vle.f32 v18, v19  }
0xf9: {  	v14 =	vsel vm1, v24, v14;
	vm13 =	vle.f32 v17, v19;
	v25 =	vsel vm2, v7, v6  }
0xfa: {  	v13 =	vsel vm2, v13, v21;
	vm2 =	vmor vm6, vm4;
	vm4 =	vmneg vm11  }
0xfb: {  	v61 =	vsel vm5, v25, v5;
	v13 =	vsel vm5, v13, v20;
	vm3 =	vmand vm3, vm2  }
0xfc: {  	vm5 =	vmneg vm12;
	[tilespmem:s22+$0xFFFFA000] =	vst v61;
	v13 =	vsub.f32 v13, v23;
	v63 =	vsel vm3, v7, v6  }
0xfd: {  	vm1 =	vmor vm4, vm5;
	v15 =	vsel vm3, v15, v16;
	v62 =	vld.idx.msk [tilespmem:v11+s12+$0x0], $0xffff;
	[tilespmem:s22+$0xFFFFC000] =	vst v22;
	v21 =	vsel vm2, v63, v5  }
0xfe: {  	vm3 =	vmand vm13, vm1;
	v12 =	vsel vm2, v15, v12;
	v22 =	vld.idx.msk [tilespmem:v11+s13+$0x0], $0xffff;
	[tilespmem:s22+$0xFFFFE000] =	vst v21;
	v13 =	vnsel vm0, $0x7149F2CA, v13  }
0xff: {  	v15 =	vsel vm3, v7, v6;
	v11 =	vld.idx.msk [tilespmem:v11+s14+$0x0], $0xffff;
	v24 =	vperm.xlane v13, v5;
	v25 =	vperm.xlane v13, v6  }
0x100: {  	v23 =	vsel vm3, v17, v19;
	v15 =	vsel vm1, v15, v5  }
0x101: {  	v16 =	vsel vm1, v23, v18;
	vm1 =	vle.f32 v24, v13;
	vm2 =	vle.f32 v24, v25  }
0x102: {  	[tilespmem:s22+$0x0] =	vst v15;
	v14 =	vsub.f32 v14, v62;
	vm1 =	vmneg vm1;
	vm2 =	vmneg vm2  }
0x103: {  	v15 =	vld.idx.msk [tilespmem:v8+s2+$0x0], $0xffff;
	v12 =	vsub.f32 v12, v22;
	vm1 =	vmor vm1, vm2  }
0x104: {  	vm2 =	vle.f32 v13, v25;
	v14 =	vnsel vm0, $0x7149F2CA, v14;
	v11 =	vsub.f32 v16, v11  }
0x105: {  	vm2 =	vmand vm2, vm1;
	v12 =	vnsel vm0, $0x7149F2CA, v12;
	v26 =	vperm.xlane v14, v5  }
0x106: {  	v27 =	vsel vm2, v7, v6;
	v13 =	vsel vm2, v13, v25;
	v28 =	vperm.xlane v14, v6  }
0x107: {  	v11 =	vnsel vm0, $0x7149F2CA, v11;
	v18 =	vsel vm1, v27, v5;
	v13 =	vsel vm1, v13, v24  }
0x108: {  	v29 =	vperm.xlane v12, v6;
	vm1 =	vle.f32 v26, v14;
	v13 =	vsub.f32 v13, v15  }
0x109: {  	vm2 =	vle.f32 v26, v28;
	v15 =	vperm.xlane v12, v5;
	v31 =	vperm.xlane v11, v5  }
0x10a: {  	v32 =	vperm.xlane v11, v6;
	vm1 =	vmneg vm1;
	vm2 =	vmneg vm2  }
0x10b: {  	v13 =	vnsel vm0, $0x7149F2CA, v13;
	vm1 =	vmor vm1, vm2;
	vm2 =	vle.f32 v14, v28  }
0x10c: {  	[tilespmem:$0xDFD0] =	vst v18;
	vm3 =	vle.f32 v15, v12;
	vm14 =	vle.f32 v15, v29;
	vm15 =	vle.f32 v31, v32  }
0x10d: {  	v18 =	vld.idx.msk [tilespmem:v8+s12+$0x0], $0xffff;
	vm2 =	vmand vm2, vm1;
	vm3 =	vmneg vm3;
	vm4 =	vmneg vm14  }
0x10e: {  	v34 =	vperm.xlane v13, v5;
	v35 =	vperm.xlane v13, v6;
	v14 =	vsel vm2, v14, v28  }
0x10f: {  	v30 =	vsel vm2, v7, v6;
	vm2 =	vmor vm3, vm4;
	vm3 =	vle.f32 v12, v29  }
0x110: {  	vm4 =	vmneg vm15;
	v14 =	vsel vm1, v14, v26;
	v19 =	vsel vm1, v30, v5  }
0x111: {  	vm1 =	vmand vm3, vm2;
	vm3 =	vle.f32 v31, v11;
	vm8 =	vle.f32 v34, v35  }
0x112: {  	v14 =	vsub.f32 v14, v18;
	v33 =	vsel vm1, v7, v6;
	vm3 =	vmneg vm3  }
0x113: {  	v12 =	vsel vm1, v12, v29;
	v18 =	vsel vm2, v33, v5;
	vm1 =	vmor vm3, vm4  }
0x114: {  	[tilespmem:$0xFFD0] =	vst v19;
	vm3 =	vle.f32 v11, v32;
	v12 =	vsel vm2, v12, v15;
	vm2 =	vle.f32 v34, v13  }
0x115: {  	v19 =	vld.idx.msk [tilespmem:v8+s13+$0x0], $0xffff;
	vm4 =	vmneg vm8;
	vm3 =	vmand vm3, vm1;
	v14 =	vnsel vm0, $0x7149F2CA, v14  }
0x116: {  	vm2 =	vmneg vm2;
	v15 =	vsel vm3, v7, v6;
	v11 =	vsel vm3, v11, v32  }
0x117: {  	[tilespmem:$0x11FD0] =	vst v18;
	vm2 =	vmor vm2, vm4;
	vm3 =	vle.f32 v13, v35;
	v37 =	vperm.xlane v14, v5  }
0x118: {  	v18 =	vld.idx.msk [tilespmem:v8+s14+$0x0], $0xffff;
	v15 =	vsel vm1, v15, v5;
	v11 =	vsel vm1, v11, v31;
	vm1 =	vmand vm3, vm2  }
0x119: {  	v38 =	vperm.xlane v14, v6;
	v36 =	vsel vm1, v7, v6  }
0x11a: {  	[tilespmem:$0x13FD0] =	vst v15;
	v13 =	vsel vm1, v13, v35;
	vm1 =	vle.f32 v37, v14;
	v12 =	vsub.f32 v12, v19  }
0x11b: {  	v15 =	vld.idx.msk [tilespmem:v9+s2+$0x0], $0xffff;
	v16 =	vsel vm2, v36, v5;
	v13 =	vsel vm2, v13, v34;
	vm2 =	vle.f32 v37, v38  }
0x11c: {  	vm1 =	vmneg vm1;
	vm2 =	vmneg vm2;
	v12 =	vnsel vm0, $0x7149F2CA, v12  }
0x11d: {  	v11 =	vsub.f32 v11, v18;
	vm1 =	vmor vm1, vm2;
	vm2 =	vle.f32 v14, v38  }
0x11e: {  	vm2 =	vmand vm2, vm1;
	v39 =	vperm.xlane v12, v5;
	v41 =	vperm.xlane v12, v6  }
0x11f: {  	v11 =	vnsel vm0, $0x7149F2CA, v11;
	v40 =	vsel vm2, v7, v6;
	v14 =	vsel vm2, v14, v38  }
0x120: {  	[tilespmem:$0xDFE0] =	vst v16;
	v13 =	vsub.f32 v13, v15;
	v17 =	vsel vm1, v40, v5;
	v14 =	vsel vm1, v14, v37  }
0x121: {  	v15 =	vld.idx.msk [tilespmem:v9+s12+$0x0], $0xffff;
	vm1 =	vle.f32 v39, v12;
	vm2 =	vle.f32 v39, v41;
	v42 =	vperm.xlane v11, v5  }
0x122: {  	v43 =	vperm.xlane v11, v6;
	vm1 =	vmneg vm1;
	vm2 =	vmneg vm2  }
0x123: {  	v13 =	vnsel vm0, $0x7149F2CA, v13;
	vm1 =	vmor vm1, vm2;
	vm2 =	vle.f32 v12, v41  }
0x124: {  	vm3 =	vle.f32 v42, v11;
	vm9 =	vle.f32 v42, v43;
	vm10 =	vle.f32 v11, v43  }
0x125: {  	[tilespmem:$0xFFE0] =	vst v17;
	vm2 =	vmand vm2, vm1;
	vm3 =	vmneg vm3;
	vm4 =	vmneg vm9  }
0x126: {  	v45 =	vperm.xlane v13, v5;
	v46 =	vperm.xlane v13, v6;
	v14 =	vsub.f32 v14, v15;
	v15 =	vld.idx.msk [tilespmem:v9+s13+$0x0], $0xffff  }
0x127: {  	v12 =	vsel vm2, v12, v41;
	vm3 =	vmor vm3, vm4;
	v44 =	vsel vm2, v7, v6  }
0x128: {  	v12 =	vsel vm1, v12, v39;
	vm2 =	vmand vm10, vm3;
	v16 =	vsel vm1, v44, v5  }
0x129: {  	vm1 =	vle.f32 v45, v13;
	[tilespmem:$0x11FE0] =	vst v16;
	v11 =	vsel vm2, v11, v43;
	v14 =	vnsel vm0, $0x7149F2CA, v14  }
0x12a: {  	vm1 =	vmneg vm1;
	v16 =	vld.idx.msk [tilespmem:v9+s14+$0x0], $0xffff;
	v47 =	vperm.xlane v14, v5;
	v48 =	vperm.xlane v14, v6  }
0x12b: {  	v11 =	vsel vm3, v11, v42;
	v12 =	vsub.f32 v12, v15;
	v15 =	vsel vm2, v7, v6  }
0x12c: {  	vm2 =	vle.f32 v45, v46;
	vm11 =	vle.f32 v47, v48;
	vm12 =	vle.f32 v14, v48  }
0x12d: {  	v15 =	vsel vm3, v15, v5;
	vm2 =	vmneg vm2;
	vm4 =	vmneg vm11  }
0x12e: {  	v12 =	vnsel vm0, $0x7149F2CA, v12;
	vm1 =	vmor vm1, vm2;
	vm2 =	vle.f32 v13, v46  }
0x12f: {  	v11 =	vsub.f32 v11, v16;
	vm3 =	vmand vm2, vm1;
	vm2 =	vle.f32 v47, v14  }
0x130: {  	v50 =	vperm.xlane v12, v5;
	v51 =	vperm.xlane v12, v6;
	v49 =	vsel vm3, v7, v6  }
0x131: {  	vm2 =	vmneg vm2;
	v11 =	vnsel vm0, $0x7149F2CA, v11;
	v13 =	vsel vm3, v13, v46  }
0x132: {  	v52 =	vsel vm1, v49, v5;
	vm13 =	vle.f32 v50, v12;
	vm14 =	vle.f32 v50, v51  }
0x133: {  	[tilespmem:$0x13FE0] =	vst v15;
	vm2 =	vmor vm2, vm4;
	vm5 =	vmneg vm13;
	vm6 =	vmneg vm14  }
0x134: {  	v15 =	vld.idx.msk [tilespmem:v10+s2+$0x0], $0xffff;
	vm15 =	vle.f32 v12, v51;
	vm4 =	vmand vm12, vm2;
	vm5 =	vmor vm5, vm6  }
0x135: {  	v56 =	vperm.xlane v11, v5;
	v53 =	vsel vm4, v7, v6;
	vm6 =	vmand vm15, vm5  }
0x136: {  	v57 =	vperm.xlane v11, v6;
	[tilespmem:$0xDFF0] =	vst v52;
	v16 =	vsel vm2, v53, v5;
	v55 =	vsel vm6, v7, v6  }
0x137: {  	v13 =	vsel vm1, v13, v45;
	v54 =	vld.idx.msk [tilespmem:v10+s12+$0x0], $0xffff;
	[tilespmem:$0xFFF0] =	vst v16;
	v16 =	vsel vm5, v55, v5  }
0x138: {  	vm1 =	vle.f32 v56, v11;
	vm3 =	vle.f32 v56, v57;
	v58 =	vld.idx.msk [tilespmem:v10+s13+$0x0], $0xffff;
	[tilespmem:$0x11FF0] =	vst v16  }
0x139: {  	v13 =	vsub.f32 v13, v15;
	vm1 =	vmneg vm1;
	vm3 =	vmneg vm3;
	v15 =	vld.idx.msk [tilespmem:v10+s14+$0x0], $0xffff  }
0x13a: {  	v14 =	vsel vm4, v14, v48;
	vm1 =	vmor vm1, vm3;
	vm3 =	vle.f32 v11, v57  }
0x13b: {  	v14 =	vsel vm2, v14, v47;
	v12 =	vsel vm6, v12, v51;
	vm2 =	vmand vm3, vm1  }
0x13c: {  	v12 =	vsel vm5, v12, v50;
	v11 =	vsel vm2, v11, v57;
	v14 =	vsub.f32 v14, v54  }
0x13d: {  	v13 =	vnsel vm0, $0x7149F2CA, v13;
	v11 =	vsel vm1, v11, v56;
	v12 =	vsub.f32 v12, v58  }
0x13e: {  	(xrf0) =	vmin.scan.msk.f32 $0xffff, v13;
	v14 =	vnsel vm0, $0x7149F2CA, v14;
	v11 =	vsub.f32 v11, v15  }
0x13f: {  	(xrf0) =	vmin.scan.msk.f32 $0xffff, v14;
	v12 =	vnsel vm0, $0x7149F2CA, v12  }
0x140: {  	(xrf0) =	vmin.scan.msk.f32 $0xffff, v12;
	v11 =	vnsel vm0, $0x7149F2CA, v11  }
0x141: {  	(xrf0) =	vmin.scan.msk.f32 $0xffff, v11;
	_ =	sdelay $0x2  }
0x142: {  	v15, _, _ =	vpop (xrf0)  }
0x143: {  	v59, _, _ =	vpop (xrf0)  }
0x144: {  	v15 =	vbroadcast v15, $0xF;
	v60, _, _ =	vpop (xrf0)  }
0x145: {  	v61 =	vsel vm2, v7, v6;
	v16 =	vbroadcast v59, $0xF;
	v62, _, _ =	vpop (xrf0)  }
0x146: {  	vm2 =	veq.f32 v13, v15;
	v15 =	vbroadcast v60, $0xF;
	v63 =	vbroadcast v62, $0xF  }
0x147: {  	v18 =	vsel vm1, v61, v5;
	v13 =	vmctz.xlane vm2;
	vm1 =	veq.f32 v14, v16  }
0x148: {  	v14 =	vmctz.xlane vm1;
	vm1 =	veq.f32 v12, v15;
	vm2 =	veq.f32 v11, v63  }
0x149: {  	s21 =	simm.s32 $0xFFFFFFFC;
	s23 =	simm.s32 $0x7FF;
	s22 =	simm.s32 $0x5FC0;
	[tilespmem:$0x13FF0] =	vst v18;
	v12 =	vmctz.xlane vm1;
	v11 =	vmctz.xlane vm2  }
.LBB2_4:
0x14a: {  	s24 =	sadd.s32 $0xFFFFFA00, s23  }
0x14b: {  	s25 =	sadd.s32 $0xFFFFC030, s22;
	s26 =	sadd.s32 $0xFFFFFC00, s23;
	v15 =	vmov s24  }
0x14c: {  	v16 =	vadd.s32 s25, v13;
	v17 =	vmov s26  }
0x14d: {  	s28 =	sadd.s32 $0xFFFFE030, s22;
	s29 =	sadd.s32 $0xFFFFFE00, s23  }
0x14e: {  	v19 =	vmov s29;
	v18 =	vadd.s32 s28, v14  }
0x14f: {  	s30 =	sadd.s32 $0x30, s22;
	v13 =	vadd.s32 v0, v13  }
0x150: {  	v45 =	vmov s23;
	s31 =	sadd.s32 $0x2030, s22;
	s25 =	sadd.s32 $0xFFFFF9FF, s23;
	v14 =	vadd.s32 v1, v14;
	[tilespmem:v15+s15+$0x0] =	vst.idx.msk $0x1, v13;
	v13 =	vadd.s32 s30, v12  }
0x151: {  	v46 =	vmov s25;
	v15 =	vld.idx.msk [tilespmem:v16+s16+$0x0], $0xffff;
	[tilespmem:v17+s15+$0x0] =	vst.idx.msk $0x1, v14;
	v14 =	vadd.s32 s31, v11  }
0x152: {  	v12 =	vadd.s32 v2, v12;
	v17 =	vand.u32 $0xFFFFFFFE, v46  }
0x153: {  	s26 =	sadd.s32 $0xFFFFFBFF, s23;
	v18 =	vld.idx.msk [tilespmem:v18+s16+$0x0], $0xffff;
	[tilespmem:v19+s15+$0x0] =	vst.idx.msk $0x1, v12;
	v12 =	vbroadcast v17, $0x0  }
0x154: {  	s29 =	sadd.s32 $0xFFFFFDFF, s23;
	v47 =	vmov s26;
	v11 =	vadd.s32 v3, v11  }
0x155: {  	s28 =	sadd.s32 $0xFFFFC020, s22;
	v49 =	vmov s29;
	v17 =	vand.u32 $0xFFFFFFFE, v47;
	v13 =	vld.idx.msk [tilespmem:v13+s16+$0x0], $0xffff;
	[tilespmem:v45+s15+$0x0] =	vst.idx.msk $0x1, v11  }
0x156: {  	s31 =	sadd.s32 $0xFFFFFFFF, s23;
	v48 =	vbroadcast v17, $0x0;
	v17 =	vand.u32 $0xFFFFFFFE, v49;
	v11 =	vadd.s32 s28, v15;
	v14 =	vld.idx.msk [tilespmem:v14+s16+$0x0], $0xffff  }
0x157: {  	s30 =	sadd.s32 $0xFFFFE020, s22;
	v20 =	vmov s31;
	v17 =	vbroadcast v17, $0x0  }
0x158: {  	v20 =	vand.u32 $0xFFFFFFFE, v20;
	v15 =	vadd.s32 v0, v15;
	v50 =	vadd.s32 s30, v18  }
0x159: {  	s25 =	sadd.s32 $0x20, s22;
	[tilespmem:v12+s15+$0x0] =	vst.idx.msk $0x1, v15;
	v15 =	vbroadcast v20, $0x0  }
0x15a: {  	s26 =	sadd.s32 $0x2020, s22;
	s28 =	sadd.s32 $0xFFFFF9FE, s23;
	v12 =	vadd.s32 s25, v13  }
0x15b: {  	v18 =	vadd.s32 v1, v18;
	v52 =	vmov s28;
	v11 =	vld.idx.msk [tilespmem:v11+s16+$0x0], $0xffff;
	v51 =	vadd.s32 s26, v14  }
0x15c: {  	s29 =	sadd.s32 $0xFFFFFBFE, s23;
	v13 =	vadd.s32 v2, v13;
	[tilespmem:v48+s15+$0x0] =	vst.idx.msk $0x1, v18;
	v18 =	vand.u32 $0xFFFFFFFD, v52  }
0x15d: {  	v53 =	vmov s29;
	v19 =	vld.idx.msk [tilespmem:v50+s16+$0x0], $0xffff;
	[tilespmem:v17+s15+$0x0] =	vst.idx.msk $0x1, v13;
	v13 =	vbroadcast v18, $0x0  }
0x15e: {  	v14 =	vadd.s32 v3, v14;
	v17 =	vand.u32 $0xFFFFFFFD, v53  }
0x15f: {  	s31 =	sadd.s32 $0xFFFFFDFE, s23;
	s30 =	sadd.s32 $0xFFFFC010, s22;
	v12 =	vld.idx.msk [tilespmem:v12+s16+$0x0], $0xffff;
	[tilespmem:v15+s15+$0x0] =	vst.idx.msk $0x1, v14;
	v15 =	vbroadcast v17, $0x0  }
0x160: {  	v54 =	vmov s31;
	s28 =	sadd.s32 $0xFFFFFFFE, s23;
	v14 =	vadd.s32 s30, v11;
	v16 =	vld.idx.msk [tilespmem:v51+s16+$0x0], $0xffff  }
0x161: {  	v56 =	vmov s28;
	v17 =	vand.u32 $0xFFFFFFFD, v54  }
0x162: {  	v20 =	vand.u32 $0xFFFFFFFD, v56;
	s26 =	sadd.s32 $0xFFFFE010, s22;
	v17 =	vbroadcast v17, $0x0;
	v11 =	vadd.s32 v0, v11  }
0x163: {  	s29 =	sadd.s32 $0x10, s22;
	v55 =	vadd.s32 s26, v19;
	[tilespmem:v13+s15+$0x0] =	vst.idx.msk $0x1, v11;
	v13 =	vbroadcast v20, $0x0  }
0x164: {  	s30 =	sadd.s32 $0x2010, s22;
	v19 =	vadd.s32 v1, v19;
	v11 =	vadd.s32 s29, v12  }
0x165: {  	s31 =	sadd.s32 $0xFFFFF9FD, s23;
	v14 =	vld.idx.msk [tilespmem:v14+s16+$0x0], $0xffff;
	[tilespmem:v15+s15+$0x0] =	vst.idx.msk $0x1, v19;
	v15 =	vadd.s32 s30, v16  }
0x166: {  	v57 =	vmov s31  }
0x167: {  	v12 =	vadd.s32 v2, v12;
	v19 =	vand.u32 $0xFFFFFFFC, v57  }
0x168: {  	s25 =	sadd.s32 $0xFFFFFBFD, s23;
	v16 =	vadd.s32 v3, v16;
	v18 =	vld.idx.msk [tilespmem:v55+s16+$0x0], $0xffff;
	[tilespmem:v17+s15+$0x0] =	vst.idx.msk $0x1, v12;
	v12 =	vbroadcast v19, $0x0  }
0x169: {  	s28 =	sadd.s32 $0xFFFFFDFD, s23;
	v58 =	vmov s25;
	v11 =	vld.idx.msk [tilespmem:v11+s16+$0x0], $0xffff;
	[tilespmem:v13+s15+$0x0] =	vst.idx.msk $0x1, v16  }
0x16a: {  	v60 =	vmov s28;
	s30 =	sadd.s32 $0xFFFFFFFD, s23;
	v17 =	vand.u32 $0xFFFFFFFC, v58;
	v15 =	vld.idx.msk [tilespmem:v15+s16+$0x0], $0xffff  }
0x16b: {  	s26 =	sadd.s32 $0xFFFFC000, s22;
	v62 =	vmov s30;
	v59 =	vbroadcast v17, $0x0;
	v17 =	vand.u32 $0xFFFFFFFC, v60  }
0x16c: {  	s29 =	sadd.s32 $0xFFFFE000, s22;
	v20 =	vand.u32 $0xFFFFFFFC, v62;
	v17 =	vbroadcast v17, $0x0;
	v13 =	vadd.s32 s26, v14  }
0x16d: {  	v20 =	vbroadcast v20, $0x0;
	v14 =	vadd.s32 v0, v14;
	v61 =	vadd.s32 s29, v18  }
0x16e: {  	s21 =	sadd.s32 $0x4, s21;
	s31 =	sadd.s32 $0x2000, s22;
	[tilespmem:v12+s15+$0x0] =	vst.idx.msk $0x1, v14;
	v12 =	vadd.s32 s22, v11  }
0x16f: {  	p1 =	slt.u32 s21, $0x1FC;
	v63 =	vadd.s32 s31, v15  }
.Ltmp1:
0x170: {  	v14 =	vadd.s32 v1, v18;
	(pc) =	sbr.rel @p1 .LBB2_4-.Ltmp1, $4  }
0x171: {  	v11 =	vadd.s32 v2, v11;
	v13 =	vld.idx.msk [tilespmem:v13+s16+$0x0], $0xffff;
	[tilespmem:v59+s15+$0x0] =	vst.idx.msk $0x1, v14  }
0x172: {  	v14 =	vld.idx.msk [tilespmem:v61+s16+$0x0], $0xffff;
	[tilespmem:v17+s15+$0x0] =	vst.idx.msk $0x1, v11;
	v11 =	vadd.s32 v3, v15  }
0x173: {  	v12 =	vld.idx.msk [tilespmem:v12+s16+$0x0], $0xffff;
	[tilespmem:v20+s15+$0x0] =	vst.idx.msk $0x1, v11  }
0x174: {  	s23 =	sadd.s32 $0xFFFFFFFC, s23;
	s22 =	sadd.s32 $0xFFFFFFC0, s22;
	v11 =	vld.idx.msk [tilespmem:v63+s16+$0x0], $0xffff  }
0x175: {  	[hbm4b:s7+s2] =	stream.linear.scatter [tilespmem:s15], [sflag:$0x1], $0x200, $0x38;
	[tilespmem:$0x14800] =	vst v63  }
0x176: {  	_ =	swait.ge [sflag:s17], $0x200  }
0x177: {  	[sflag:s17] =	ssyncset.done $0x0  }
0x178: {  	[sflag:s17] =	ssyncadd.s32 $0xFFFFFE00  }
0x179: {  	[hbm4b:s8+s2] =	stream.linear.scatter [tilespmem:s18], [sflag:$0x1], $0x200, $0x38;
	[tilespmem:$0x14800] =	vst v63  }
0x17a: {  	_ =	swait.ge [sflag:s17], $0x200  }
0x17b: {  	[sflag:s17] =	ssyncset.done $0x0  }
0x17c: {  	[sflag:s17] =	ssyncadd.s32 $0xFFFFFE00  }
0x17d: {  	[hbm4b:s9+s2] =	stream.linear.scatter [tilespmem:s19], [sflag:$0x1], $0x200, $0x38;
	[tilespmem:$0x14800] =	vst v63  }
0x17e: {  	_ =	swait.ge [sflag:s17], $0x200  }
0x17f: {  	s21 =	simm.s32 @!p0 $0x0;
	s20 =	sadd.s32 $0x1, s20;
	[sflag:s17] =	ssyncset.done $0x0  }
0x180: {  	s22 =	simm.s32 @!p0 $0x14600;
	p1 =	sne.s32 s20, s11;
	[sflag:s17] =	ssyncadd.s32 $0xFFFFFE00  }
0x181: {  	[hbm4b:s10+s21] =	stream.linear.scatter @!p0 [tilespmem:s22], [sflag:$0x1], $0x200, $0x38;
	[tilespmem:$0x14800] =	vst v63  }
.Ltmp2:
0x182: {  	_ = 	snop;
	(pc) =	sbr.rel @p1 .LBB2_1-.Ltmp2, $4  }
0x183: {  	s21 =	simm.s32 @!p0 $0x1  }
0x184: {  	_ =	swait.ge @!p0 [sflag:s21], $0x200  }
0x185: {  	[sflag:s21] =	ssyncset.done @!p0 $0x0  }
0x186: {  	[sflag:s21] =	ssyncadd.s32 @!p0 $0xFFFFFE00  }
0x187: {  	_ =	sfence.sel $0x180000  }
0x188: {  	[bflag:$0x0] =	sbarrier.arrive $0xFFFF  }
0x189: {  	p0 =	sne.s32 s0, $0x0;
	_ =	strace $0x90000047  }
0x18a: {  	s0 =	sadd.s32 @!p0 $0x100000, s1;
	[bflag:$0x2] =	sbarrier.arrive $0xFFFF  }
0x18b: {  	[sflag:s0] =	ssyncadd.tile.s32 @!p0 $0x1;
	_ =	shalt  }
.Lfunc_end2:
_tile_overlayer_lowered:
.L_overlay_start_2:
0x18c: {  	(tag) =	ssettag $0x2  }
0x18d: {  	s0 =	rddreg [dreg:$0x0];
	s2 =	stileid.u32  }
0x18e: {  	s1 =	rddreg [dreg:$0x1];
	p0 =	sne.s32 s2, $0x0  }
0x18f: {  	s3 =	rddreg [dreg:$0x2];
	[bflag:$0x3] =	sbarrier.arrive $0xFFFF;
	s2 =	simm.s32 @!p0 $0x1C01  }
0x190: {  	[timem:s3], [sflag:s2] =	dma.local @!p0 [hbm:s0], s1  }
0x191: {  	s0 =	simm.s32 @!p0 $0x1  }
0x192: {  	_ =	swait.ge @!p0 [sflag:s0], s1  }
0x193: {  	s1 =	ssub.s32 @!p0 $0x0, s1;
	[sflag:s0] =	ssyncset.done @!p0 $0x0  }
0x194: {  	[sflag:s0] =	ssyncadd.s32 @!p0 s1  }
0x195: {  	[bflag:$0x3] =	sbarrier.arrive $0xFFFF  }
0x196: {  	_ =	shalt  }

</sc_bundles>
